<compile_context>
chip_gen: v7x
topology: tpu7x:2x2x1
jax: 0.10.2.dev20260603
libtpu: 0.0.44.dev20260713+nightly
codegen_flags: <defaults>
</compile_context>

<pallas_src>
import jax
import jax.numpy as jnp
from jax import lax
from jax.experimental import pallas as pl
from jax.experimental.pallas import tpu as pltpu
from jax.experimental.pallas import tpu_sc as plsc

_VOCAB = 100000
_BATCH = 1024
_SEQ = 20
_PAD = 1

_NC = 2
_NS = 16
_NW = _NC * _NS
_ROWS_W = _BATCH // _NW
_TOK_W = _ROWS_W * _SEQ
_CHUNK = 128
_NCHUNK = _TOK_W // _CHUNK
_LANES = 16
_ZWORDS = 100000
_SLICE = _ROWS_W * _VOCAB
_NZDMA = _SLICE // _ZWORDS


def _sc_body(ids_hbm, rl_hbm, w_hbm, out_hbm, iv2, rl_v, w_v, val_v,
             fidx_v, zero_v, gsem, zsem, ssem):
    wid = lax.axis_index("s") * _NC + lax.axis_index("c")
    base_elem = wid * _SLICE

    pltpu.sync_copy(ids_hbm.at[wid], iv2)
    pltpu.sync_copy(rl_hbm, rl_v)

    gathers = [
        pltpu.async_copy(w_hbm.at[iv2.at[j]], w_v.at[j], gsem)
        for j in range(_NCHUNK)
    ]

    def _zinit(i, _):
        zero_v[pl.ds(i * _LANES, _LANES)] = jnp.zeros((_LANES,), jnp.float32)
        return 0

    lax.fori_loop(0, _ZWORDS // _LANES, _zinit, 0)
    zeros_out = [
        pltpu.async_copy(
            zero_v, out_hbm.at[pl.ds(base_elem + k * _ZWORDS, _ZWORDS)], zsem)
        for k in range(_NZDMA)
    ]

    for g in gathers:
        g.wait()

    for j in range(_NCHUNK):
        for i in range(_CHUNK // _LANES):
            sl = pl.ds(i * _LANES, _LANES)
            idv = iv2[j, sl]
            wv = w_v[j, sl]
            row = rl_v[j, sl]
            fidx_v[j, sl] = base_elem + row * _VOCAB + idv
            val_v[j, sl] = jnp.where(idv == _PAD, jnp.float32(0.0), wv)

    for z in zeros_out:
        z.wait()

    scatters = [
        pltpu.async_copy(val_v.at[j], out_hbm.at[fidx_v.at[j]], ssem)
        for j in range(_NCHUNK)
    ]
    for s in scatters:
        s.wait()


@jax.jit
def _encode(ids_grouped, row_of_token, weights):
    mesh = plsc.VectorSubcoreMesh(core_axis_name="c", subcore_axis_name="s")
    run = pl.kernel(
        _sc_body,
        out_type=jax.ShapeDtypeStruct((_BATCH * _VOCAB,), jnp.float32),
        mesh=mesh,
        scratch_types=[
            pltpu.VMEM((_NCHUNK, _CHUNK), jnp.int32),
            pltpu.VMEM((_NCHUNK, _CHUNK), jnp.int32),
            pltpu.VMEM((_NCHUNK, _CHUNK), jnp.float32),
            pltpu.VMEM((_NCHUNK, _CHUNK), jnp.float32),
            pltpu.VMEM((_NCHUNK, _CHUNK), jnp.int32),
            pltpu.VMEM((_ZWORDS,), jnp.float32),
            pltpu.SemaphoreType.DMA,
            pltpu.SemaphoreType.DMA,
            pltpu.SemaphoreType.DMA,
        ],
    )
    return run(ids_grouped, row_of_token, weights)


def kernel(input_ids, weights):
    ids_grouped = input_ids.astype(jnp.int32).reshape(_NW, _NCHUNK, _CHUNK)
    row_of_token = (
        jnp.arange(_TOK_W, dtype=jnp.int32) // _SEQ
    ).reshape(_NCHUNK, _CHUNK)
    out_flat = _encode(ids_grouped, row_of_token, weights)
    return out_flat.reshape(_BATCH, _VOCAB)

# --- scband reference (transcript-rebuilt; emitter-appended) ---
"""Pipeline reference for scband-query-encoder-1185410973872 (READ-ONLY COPY).

The authoritative reference and input builder live on the scoring server;
editing this copy changes nothing except your own understanding.
"""

import jax, jax.numpy as jnp
import numpy as np

VOCAB_SIZE = 100000
BATCH = 1024
SEQ_LEN = 20
PAD_TOKEN = 1


def setup_inputs(seed: int = 0) -> dict:
    key = jax.random.key(seed)
    k1, k2 = jax.random.split(key)
    input_ids = jax.random.randint(k1, (BATCH, SEQ_LEN), 0, VOCAB_SIZE, dtype=jnp.int64 if jax.config.jax_enable_x64 else jnp.int32)
    weights = jax.random.normal(k2, (VOCAB_SIZE,), dtype=jnp.float32)
    return {"input_ids": input_ids, "weights": weights}


def reference(input_ids, weights):
    # Faithful translation of: F.one_hot(queries, vocab).max(-2)[0]
    # one_hot over [B, L] -> [B, L, V]; max over L -> [B, V].
    # Equivalent math via scatter-max (avoids materializing the [B, L, V] tensor):
    B, L = input_ids.shape
    rows = jnp.repeat(jnp.arange(B), L)
    cols = input_ids.reshape(-1)
    query_hot = jnp.zeros((B, VOCAB_SIZE), dtype=jnp.float32).at[rows, cols].max(1.0)
    # query_hot[:, PAD_TOKEN] = 0
    query_hot = query_hot.at[:, PAD_TOKEN].set(0.0)
    # torch.mul(self.weights, query_hot) -- weights [V] broadcasts over [B, V]
    encoded = weights * query_hot
    return encoded

if __name__ == "__main__":
    import jax
    _d = setup_inputs()
    print(jax.jit(kernel)(*tuple(_d.values())))

</pallas_src>

<mosaic_0001>
#map = affine_map<(d0, d1) -> (0, 0, 0)>
#map1 = affine_map<(d0, d1) -> (0, 0)>
#map2 = affine_map<(d0, d1) -> (0)>
module attributes {stable_mosaic.version = 14 : i64} {
  func.func @_sc_body(%arg0: i32, %arg1: i32, %arg2: memref<32x5x128xi32, #tpu.memory_space<hbm>>, %arg3: memref<5x128xi32, #tpu.memory_space<hbm>>, %arg4: memref<100000xf32, #tpu.memory_space<hbm>>, %arg5: memref<102400000xf32, #tpu.memory_space<hbm>>, %arg6: memref<5x128xi32, #tpu.memory_space<vmem>>, %arg7: memref<5x128xi32, #tpu.memory_space<vmem>>, %arg8: memref<5x128xf32, #tpu.memory_space<vmem>>, %arg9: memref<5x128xf32, #tpu.memory_space<vmem>>, %arg10: memref<5x128xi32, #tpu.memory_space<vmem>>, %arg11: memref<100000xf32, #tpu.memory_space<vmem>>, %arg12: memref<!tpu.dma_semaphore, #tpu.memory_space<semaphore_mem>>, %arg13: memref<!tpu.dma_semaphore, #tpu.memory_space<semaphore_mem>>, %arg14: memref<!tpu.dma_semaphore, #tpu.memory_space<semaphore_mem>>) attributes {dimension_semantics = [#tpu.dimension_semantics<core_parallel>, #tpu.dimension_semantics<subcore_parallel>], iteration_bounds = array<i64: 2, 16>, scalar_prefetch = 0 : i64, scratch_operands = 9 : i64, tpu.core_type = #tpu.core_type<sc_vector_subcore>, window_params = [{transform_indices = #map}, {transform_indices = #map1}, {transform_indices = #map2}, {transform_indices = #map2}]} {
    %mul3A = arith.constant 2 : i32
    %mul3A_0 = arith.muli %arg1, %mul3A : i32
    %add3A = arith.addi %mul3A_0, %arg0 : i32
    %mul3A_1 = arith.constant 3200000 : i32
    %mul3A_2 = arith.muli %add3A, %mul3A_1 : i32
    "tpu.region"() ({
      %run_scoped3A = tpu.sem_alloc : memref<!tpu.dma_semaphore, #tpu.memory_space<semaphore_mem>>
      %dma_start3A_1953 = arith.constant 0 : i32
      %dma_start3A_1954 = arith.constant 0 : i32
      %dma_start3A_1955 = tpu.memref_slice %arg2[%add3A, %dma_start3A_1953, %dma_start3A_1954] : memref<32x5x128xi32, #tpu.memory_space<hbm>> -> memref<1x5x128xi32, #tpu.memory_space<hbm>>
      %dma_start3A_1956 = tpu.memref_squeeze %dma_start3A_1955 : memref<1x5x128xi32, #tpu.memory_space<hbm>> -> memref<5x128xi32, #tpu.memory_space<hbm>>
      %dma_start3A_1957 = arith.constant 0 : i32
      %dma_start3A_1958 = arith.constant 0 : i32
      %dma_start3A_1959 = tpu.memref_slice %arg2[%add3A, %dma_start3A_1957, %dma_start3A_1958] : memref<32x5x128xi32, #tpu.memory_space<hbm>> -> memref<1x5x128xi32, #tpu.memory_space<hbm>>
      %dma_start3A_1960 = tpu.memref_squeeze %dma_start3A_1959 : memref<1x5x128xi32, #tpu.memory_space<hbm>> -> memref<5x128xi32, #tpu.memory_space<hbm>>
      tpu.enqueue_dma source(%dma_start3A_1960 : memref<5x128xi32, #tpu.memory_space<hbm>>) target(%arg6 : memref<5x128xi32, #tpu.memory_space<vmem>>) target_semaphore(%run_scoped3A : memref<!tpu.dma_semaphore, #tpu.memory_space<semaphore_mem>>)
      %dma_wait3A_1961 = arith.constant 0 : i32
      %dma_wait3A_1962 = arith.constant 0 : i32
      %dma_wait3A_1963 = tpu.memref_slice %arg2[%add3A, %dma_wait3A_1961, %dma_wait3A_1962] : memref<32x5x128xi32, #tpu.memory_space<hbm>> -> memref<1x5x128xi32, #tpu.memory_space<hbm>>
      %dma_wait3A_1964 = tpu.memref_squeeze %dma_wait3A_1963 : memref<1x5x128xi32, #tpu.memory_space<hbm>> -> memref<5x128xi32, #tpu.memory_space<hbm>>
      %dma_wait3A_1965 = arith.constant 0 : i32
      %dma_wait3A_1966 = arith.constant 0 : i32
      %dma_wait3A_1967 = tpu.memref_slice %arg2[%add3A, %dma_wait3A_1965, %dma_wait3A_1966] : memref<32x5x128xi32, #tpu.memory_space<hbm>> -> memref<1x5x128xi32, #tpu.memory_space<hbm>>
      %dma_wait3A_1968 = tpu.memref_squeeze %dma_wait3A_1967 : memref<1x5x128xi32, #tpu.memory_space<hbm>> -> memref<5x128xi32, #tpu.memory_space<hbm>>
      tpu.wait_dma2 semaphore(%run_scoped3A : memref<!tpu.dma_semaphore, #tpu.memory_space<semaphore_mem>>) src(%dma_wait3A_1968 : memref<5x128xi32, #tpu.memory_space<hbm>>) dst(%arg6 : memref<5x128xi32, #tpu.memory_space<vmem>>)
      tpu.yield
    }) : () -> ()
    "tpu.region"() ({
      %run_scoped3A = tpu.sem_alloc : memref<!tpu.dma_semaphore, #tpu.memory_space<semaphore_mem>>
      tpu.enqueue_dma source(%arg3 : memref<5x128xi32, #tpu.memory_space<hbm>>) target(%arg7 : memref<5x128xi32, #tpu.memory_space<vmem>>) target_semaphore(%run_scoped3A : memref<!tpu.dma_semaphore, #tpu.memory_space<semaphore_mem>>)
      tpu.wait_dma2 semaphore(%run_scoped3A : memref<!tpu.dma_semaphore, #tpu.memory_space<semaphore_mem>>) src(%arg3 : memref<5x128xi32, #tpu.memory_space<hbm>>) dst(%arg7 : memref<5x128xi32, #tpu.memory_space<vmem>>)
      tpu.yield
    }) : () -> ()
    %dma_start3A = arith.constant 0 : i32
    %dma_start3A_3 = arith.constant 0 : i32
    %dma_start3A_4 = arith.constant 0 : i32
    %dma_start3A_5 = tpu.memref_slice %arg8[%dma_start3A_3, %dma_start3A_4] : memref<5x128xf32, #tpu.memory_space<vmem>> -> memref<1x128xf32, #tpu.memory_space<vmem>>
    %dma_start3A_6 = tpu.memref_squeeze %dma_start3A_5 : memref<1x128xf32, #tpu.memory_space<vmem>> -> memref<128xf32, #tpu.memory_space<vmem>>
    %dma_start3A_7 = arith.constant 0 : i32
    %dma_start3A_8 = tpu.memref_slice %arg6[%dma_start3A, %dma_start3A_7] : memref<5x128xi32, #tpu.memory_space<vmem>> -> memref<1x128xi32, #tpu.memory_space<vmem>>
    %dma_start3A_9 = tpu.memref_squeeze %dma_start3A_8 : memref<1x128xi32, #tpu.memory_space<vmem>> -> memref<128xi32, #tpu.memory_space<vmem>>
    %dma_start3A_10 = arith.constant 0 : i32
    %dma_start3A_11 = tpu.memref_slice %arg4[%dma_start3A_10] : memref<100000xf32, #tpu.memory_space<hbm>> -> memref<100000xf32, #tpu.memory_space<hbm>>
    tpu.enqueue_indirect_dma source(%dma_start3A_11 : memref<100000xf32, #tpu.memory_space<hbm>>) target(%dma_start3A_6 : memref<128xf32, #tpu.memory_space<vmem>>) offsets(%dma_start3A_9 : memref<128xi32, #tpu.memory_space<vmem>>) semaphore(%arg12 : memref<!tpu.dma_semaphore, #tpu.memory_space<semaphore_mem>>)
    %dma_start3A_12 = arith.constant 1 : i32
    %dma_start3A_13 = arith.constant 1 : i32
    %dma_start3A_14 = arith.constant 0 : i32
    %dma_start3A_15 = tpu.memref_slice %arg8[%dma_start3A_13, %dma_start3A_14] : memref<5x128xf32, #tpu.memory_space<vmem>> -> memref<1x128xf32, #tpu.memory_space<vmem>>
    %dma_start3A_16 = tpu.memref_squeeze %dma_start3A_15 : memref<1x128xf32, #tpu.memory_space<vmem>> -> memref<128xf32, #tpu.memory_space<vmem>>
    %dma_start3A_17 = arith.constant 0 : i32
    %dma_start3A_18 = tpu.memref_slice %arg6[%dma_start3A_12, %dma_start3A_17] : memref<5x128xi32, #tpu.memory_space<vmem>> -> memref<1x128xi32, #tpu.memory_space<vmem>>
    %dma_start3A_19 = tpu.memref_squeeze %dma_start3A_18 : memref<1x128xi32, #tpu.memory_space<vmem>> -> memref<128xi32, #tpu.memory_space<vmem>>
    %dma_start3A_20 = arith.constant 0 : i32
    %dma_start3A_21 = tpu.memref_slice %arg4[%dma_start3A_20] : memref<100000xf32, #tpu.memory_space<hbm>> -> memref<100000xf32, #tpu.memory_space<hbm>>
    tpu.enqueue_indirect_dma source(%dma_start3A_21 : memref<100000xf32, #tpu.memory_space<hbm>>) target(%dma_start3A_16 : memref<128xf32, #tpu.memory_space<vmem>>) offsets(%dma_start3A_19 : memref<128xi32, #tpu.memory_space<vmem>>) semaphore(%arg12 : memref<!tpu.dma_semaphore, #tpu.memory_space<semaphore_mem>>)
    %dma_start3A_22 = arith.constant 2 : i32
    %dma_start3A_23 = arith.constant 2 : i32
    %dma_start3A_24 = arith.constant 0 : i32
    %dma_start3A_25 = tpu.memref_slice %arg8[%dma_start3A_23, %dma_start3A_24] : memref<5x128xf32, #tpu.memory_space<vmem>> -> memref<1x128xf32, #tpu.memory_space<vmem>>
    %dma_start3A_26 = tpu.memref_squeeze %dma_start3A_25 : memref<1x128xf32, #tpu.memory_space<vmem>> -> memref<128xf32, #tpu.memory_space<vmem>>
    %dma_start3A_27 = arith.constant 0 : i32
    %dma_start3A_28 = tpu.memref_slice %arg6[%dma_start3A_22, %dma_start3A_27] : memref<5x128xi32, #tpu.memory_space<vmem>> -> memref<1x128xi32, #tpu.memory_space<vmem>>
    %dma_start3A_29 = tpu.memref_squeeze %dma_start3A_28 : memref<1x128xi32, #tpu.memory_space<vmem>> -> memref<128xi32, #tpu.memory_space<vmem>>
    %dma_start3A_30 = arith.constant 0 : i32
    %dma_start3A_31 = tpu.memref_slice %arg4[%dma_start3A_30] : memref<100000xf32, #tpu.memory_space<hbm>> -> memref<100000xf32, #tpu.memory_space<hbm>>
    tpu.enqueue_indirect_dma source(%dma_start3A_31 : memref<100000xf32, #tpu.memory_space<hbm>>) target(%dma_start3A_26 : memref<128xf32, #tpu.memory_space<vmem>>) offsets(%dma_start3A_29 : memref<128xi32, #tpu.memory_space<vmem>>) semaphore(%arg12 : memref<!tpu.dma_semaphore, #tpu.memory_space<semaphore_mem>>)
    %dma_start3A_32 = arith.constant 3 : i32
    %dma_start3A_33 = arith.constant 3 : i32
    %dma_start3A_34 = arith.constant 0 : i32
    %dma_start3A_35 = tpu.memref_slice %arg8[%dma_start3A_33, %dma_start3A_34] : memref<5x128xf32, #tpu.memory_space<vmem>> -> memref<1x128xf32, #tpu.memory_space<vmem>>
    %dma_start3A_36 = tpu.memref_squeeze %dma_start3A_35 : memref<1x128xf32, #tpu.memory_space<vmem>> -> memref<128xf32, #tpu.memory_space<vmem>>
    %dma_start3A_37 = arith.constant 0 : i32
    %dma_start3A_38 = tpu.memref_slice %arg6[%dma_start3A_32, %dma_start3A_37] : memref<5x128xi32, #tpu.memory_space<vmem>> -> memref<1x128xi32, #tpu.memory_space<vmem>>
    %dma_start3A_39 = tpu.memref_squeeze %dma_start3A_38 : memref<1x128xi32, #tpu.memory_space<vmem>> -> memref<128xi32, #tpu.memory_space<vmem>>
    %dma_start3A_40 = arith.constant 0 : i32
    %dma_start3A_41 = tpu.memref_slice %arg4[%dma_start3A_40] : memref<100000xf32, #tpu.memory_space<hbm>> -> memref<100000xf32, #tpu.memory_space<hbm>>
    tpu.enqueue_indirect_dma source(%dma_start3A_41 : memref<100000xf32, #tpu.memory_space<hbm>>) target(%dma_start3A_36 : memref<128xf32, #tpu.memory_space<vmem>>) offsets(%dma_start3A_39 : memref<128xi32, #tpu.memory_space<vmem>>) semaphore(%arg12 : memref<!tpu.dma_semaphore, #tpu.memory_space<semaphore_mem>>)
    %dma_start3A_42 = arith.constant 4 : i32
    %dma_start3A_43 = arith.constant 4 : i32
    %dma_start3A_44 = arith.constant 0 : i32
    %dma_start3A_45 = tpu.memref_slice %arg8[%dma_start3A_43, %dma_start3A_44] : memref<5x128xf32, #tpu.memory_space<vmem>> -> memref<1x128xf32, #tpu.memory_space<vmem>>
    %dma_start3A_46 = tpu.memref_squeeze %dma_start3A_45 : memref<1x128xf32, #tpu.memory_space<vmem>> -> memref<128xf32, #tpu.memory_space<vmem>>
    %dma_start3A_47 = arith.constant 0 : i32
    %dma_start3A_48 = tpu.memref_slice %arg6[%dma_start3A_42, %dma_start3A_47] : memref<5x128xi32, #tpu.memory_space<vmem>> -> memref<1x128xi32, #tpu.memory_space<vmem>>
    %dma_start3A_49 = tpu.memref_squeeze %dma_start3A_48 : memref<1x128xi32, #tpu.memory_space<vmem>> -> memref<128xi32, #tpu.memory_space<vmem>>
    %dma_start3A_50 = arith.constant 0 : i32
    %dma_start3A_51 = tpu.memref_slice %arg4[%dma_start3A_50] : memref<100000xf32, #tpu.memory_space<hbm>> -> memref<100000xf32, #tpu.memory_space<hbm>>
    tpu.enqueue_indirect_dma source(%dma_start3A_51 : memref<100000xf32, #tpu.memory_space<hbm>>) target(%dma_start3A_46 : memref<128xf32, #tpu.memory_space<vmem>>) offsets(%dma_start3A_49 : memref<128xi32, #tpu.memory_space<vmem>>) semaphore(%arg12 : memref<!tpu.dma_semaphore, #tpu.memory_space<semaphore_mem>>)
    %scan3A = arith.constant 0 : i32
    %scan3A_52 = arith.constant 0 : i32
    %scan3A_53 = arith.constant 6250 : i32
    %scan3A_54 = arith.addi %scan3A_52, %scan3A_53 : i32
    %scan3A_55 = arith.constant 1 : i32
    %scan3A_56 = scf.for %scan3A_1953 = %scan3A_52 to %scan3A_54 step %scan3A_55 iter_args(%scan3A_1954 = %scan3A) -> (i32)  : i32 {
      %broadcast_in_dim3A_1955 = arith.constant 0.000000e+00 : f32
      %broadcast_in_dim3A_1956 = vector.broadcast %broadcast_in_dim3A_1955 : f32 to vector<16xf32>
      %mul3A_1957 = arith.constant 16 : i32
      %mul3A_1958 = arith.muli %scan3A_1953, %mul3A_1957 : i32
      %swap3A_1959 = arith.index_cast %mul3A_1958 : i32 to index
      %swap3A_1960 = tpu.vector_load %arg11[%swap3A_1959] {strides = array<i32>} : memref<100000xf32, #tpu.memory_space<vmem>>, vector<16xf32>,
      %swap3A_1961 = vector.shape_cast %swap3A_1960 : vector<16xf32> to vector<16xf32>
      %swap3A_1962 = vector.shape_cast %broadcast_in_dim3A_1956 : vector<16xf32> to vector<16xf32>
      tpu.vector_store %arg11[%swap3A_1959], %swap3A_1962 {strides = array<i32>} : memref<100000xf32, #tpu.memory_space<vmem>>, vector<16xf32>,
      %scan3A_1963 = arith.constant 0 : i32
      scf.yield %scan3A_1963 : i32
    }
    %scan3A_57 = arith.constant 6250 : i32
    %add3A_58 = arith.constant 0 : i32
    %add3A_59 = arith.addi %mul3A_2, %add3A_58 : i32
    %dma_start3A_60 = tpu.memref_slice %arg5[%add3A_59] : memref<102400000xf32, #tpu.memory_space<hbm>> -> memref<100000xf32, #tpu.memory_space<hbm>>
    %dma_start3A_61 = tpu.memref_slice %arg5[%add3A_59] : memref<102400000xf32, #tpu.memory_space<hbm>> -> memref<100000xf32, #tpu.memory_space<hbm>>
    tpu.enqueue_dma source(%arg11 : memref<100000xf32, #tpu.memory_space<vmem>>) target(%dma_start3A_61 : memref<100000xf32, #tpu.memory_space<hbm>>) target_semaphore(%arg13 : memref<!tpu.dma_semaphore, #tpu.memory_space<semaphore_mem>>)
    %add3A_62 = arith.constant 100000 : i32
    %add3A_63 = arith.addi %mul3A_2, %add3A_62 : i32
    %dma_start3A_64 = tpu.memref_slice %arg5[%add3A_63] : memref<102400000xf32, #tpu.memory_space<hbm>> -> memref<100000xf32, #tpu.memory_space<hbm>>
    %dma_start3A_65 = tpu.memref_slice %arg5[%add3A_63] : memref<102400000xf32, #tpu.memory_space<hbm>> -> memref<100000xf32, #tpu.memory_space<hbm>>
    tpu.enqueue_dma source(%arg11 : memref<100000xf32, #tpu.memory_space<vmem>>) target(%dma_start3A_65 : memref<100000xf32, #tpu.memory_space<hbm>>) target_semaphore(%arg13 : memref<!tpu.dma_semaphore, #tpu.memory_space<semaphore_mem>>)
    %add3A_66 = arith.constant 200000 : i32
    %add3A_67 = arith.addi %mul3A_2, %add3A_66 : i32
    %dma_start3A_68 = tpu.memref_slice %arg5[%add3A_67] : memref<102400000xf32, #tpu.memory_space<hbm>> -> memref<100000xf32, #tpu.memory_space<hbm>>
    %dma_start3A_69 = tpu.memref_slice %arg5[%add3A_67] : memref<102400000xf32, #tpu.memory_space<hbm>> -> memref<100000xf32, #tpu.memory_space<hbm>>
    tpu.enqueue_dma source(%arg11 : memref<100000xf32, #tpu.memory_space<vmem>>) target(%dma_start3A_69 : memref<100000xf32, #tpu.memory_space<hbm>>) target_semaphore(%arg13 : memref<!tpu.dma_semaphore, #tpu.memory_space<semaphore_mem>>)
    %add3A_70 = arith.constant 300000 : i32
    %add3A_71 = arith.addi %mul3A_2, %add3A_70 : i32
    %dma_start3A_72 = tpu.memref_slice %arg5[%add3A_71] : memref<102400000xf32, #tpu.memory_space<hbm>> -> memref<100000xf32, #tpu.memory_space<hbm>>
    %dma_start3A_73 = tpu.memref_slice %arg5[%add3A_71] : memref<102400000xf32, #tpu.memory_space<hbm>> -> memref<100000xf32, #tpu.memory_space<hbm>>
    tpu.enqueue_dma source(%arg11 : memref<100000xf32, #tpu.memory_space<vmem>>) target(%dma_start3A_73 : memref<100000xf32, #tpu.memory_space<hbm>>) target_semaphore(%arg13 : memref<!tpu.dma_semaphore, #tpu.memory_space<semaphore_mem>>)
    %add3A_74 = arith.constant 400000 : i32
    %add3A_75 = arith.addi %mul3A_2, %add3A_74 : i32
    %dma_start3A_76 = tpu.memref_slice %arg5[%add3A_75] : memref<102400000xf32, #tpu.memory_space<hbm>> -> memref<100000xf32, #tpu.memory_space<hbm>>
    %dma_start3A_77 = tpu.memref_slice %arg5[%add3A_75] : memref<102400000xf32, #tpu.memory_space<hbm>> -> memref<100000xf32, #tpu.memory_space<hbm>>
    tpu.enqueue_dma source(%arg11 : memref<100000xf32, #tpu.memory_space<vmem>>) target(%dma_start3A_77 : memref<100000xf32, #tpu.memory_space<hbm>>) target_semaphore(%arg13 : memref<!tpu.dma_semaphore, #tpu.memory_space<semaphore_mem>>)
    %add3A_78 = arith.constant 500000 : i32
    %add3A_79 = arith.addi %mul3A_2, %add3A_78 : i32
    %dma_start3A_80 = tpu.memref_slice %arg5[%add3A_79] : memref<102400000xf32, #tpu.memory_space<hbm>> -> memref<100000xf32, #tpu.memory_space<hbm>>
    %dma_start3A_81 = tpu.memref_slice %arg5[%add3A_79] : memref<102400000xf32, #tpu.memory_space<hbm>> -> memref<100000xf32, #tpu.memory_space<hbm>>
    tpu.enqueue_dma source(%arg11 : memref<100000xf32, #tpu.memory_space<vmem>>) target(%dma_start3A_81 : memref<100000xf32, #tpu.memory_space<hbm>>) target_semaphore(%arg13 : memref<!tpu.dma_semaphore, #tpu.memory_space<semaphore_mem>>)
    %add3A_82 = arith.constant 600000 : i32
    %add3A_83 = arith.addi %mul3A_2, %add3A_82 : i32
    %dma_start3A_84 = tpu.memref_slice %arg5[%add3A_83] : memref<102400000xf32, #tpu.memory_space<hbm>> -> memref<100000xf32, #tpu.memory_space<hbm>>
    %dma_start3A_85 = tpu.memref_slice %arg5[%add3A_83] : memref<102400000xf32, #tpu.memory_space<hbm>> -> memref<100000xf32, #tpu.memory_space<hbm>>
    tpu.enqueue_dma source(%arg11 : memref<100000xf32, #tpu.memory_space<vmem>>) target(%dma_start3A_85 : memref<100000xf32, #tpu.memory_space<hbm>>) target_semaphore(%arg13 : memref<!tpu.dma_semaphore, #tpu.memory_space<semaphore_mem>>)
    %add3A_86 = arith.constant 700000 : i32
    %add3A_87 = arith.addi %mul3A_2, %add3A_86 : i32
    %dma_start3A_88 = tpu.memref_slice %arg5[%add3A_87] : memref<102400000xf32, #tpu.memory_space<hbm>> -> memref<100000xf32, #tpu.memory_space<hbm>>
    %dma_start3A_89 = tpu.memref_slice %arg5[%add3A_87] : memref<102400000xf32, #tpu.memory_space<hbm>> -> memref<100000xf32, #tpu.memory_space<hbm>>
    tpu.enqueue_dma source(%arg11 : memref<100000xf32, #tpu.memory_space<vmem>>) target(%dma_start3A_89 : memref<100000xf32, #tpu.memory_space<hbm>>) target_semaphore(%arg13 : memref<!tpu.dma_semaphore, #tpu.memory_space<semaphore_mem>>)
    %add3A_90 = arith.constant 800000 : i32
    %add3A_91 = arith.addi %mul3A_2, %add3A_90 : i32
    %dma_start3A_92 = tpu.memref_slice %arg5[%add3A_91] : memref<102400000xf32, #tpu.memory_space<hbm>> -> memref<100000xf32, #tpu.memory_space<hbm>>
    %dma_start3A_93 = tpu.memref_slice %arg5[%add3A_91] : memref<102400000xf32, #tpu.memory_space<hbm>> -> memref<100000xf32, #tpu.memory_space<hbm>>
    tpu.enqueue_dma source(%arg11 : memref<100000xf32, #tpu.memory_space<vmem>>) target(%dma_start3A_93 : memref<100000xf32, #tpu.memory_space<hbm>>) target_semaphore(%arg13 : memref<!tpu.dma_semaphore, #tpu.memory_space<semaphore_mem>>)
    %add3A_94 = arith.constant 900000 : i32
    %add3A_95 = arith.addi %mul3A_2, %add3A_94 : i32
    %dma_start3A_96 = tpu.memref_slice %arg5[%add3A_95] : memref<102400000xf32, #tpu.memory_space<hbm>> -> memref<100000xf32, #tpu.memory_space<hbm>>
    %dma_start3A_97 = tpu.memref_slice %arg5[%add3A_95] : memref<102400000xf32, #tpu.memory_space<hbm>> -> memref<100000xf32, #tpu.memory_space<hbm>>
    tpu.enqueue_dma source(%arg11 : memref<100000xf32, #tpu.memory_space<vmem>>) target(%dma_start3A_97 : memref<100000xf32, #tpu.memory_space<hbm>>) target_semaphore(%arg13 : memref<!tpu.dma_semaphore, #tpu.memory_space<semaphore_mem>>)
    %add3A_98 = arith.constant 1000000 : i32
    %add3A_99 = arith.addi %mul3A_2, %add3A_98 : i32
    %dma_start3A_100 = tpu.memref_slice %arg5[%add3A_99] : memref<102400000xf32, #tpu.memory_space<hbm>> -> memref<100000xf32, #tpu.memory_space<hbm>>
    %dma_start3A_101 = tpu.memref_slice %arg5[%add3A_99] : memref<102400000xf32, #tpu.memory_space<hbm>> -> memref<100000xf32, #tpu.memory_space<hbm>>
    tpu.enqueue_dma source(%arg11 : memref<100000xf32, #tpu.memory_space<vmem>>) target(%dma_start3A_101 : memref<100000xf32, #tpu.memory_space<hbm>>) target_semaphore(%arg13 : memref<!tpu.dma_semaphore, #tpu.memory_space<semaphore_mem>>)
    %add3A_102 = arith.constant 1100000 : i32
    %add3A_103 = arith.addi %mul3A_2, %add3A_102 : i32
    %dma_start3A_104 = tpu.memref_slice %arg5[%add3A_103] : memref<102400000xf32, #tpu.memory_space<hbm>> -> memref<100000xf32, #tpu.memory_space<hbm>>
    %dma_start3A_105 = tpu.memref_slice %arg5[%add3A_103] : memref<102400000xf32, #tpu.memory_space<hbm>> -> memref<100000xf32, #tpu.memory_space<hbm>>
    tpu.enqueue_dma source(%arg11 : memref<100000xf32, #tpu.memory_space<vmem>>) target(%dma_start3A_105 : memref<100000xf32, #tpu.memory_space<hbm>>) target_semaphore(%arg13 : memref<!tpu.dma_semaphore, #tpu.memory_space<semaphore_mem>>)
    %add3A_106 = arith.constant 1200000 : i32
    %add3A_107 = arith.addi %mul3A_2, %add3A_106 : i32
    %dma_start3A_108 = tpu.memref_slice %arg5[%add3A_107] : memref<102400000xf32, #tpu.memory_space<hbm>> -> memref<100000xf32, #tpu.memory_space<hbm>>
    %dma_start3A_109 = tpu.memref_slice %arg5[%add3A_107] : memref<102400000xf32, #tpu.memory_space<hbm>> -> memref<100000xf32, #tpu.memory_space<hbm>>
    tpu.enqueue_dma source(%arg11 : memref<100000xf32, #tpu.memory_space<vmem>>) target(%dma_start3A_109 : memref<100000xf32, #tpu.memory_space<hbm>>) target_semaphore(%arg13 : memref<!tpu.dma_semaphore, #tpu.memory_space<semaphore_mem>>)
    %add3A_110 = arith.constant 1300000 : i32
    %add3A_111 = arith.addi %mul3A_2, %add3A_110 : i32
    %dma_start3A_112 = tpu.memref_slice %arg5[%add3A_111] : memref<102400000xf32, #tpu.memory_space<hbm>> -> memref<100000xf32, #tpu.memory_space<hbm>>
    %dma_start3A_113 = tpu.memref_slice %arg5[%add3A_111] : memref<102400000xf32, #tpu.memory_space<hbm>> -> memref<100000xf32, #tpu.memory_space<hbm>>
    tpu.enqueue_dma source(%arg11 : memref<100000xf32, #tpu.memory_space<vmem>>) target(%dma_start3A_113 : memref<100000xf32, #tpu.memory_space<hbm>>) target_semaphore(%arg13 : memref<!tpu.dma_semaphore, #tpu.memory_space<semaphore_mem>>)
    %add3A_114 = arith.constant 1400000 : i32
    %add3A_115 = arith.addi %mul3A_2, %add3A_114 : i32
    %dma_start3A_116 = tpu.memref_slice %arg5[%add3A_115] : memref<102400000xf32, #tpu.memory_space<hbm>> -> memref<100000xf32, #tpu.memory_space<hbm>>
    %dma_start3A_117 = tpu.memref_slice %arg5[%add3A_115] : memref<102400000xf32, #tpu.memory_space<hbm>> -> memref<100000xf32, #tpu.memory_space<hbm>>
    tpu.enqueue_dma source(%arg11 : memref<100000xf32, #tpu.memory_space<vmem>>) target(%dma_start3A_117 : memref<100000xf32, #tpu.memory_space<hbm>>) target_semaphore(%arg13 : memref<!tpu.dma_semaphore, #tpu.memory_space<semaphore_mem>>)
    %add3A_118 = arith.constant 1500000 : i32
    %add3A_119 = arith.addi %mul3A_2, %add3A_118 : i32
    %dma_start3A_120 = tpu.memref_slice %arg5[%add3A_119] : memref<102400000xf32, #tpu.memory_space<hbm>> -> memref<100000xf32, #tpu.memory_space<hbm>>
    %dma_start3A_121 = tpu.memref_slice %arg5[%add3A_119] : memref<102400000xf32, #tpu.memory_space<hbm>> -> memref<100000xf32, #tpu.memory_space<hbm>>
    tpu.enqueue_dma source(%arg11 : memref<100000xf32, #tpu.memory_space<vmem>>) target(%dma_start3A_121 : memref<100000xf32, #tpu.memory_space<hbm>>) target_semaphore(%arg13 : memref<!tpu.dma_semaphore, #tpu.memory_space<semaphore_mem>>)
    %add3A_122 = arith.constant 1600000 : i32
    %add3A_123 = arith.addi %mul3A_2, %add3A_122 : i32
    %dma_start3A_124 = tpu.memref_slice %arg5[%add3A_123] : memref<102400000xf32, #tpu.memory_space<hbm>> -> memref<100000xf32, #tpu.memory_space<hbm>>
    %dma_start3A_125 = tpu.memref_slice %arg5[%add3A_123] : memref<102400000xf32, #tpu.memory_space<hbm>> -> memref<100000xf32, #tpu.memory_space<hbm>>
    tpu.enqueue_dma source(%arg11 : memref<100000xf32, #tpu.memory_space<vmem>>) target(%dma_start3A_125 : memref<100000xf32, #tpu.memory_space<hbm>>) target_semaphore(%arg13 : memref<!tpu.dma_semaphore, #tpu.memory_space<semaphore_mem>>)
    %add3A_126 = arith.constant 1700000 : i32
    %add3A_127 = arith.addi %mul3A_2, %add3A_126 : i32
    %dma_start3A_128 = tpu.memref_slice %arg5[%add3A_127] : memref<102400000xf32, #tpu.memory_space<hbm>> -> memref<100000xf32, #tpu.memory_space<hbm>>
    %dma_start3A_129 = tpu.memref_slice %arg5[%add3A_127] : memref<102400000xf32, #tpu.memory_space<hbm>> -> memref<100000xf32, #tpu.memory_space<hbm>>
    tpu.enqueue_dma source(%arg11 : memref<100000xf32, #tpu.memory_space<vmem>>) target(%dma_start3A_129 : memref<100000xf32, #tpu.memory_space<hbm>>) target_semaphore(%arg13 : memref<!tpu.dma_semaphore, #tpu.memory_space<semaphore_mem>>)
    %add3A_130 = arith.constant 1800000 : i32
    %add3A_131 = arith.addi %mul3A_2, %add3A_130 : i32
    %dma_start3A_132 = tpu.memref_slice %arg5[%add3A_131] : memref<102400000xf32, #tpu.memory_space<hbm>> -> memref<100000xf32, #tpu.memory_space<hbm>>
    %dma_start3A_133 = tpu.memref_slice %arg5[%add3A_131] : memref<102400000xf32, #tpu.memory_space<hbm>> -> memref<100000xf32, #tpu.memory_space<hbm>>
    tpu.enqueue_dma source(%arg11 : memref<100000xf32, #tpu.memory_space<vmem>>) target(%dma_start3A_133 : memref<100000xf32, #tpu.memory_space<hbm>>) target_semaphore(%arg13 : memref<!tpu.dma_semaphore, #tpu.memory_space<semaphore_mem>>)
    %add3A_134 = arith.constant 1900000 : i32
    %add3A_135 = arith.addi %mul3A_2, %add3A_134 : i32
    %dma_start3A_136 = tpu.memref_slice %arg5[%add3A_135] : memref<102400000xf32, #tpu.memory_space<hbm>> -> memref<100000xf32, #tpu.memory_space<hbm>>
    %dma_start3A_137 = tpu.memref_slice %arg5[%add3A_135] : memref<102400000xf32, #tpu.memory_space<hbm>> -> memref<100000xf32, #tpu.memory_space<hbm>>
    tpu.enqueue_dma source(%arg11 : memref<100000xf32, #tpu.memory_space<vmem>>) target(%dma_start3A_137 : memref<100000xf32, #tpu.memory_space<hbm>>) target_semaphore(%arg13 : memref<!tpu.dma_semaphore, #tpu.memory_space<semaphore_mem>>)
    %add3A_138 = arith.constant 2000000 : i32
    %add3A_139 = arith.addi %mul3A_2, %add3A_138 : i32
    %dma_start3A_140 = tpu.memref_slice %arg5[%add3A_139] : memref<102400000xf32, #tpu.memory_space<hbm>> -> memref<100000xf32, #tpu.memory_space<hbm>>
    %dma_start3A_141 = tpu.memref_slice %arg5[%add3A_139] : memref<102400000xf32, #tpu.memory_space<hbm>> -> memref<100000xf32, #tpu.memory_space<hbm>>
    tpu.enqueue_dma source(%arg11 : memref<100000xf32, #tpu.memory_space<vmem>>) target(%dma_start3A_141 : memref<100000xf32, #tpu.memory_space<hbm>>) target_semaphore(%arg13 : memref<!tpu.dma_semaphore, #tpu.memory_space<semaphore_mem>>)
    %add3A_142 = arith.constant 2100000 : i32
    %add3A_143 = arith.addi %mul3A_2, %add3A_142 : i32
    %dma_start3A_144 = tpu.memref_slice %arg5[%add3A_143] : memref<102400000xf32, #tpu.memory_space<hbm>> -> memref<100000xf32, #tpu.memory_space<hbm>>
    %dma_start3A_145 = tpu.memref_slice %arg5[%add3A_143] : memref<102400000xf32, #tpu.memory_space<hbm>> -> memref<100000xf32, #tpu.memory_space<hbm>>
    tpu.enqueue_dma source(%arg11 : memref<100000xf32, #tpu.memory_space<vmem>>) target(%dma_start3A_145 : memref<100000xf32, #tpu.memory_space<hbm>>) target_semaphore(%arg13 : memref<!tpu.dma_semaphore, #tpu.memory_space<semaphore_mem>>)
    %add3A_146 = arith.constant 2200000 : i32
    %add3A_147 = arith.addi %mul3A_2, %add3A_146 : i32
    %dma_start3A_148 = tpu.memref_slice %arg5[%add3A_147] : memref<102400000xf32, #tpu.memory_space<hbm>> -> memref<100000xf32, #tpu.memory_space<hbm>>
    %dma_start3A_149 = tpu.memref_slice %arg5[%add3A_147] : memref<102400000xf32, #tpu.memory_space<hbm>> -> memref<100000xf32, #tpu.memory_space<hbm>>
    tpu.enqueue_dma source(%arg11 : memref<100000xf32, #tpu.memory_space<vmem>>) target(%dma_start3A_149 : memref<100000xf32, #tpu.memory_space<hbm>>) target_semaphore(%arg13 : memref<!tpu.dma_semaphore, #tpu.memory_space<semaphore_mem>>)
    %add3A_150 = arith.constant 2300000 : i32
    %add3A_151 = arith.addi %mul3A_2, %add3A_150 : i32
    %dma_start3A_152 = tpu.memref_slice %arg5[%add3A_151] : memref<102400000xf32, #tpu.memory_space<hbm>> -> memref<100000xf32, #tpu.memory_space<hbm>>
    %dma_start3A_153 = tpu.memref_slice %arg5[%add3A_151] : memref<102400000xf32, #tpu.memory_space<hbm>> -> memref<100000xf32, #tpu.memory_space<hbm>>
    tpu.enqueue_dma source(%arg11 : memref<100000xf32, #tpu.memory_space<vmem>>) target(%dma_start3A_153 : memref<100000xf32, #tpu.memory_space<hbm>>) target_semaphore(%arg13 : memref<!tpu.dma_semaphore, #tpu.memory_space<semaphore_mem>>)
    %add3A_154 = arith.constant 2400000 : i32
    %add3A_155 = arith.addi %mul3A_2, %add3A_154 : i32
    %dma_start3A_156 = tpu.memref_slice %arg5[%add3A_155] : memref<102400000xf32, #tpu.memory_space<hbm>> -> memref<100000xf32, #tpu.memory_space<hbm>>
    %dma_start3A_157 = tpu.memref_slice %arg5[%add3A_155] : memref<102400000xf32, #tpu.memory_space<hbm>> -> memref<100000xf32, #tpu.memory_space<hbm>>
    tpu.enqueue_dma source(%arg11 : memref<100000xf32, #tpu.memory_space<vmem>>) target(%dma_start3A_157 : memref<100000xf32, #tpu.memory_space<hbm>>) target_semaphore(%arg13 : memref<!tpu.dma_semaphore, #tpu.memory_space<semaphore_mem>>)
    %add3A_158 = arith.constant 2500000 : i32
    %add3A_159 = arith.addi %mul3A_2, %add3A_158 : i32
    %dma_start3A_160 = tpu.memref_slice %arg5[%add3A_159] : memref<102400000xf32, #tpu.memory_space<hbm>> -> memref<100000xf32, #tpu.memory_space<hbm>>
    %dma_start3A_161 = tpu.memref_slice %arg5[%add3A_159] : memref<102400000xf32, #tpu.memory_space<hbm>> -> memref<100000xf32, #tpu.memory_space<hbm>>
    tpu.enqueue_dma source(%arg11 : memref<100000xf32, #tpu.memory_space<vmem>>) target(%dma_start3A_161 : memref<100000xf32, #tpu.memory_space<hbm>>) target_semaphore(%arg13 : memref<!tpu.dma_semaphore, #tpu.memory_space<semaphore_mem>>)
    %add3A_162 = arith.constant 2600000 : i32
    %add3A_163 = arith.addi %mul3A_2, %add3A_162 : i32
    %dma_start3A_164 = tpu.memref_slice %arg5[%add3A_163] : memref<102400000xf32, #tpu.memory_space<hbm>> -> memref<100000xf32, #tpu.memory_space<hbm>>
    %dma_start3A_165 = tpu.memref_slice %arg5[%add3A_163] : memref<102400000xf32, #tpu.memory_space<hbm>> -> memref<100000xf32, #tpu.memory_space<hbm>>
    tpu.enqueue_dma source(%arg11 : memref<100000xf32, #tpu.memory_space<vmem>>) target(%dma_start3A_165 : memref<100000xf32, #tpu.memory_space<hbm>>) target_semaphore(%arg13 : memref<!tpu.dma_semaphore, #tpu.memory_space<semaphore_mem>>)
    %add3A_166 = arith.constant 2700000 : i32
    %add3A_167 = arith.addi %mul3A_2, %add3A_166 : i32
    %dma_start3A_168 = tpu.memref_slice %arg5[%add3A_167] : memref<102400000xf32, #tpu.memory_space<hbm>> -> memref<100000xf32, #tpu.memory_space<hbm>>
    %dma_start3A_169 = tpu.memref_slice %arg5[%add3A_167] : memref<102400000xf32, #tpu.memory_space<hbm>> -> memref<100000xf32, #tpu.memory_space<hbm>>
    tpu.enqueue_dma source(%arg11 : memref<100000xf32, #tpu.memory_space<vmem>>) target(%dma_start3A_169 : memref<100000xf32, #tpu.memory_space<hbm>>) target_semaphore(%arg13 : memref<!tpu.dma_semaphore, #tpu.memory_space<semaphore_mem>>)
    %add3A_170 = arith.constant 2800000 : i32
    %add3A_171 = arith.addi %mul3A_2, %add3A_170 : i32
    %dma_start3A_172 = tpu.memref_slice %arg5[%add3A_171] : memref<102400000xf32, #tpu.memory_space<hbm>> -> memref<100000xf32, #tpu.memory_space<hbm>>
    %dma_start3A_173 = tpu.memref_slice %arg5[%add3A_171] : memref<102400000xf32, #tpu.memory_space<hbm>> -> memref<100000xf32, #tpu.memory_space<hbm>>
    tpu.enqueue_dma source(%arg11 : memref<100000xf32, #tpu.memory_space<vmem>>) target(%dma_start3A_173 : memref<100000xf32, #tpu.memory_space<hbm>>) target_semaphore(%arg13 : memref<!tpu.dma_semaphore, #tpu.memory_space<semaphore_mem>>)
    %add3A_174 = arith.constant 2900000 : i32
    %add3A_175 = arith.addi %mul3A_2, %add3A_174 : i32
    %dma_start3A_176 = tpu.memref_slice %arg5[%add3A_175] : memref<102400000xf32, #tpu.memory_space<hbm>> -> memref<100000xf32, #tpu.memory_space<hbm>>
    %dma_start3A_177 = tpu.memref_slice %arg5[%add3A_175] : memref<102400000xf32, #tpu.memory_space<hbm>> -> memref<100000xf32, #tpu.memory_space<hbm>>
    tpu.enqueue_dma source(%arg11 : memref<100000xf32, #tpu.memory_space<vmem>>) target(%dma_start3A_177 : memref<100000xf32, #tpu.memory_space<hbm>>) target_semaphore(%arg13 : memref<!tpu.dma_semaphore, #tpu.memory_space<semaphore_mem>>)
    %add3A_178 = arith.constant 3000000 : i32
    %add3A_179 = arith.addi %mul3A_2, %add3A_178 : i32
    %dma_start3A_180 = tpu.memref_slice %arg5[%add3A_179] : memref<102400000xf32, #tpu.memory_space<hbm>> -> memref<100000xf32, #tpu.memory_space<hbm>>
    %dma_start3A_181 = tpu.memref_slice %arg5[%add3A_179] : memref<102400000xf32, #tpu.memory_space<hbm>> -> memref<100000xf32, #tpu.memory_space<hbm>>
    tpu.enqueue_dma source(%arg11 : memref<100000xf32, #tpu.memory_space<vmem>>) target(%dma_start3A_181 : memref<100000xf32, #tpu.memory_space<hbm>>) target_semaphore(%arg13 : memref<!tpu.dma_semaphore, #tpu.memory_space<semaphore_mem>>)
    %add3A_182 = arith.constant 3100000 : i32
    %add3A_183 = arith.addi %mul3A_2, %add3A_182 : i32
    %dma_start3A_184 = tpu.memref_slice %arg5[%add3A_183] : memref<102400000xf32, #tpu.memory_space<hbm>> -> memref<100000xf32, #tpu.memory_space<hbm>>
    %dma_start3A_185 = tpu.memref_slice %arg5[%add3A_183] : memref<102400000xf32, #tpu.memory_space<hbm>> -> memref<100000xf32, #tpu.memory_space<hbm>>
    tpu.enqueue_dma source(%arg11 : memref<100000xf32, #tpu.memory_space<vmem>>) target(%dma_start3A_185 : memref<100000xf32, #tpu.memory_space<hbm>>) target_semaphore(%arg13 : memref<!tpu.dma_semaphore, #tpu.memory_space<semaphore_mem>>)
    %dma_wait3A = arith.constant 0 : i32
    %dma_wait3A_186 = arith.constant 0 : i32
    %dma_wait3A_187 = arith.constant 0 : i32
    %dma_wait3A_188 = tpu.memref_slice %arg8[%dma_wait3A_186, %dma_wait3A_187] : memref<5x128xf32, #tpu.memory_space<vmem>> -> memref<1x128xf32, #tpu.memory_space<vmem>>
    %dma_wait3A_189 = tpu.memref_squeeze %dma_wait3A_188 : memref<1x128xf32, #tpu.memory_space<vmem>> -> memref<128xf32, #tpu.memory_space<vmem>>
    %dma_wait3A_190 = arith.constant 0 : i32
    %dma_wait3A_191 = tpu.memref_slice %arg6[%dma_wait3A, %dma_wait3A_190] : memref<5x128xi32, #tpu.memory_space<vmem>> -> memref<1x128xi32, #tpu.memory_space<vmem>>
    %dma_wait3A_192 = tpu.memref_squeeze %dma_wait3A_191 : memref<1x128xi32, #tpu.memory_space<vmem>> -> memref<128xi32, #tpu.memory_space<vmem>>
    %dma_wait3A_193 = arith.constant 0 : i32
    %dma_wait3A_194 = tpu.memref_slice %arg4[%dma_wait3A_193] : memref<100000xf32, #tpu.memory_space<hbm>> -> memref<100000xf32, #tpu.memory_space<hbm>>
    tpu.wait_indirect_dma semaphore(%arg12 : memref<!tpu.dma_semaphore, #tpu.memory_space<semaphore_mem>>) src(%dma_wait3A_194 : memref<100000xf32, #tpu.memory_space<hbm>>) dst(%dma_wait3A_189 : memref<128xf32, #tpu.memory_space<vmem>>)
    %dma_wait3A_195 = arith.constant 1 : i32
    %dma_wait3A_196 = arith.constant 1 : i32
    %dma_wait3A_197 = arith.constant 0 : i32
    %dma_wait3A_198 = tpu.memref_slice %arg8[%dma_wait3A_196, %dma_wait3A_197] : memref<5x128xf32, #tpu.memory_space<vmem>> -> memref<1x128xf32, #tpu.memory_space<vmem>>
    %dma_wait3A_199 = tpu.memref_squeeze %dma_wait3A_198 : memref<1x128xf32, #tpu.memory_space<vmem>> -> memref<128xf32, #tpu.memory_space<vmem>>
    %dma_wait3A_200 = arith.constant 0 : i32
    %dma_wait3A_201 = tpu.memref_slice %arg6[%dma_wait3A_195, %dma_wait3A_200] : memref<5x128xi32, #tpu.memory_space<vmem>> -> memref<1x128xi32, #tpu.memory_space<vmem>>
    %dma_wait3A_202 = tpu.memref_squeeze %dma_wait3A_201 : memref<1x128xi32, #tpu.memory_space<vmem>> -> memref<128xi32, #tpu.memory_space<vmem>>
    %dma_wait3A_203 = arith.constant 0 : i32
    %dma_wait3A_204 = tpu.memref_slice %arg4[%dma_wait3A_203] : memref<100000xf32, #tpu.memory_space<hbm>> -> memref<100000xf32, #tpu.memory_space<hbm>>
    tpu.wait_indirect_dma semaphore(%arg12 : memref<!tpu.dma_semaphore, #tpu.memory_space<semaphore_mem>>) src(%dma_wait3A_204 : memref<100000xf32, #tpu.memory_space<hbm>>) dst(%dma_wait3A_199 : memref<128xf32, #tpu.memory_space<vmem>>)
    %dma_wait3A_205 = arith.constant 2 : i32
    %dma_wait3A_206 = arith.constant 2 : i32
    %dma_wait3A_207 = arith.constant 0 : i32
    %dma_wait3A_208 = tpu.memref_slice %arg8[%dma_wait3A_206, %dma_wait3A_207] : memref<5x128xf32, #tpu.memory_space<vmem>> -> memref<1x128xf32, #tpu.memory_space<vmem>>
    %dma_wait3A_209 = tpu.memref_squeeze %dma_wait3A_208 : memref<1x128xf32, #tpu.memory_space<vmem>> -> memref<128xf32, #tpu.memory_space<vmem>>
    %dma_wait3A_210 = arith.constant 0 : i32
    %dma_wait3A_211 = tpu.memref_slice %arg6[%dma_wait3A_205, %dma_wait3A_210] : memref<5x128xi32, #tpu.memory_space<vmem>> -> memref<1x128xi32, #tpu.memory_space<vmem>>
    %dma_wait3A_212 = tpu.memref_squeeze %dma_wait3A_211 : memref<1x128xi32, #tpu.memory_space<vmem>> -> memref<128xi32, #tpu.memory_space<vmem>>
    %dma_wait3A_213 = arith.constant 0 : i32
    %dma_wait3A_214 = tpu.memref_slice %arg4[%dma_wait3A_213] : memref<100000xf32, #tpu.memory_space<hbm>> -> memref<100000xf32, #tpu.memory_space<hbm>>
    tpu.wait_indirect_dma semaphore(%arg12 : memref<!tpu.dma_semaphore, #tpu.memory_space<semaphore_mem>>) src(%dma_wait3A_214 : memref<100000xf32, #tpu.memory_space<hbm>>) dst(%dma_wait3A_209 : memref<128xf32, #tpu.memory_space<vmem>>)
    %dma_wait3A_215 = arith.constant 3 : i32
    %dma_wait3A_216 = arith.constant 3 : i32
    %dma_wait3A_217 = arith.constant 0 : i32
    %dma_wait3A_218 = tpu.memref_slice %arg8[%dma_wait3A_216, %dma_wait3A_217] : memref<5x128xf32, #tpu.memory_space<vmem>> -> memref<1x128xf32, #tpu.memory_space<vmem>>
    %dma_wait3A_219 = tpu.memref_squeeze %dma_wait3A_218 : memref<1x128xf32, #tpu.memory_space<vmem>> -> memref<128xf32, #tpu.memory_space<vmem>>
    %dma_wait3A_220 = arith.constant 0 : i32
    %dma_wait3A_221 = tpu.memref_slice %arg6[%dma_wait3A_215, %dma_wait3A_220] : memref<5x128xi32, #tpu.memory_space<vmem>> -> memref<1x128xi32, #tpu.memory_space<vmem>>
    %dma_wait3A_222 = tpu.memref_squeeze %dma_wait3A_221 : memref<1x128xi32, #tpu.memory_space<vmem>> -> memref<128xi32, #tpu.memory_space<vmem>>
    %dma_wait3A_223 = arith.constant 0 : i32
    %dma_wait3A_224 = tpu.memref_slice %arg4[%dma_wait3A_223] : memref<100000xf32, #tpu.memory_space<hbm>> -> memref<100000xf32, #tpu.memory_space<hbm>>
    tpu.wait_indirect_dma semaphore(%arg12 : memref<!tpu.dma_semaphore, #tpu.memory_space<semaphore_mem>>) src(%dma_wait3A_224 : memref<100000xf32, #tpu.memory_space<hbm>>) dst(%dma_wait3A_219 : memref<128xf32, #tpu.memory_space<vmem>>)
    %dma_wait3A_225 = arith.constant 4 : i32
    %dma_wait3A_226 = arith.constant 4 : i32
    %dma_wait3A_227 = arith.constant 0 : i32
    %dma_wait3A_228 = tpu.memref_slice %arg8[%dma_wait3A_226, %dma_wait3A_227] : memref<5x128xf32, #tpu.memory_space<vmem>> -> memref<1x128xf32, #tpu.memory_space<vmem>>
    %dma_wait3A_229 = tpu.memref_squeeze %dma_wait3A_228 : memref<1x128xf32, #tpu.memory_space<vmem>> -> memref<128xf32, #tpu.memory_space<vmem>>
    %dma_wait3A_230 = arith.constant 0 : i32
    %dma_wait3A_231 = tpu.memref_slice %arg6[%dma_wait3A_225, %dma_wait3A_230] : memref<5x128xi32, #tpu.memory_space<vmem>> -> memref<1x128xi32, #tpu.memory_space<vmem>>
    %dma_wait3A_232 = tpu.memref_squeeze %dma_wait3A_231 : memref<1x128xi32, #tpu.memory_space<vmem>> -> memref<128xi32, #tpu.memory_space<vmem>>
    %dma_wait3A_233 = arith.constant 0 : i32
    %dma_wait3A_234 = tpu.memref_slice %arg4[%dma_wait3A_233] : memref<100000xf32, #tpu.memory_space<hbm>> -> memref<100000xf32, #tpu.memory_space<hbm>>
    tpu.wait_indirect_dma semaphore(%arg12 : memref<!tpu.dma_semaphore, #tpu.memory_space<semaphore_mem>>) src(%dma_wait3A_234 : memref<100000xf32, #tpu.memory_space<hbm>>) dst(%dma_wait3A_229 : memref<128xf32, #tpu.memory_space<vmem>>)
    %get3A = arith.constant 0 : i32
    %get3A_235 = arith.index_cast %get3A : i32 to index
    %get3A_236 = arith.constant 0 : index
    %get3A_237 = tpu.vector_load %arg6[%get3A_235, %get3A_236] {strides = array<i32>} : memref<5x128xi32, #tpu.memory_space<vmem>>, vector<1x16xi32>,
    %get3A_238 = vector.shape_cast %get3A_237 : vector<1x16xi32> to vector<16xi32>
    %get3A_239 = arith.constant 0 : i32
    %get3A_240 = arith.index_cast %get3A_239 : i32 to index
    %get3A_241 = arith.constant 0 : index
    %get3A_242 = tpu.vector_load %arg8[%get3A_240, %get3A_241] {strides = array<i32>} : memref<5x128xf32, #tpu.memory_space<vmem>>, vector<1x16xf32>,
    %get3A_243 = vector.shape_cast %get3A_242 : vector<1x16xf32> to vector<16xf32>
    %get3A_244 = arith.constant 0 : i32
    %get3A_245 = arith.index_cast %get3A_244 : i32 to index
    %get3A_246 = arith.constant 0 : index
    %get3A_247 = tpu.vector_load %arg7[%get3A_245, %get3A_246] {strides = array<i32>} : memref<5x128xi32, #tpu.memory_space<vmem>>, vector<1x16xi32>,
    %get3A_248 = vector.shape_cast %get3A_247 : vector<1x16xi32> to vector<16xi32>
    %mul3A_249 = arith.constant 100000 : i32
    %mul3A_250 = vector.broadcast %mul3A_249 : i32 to vector<16xi32>
    %mul3A_251 = arith.muli %get3A_248, %mul3A_250 : vector<16xi32>
    %add3A_252 = vector.broadcast %mul3A_2 : i32 to vector<16xi32>
    %add3A_253 = arith.addi %add3A_252, %mul3A_251 : vector<16xi32>
    %add3A_254 = arith.addi %add3A_253, %get3A_238 : vector<16xi32>
    %swap3A = arith.constant 0 : i32
    %swap3A_255 = arith.index_cast %swap3A : i32 to index
    %swap3A_256 = arith.constant 0 : index
    %swap3A_257 = tpu.vector_load %arg10[%swap3A_255, %swap3A_256] {strides = array<i32>} : memref<5x128xi32, #tpu.memory_space<vmem>>, vector<1x16xi32>,
    %swap3A_258 = vector.shape_cast %swap3A_257 : vector<1x16xi32> to vector<16xi32>
    %swap3A_259 = vector.shape_cast %add3A_254 : vector<16xi32> to vector<1x16xi32>
    tpu.vector_store %arg10[%swap3A_255, %swap3A_256], %swap3A_259 {strides = array<i32>} : memref<5x128xi32, #tpu.memory_space<vmem>>, vector<1x16xi32>,
    %eq3A = arith.constant 1 : i32
    %eq3A_260 = vector.broadcast %eq3A : i32 to vector<16xi32>
    %eq3A_261 = arith.cmpi eq, %get3A_238, %eq3A_260 : vector<16xi32>
    %jit3A = arith.constant 0.000000e+00 : f32
    %broadcast_in_dim3A = vector.broadcast %jit3A : f32 to vector<16xf32>
    %select_n3A = arith.select %eq3A_261, %broadcast_in_dim3A, %get3A_243 : vector<16xi1>, vector<16xf32>
    %swap3A_262 = arith.constant 0 : i32
    %swap3A_263 = arith.index_cast %swap3A_262 : i32 to index
    %swap3A_264 = arith.constant 0 : index
    %swap3A_265 = tpu.vector_load %arg9[%swap3A_263, %swap3A_264] {strides = array<i32>} : memref<5x128xf32, #tpu.memory_space<vmem>>, vector<1x16xf32>,
    %swap3A_266 = vector.shape_cast %swap3A_265 : vector<1x16xf32> to vector<16xf32>
    %swap3A_267 = vector.shape_cast %select_n3A : vector<16xf32> to vector<1x16xf32>
    tpu.vector_store %arg9[%swap3A_263, %swap3A_264], %swap3A_267 {strides = array<i32>} : memref<5x128xf32, #tpu.memory_space<vmem>>, vector<1x16xf32>,
    %get3A_268 = arith.constant 0 : i32
    %get3A_269 = arith.index_cast %get3A_268 : i32 to index
    %get3A_270 = arith.constant 16 : index
    %get3A_271 = tpu.vector_load %arg6[%get3A_269, %get3A_270] {strides = array<i32>} : memref<5x128xi32, #tpu.memory_space<vmem>>, vector<1x16xi32>,
    %get3A_272 = vector.shape_cast %get3A_271 : vector<1x16xi32> to vector<16xi32>
    %get3A_273 = arith.constant 0 : i32
    %get3A_274 = arith.index_cast %get3A_273 : i32 to index
    %get3A_275 = arith.constant 16 : index
    %get3A_276 = tpu.vector_load %arg8[%get3A_274, %get3A_275] {strides = array<i32>} : memref<5x128xf32, #tpu.memory_space<vmem>>, vector<1x16xf32>,
    %get3A_277 = vector.shape_cast %get3A_276 : vector<1x16xf32> to vector<16xf32>
    %get3A_278 = arith.constant 0 : i32
    %get3A_279 = arith.index_cast %get3A_278 : i32 to index
    %get3A_280 = arith.constant 16 : index
    %get3A_281 = tpu.vector_load %arg7[%get3A_279, %get3A_280] {strides = array<i32>} : memref<5x128xi32, #tpu.memory_space<vmem>>, vector<1x16xi32>,
    %get3A_282 = vector.shape_cast %get3A_281 : vector<1x16xi32> to vector<16xi32>
    %mul3A_283 = arith.constant 100000 : i32
    %mul3A_284 = vector.broadcast %mul3A_283 : i32 to vector<16xi32>
    %mul3A_285 = arith.muli %get3A_282, %mul3A_284 : vector<16xi32>
    %add3A_286 = vector.broadcast %mul3A_2 : i32 to vector<16xi32>
    %add3A_287 = arith.addi %add3A_286, %mul3A_285 : vector<16xi32>
    %add3A_288 = arith.addi %add3A_287, %get3A_272 : vector<16xi32>
    %swap3A_289 = arith.constant 0 : i32
    %swap3A_290 = arith.index_cast %swap3A_289 : i32 to index
    %swap3A_291 = arith.constant 16 : index
    %swap3A_292 = tpu.vector_load %arg10[%swap3A_290, %swap3A_291] {strides = array<i32>} : memref<5x128xi32, #tpu.memory_space<vmem>>, vector<1x16xi32>,
    %swap3A_293 = vector.shape_cast %swap3A_292 : vector<1x16xi32> to vector<16xi32>
    %swap3A_294 = vector.shape_cast %add3A_288 : vector<16xi32> to vector<1x16xi32>
    tpu.vector_store %arg10[%swap3A_290, %swap3A_291], %swap3A_294 {strides = array<i32>} : memref<5x128xi32, #tpu.memory_space<vmem>>, vector<1x16xi32>,
    %eq3A_295 = arith.constant 1 : i32
    %eq3A_296 = vector.broadcast %eq3A_295 : i32 to vector<16xi32>
    %eq3A_297 = arith.cmpi eq, %get3A_272, %eq3A_296 : vector<16xi32>
    %jit3A_298 = arith.constant 0.000000e+00 : f32
    %broadcast_in_dim3A_299 = vector.broadcast %jit3A_298 : f32 to vector<16xf32>
    %select_n3A_300 = arith.select %eq3A_297, %broadcast_in_dim3A_299, %get3A_277 : vector<16xi1>, vector<16xf32>
    %swap3A_301 = arith.constant 0 : i32
    %swap3A_302 = arith.index_cast %swap3A_301 : i32 to index
    %swap3A_303 = arith.constant 16 : index
    %swap3A_304 = tpu.vector_load %arg9[%swap3A_302, %swap3A_303] {strides = array<i32>} : memref<5x128xf32, #tpu.memory_space<vmem>>, vector<1x16xf32>,
    %swap3A_305 = vector.shape_cast %swap3A_304 : vector<1x16xf32> to vector<16xf32>
    %swap3A_306 = vector.shape_cast %select_n3A_300 : vector<16xf32> to vector<1x16xf32>
    tpu.vector_store %arg9[%swap3A_302, %swap3A_303], %swap3A_306 {strides = array<i32>} : memref<5x128xf32, #tpu.memory_space<vmem>>, vector<1x16xf32>,
    %get3A_307 = arith.constant 0 : i32
    %get3A_308 = arith.index_cast %get3A_307 : i32 to index
    %get3A_309 = arith.constant 32 : index
    %get3A_310 = tpu.vector_load %arg6[%get3A_308, %get3A_309] {strides = array<i32>} : memref<5x128xi32, #tpu.memory_space<vmem>>, vector<1x16xi32>,
    %get3A_311 = vector.shape_cast %get3A_310 : vector<1x16xi32> to vector<16xi32>
    %get3A_312 = arith.constant 0 : i32
    %get3A_313 = arith.index_cast %get3A_312 : i32 to index
    %get3A_314 = arith.constant 32 : index
    %get3A_315 = tpu.vector_load %arg8[%get3A_313, %get3A_314] {strides = array<i32>} : memref<5x128xf32, #tpu.memory_space<vmem>>, vector<1x16xf32>,
    %get3A_316 = vector.shape_cast %get3A_315 : vector<1x16xf32> to vector<16xf32>
    %get3A_317 = arith.constant 0 : i32
    %get3A_318 = arith.index_cast %get3A_317 : i32 to index
    %get3A_319 = arith.constant 32 : index
    %get3A_320 = tpu.vector_load %arg7[%get3A_318, %get3A_319] {strides = array<i32>} : memref<5x128xi32, #tpu.memory_space<vmem>>, vector<1x16xi32>,
    %get3A_321 = vector.shape_cast %get3A_320 : vector<1x16xi32> to vector<16xi32>
    %mul3A_322 = arith.constant 100000 : i32
    %mul3A_323 = vector.broadcast %mul3A_322 : i32 to vector<16xi32>
    %mul3A_324 = arith.muli %get3A_321, %mul3A_323 : vector<16xi32>
    %add3A_325 = vector.broadcast %mul3A_2 : i32 to vector<16xi32>
    %add3A_326 = arith.addi %add3A_325, %mul3A_324 : vector<16xi32>
    %add3A_327 = arith.addi %add3A_326, %get3A_311 : vector<16xi32>
    %swap3A_328 = arith.constant 0 : i32
    %swap3A_329 = arith.index_cast %swap3A_328 : i32 to index
    %swap3A_330 = arith.constant 32 : index
    %swap3A_331 = tpu.vector_load %arg10[%swap3A_329, %swap3A_330] {strides = array<i32>} : memref<5x128xi32, #tpu.memory_space<vmem>>, vector<1x16xi32>,
    %swap3A_332 = vector.shape_cast %swap3A_331 : vector<1x16xi32> to vector<16xi32>
    %swap3A_333 = vector.shape_cast %add3A_327 : vector<16xi32> to vector<1x16xi32>
    tpu.vector_store %arg10[%swap3A_329, %swap3A_330], %swap3A_333 {strides = array<i32>} : memref<5x128xi32, #tpu.memory_space<vmem>>, vector<1x16xi32>,
    %eq3A_334 = arith.constant 1 : i32
    %eq3A_335 = vector.broadcast %eq3A_334 : i32 to vector<16xi32>
    %eq3A_336 = arith.cmpi eq, %get3A_311, %eq3A_335 : vector<16xi32>
    %jit3A_337 = arith.constant 0.000000e+00 : f32
    %broadcast_in_dim3A_338 = vector.broadcast %jit3A_337 : f32 to vector<16xf32>
    %select_n3A_339 = arith.select %eq3A_336, %broadcast_in_dim3A_338, %get3A_316 : vector<16xi1>, vector<16xf32>
    %swap3A_340 = arith.constant 0 : i32
    %swap3A_341 = arith.index_cast %swap3A_340 : i32 to index
    %swap3A_342 = arith.constant 32 : index
    %swap3A_343 = tpu.vector_load %arg9[%swap3A_341, %swap3A_342] {strides = array<i32>} : memref<5x128xf32, #tpu.memory_space<vmem>>, vector<1x16xf32>,
    %swap3A_344 = vector.shape_cast %swap3A_343 : vector<1x16xf32> to vector<16xf32>
    %swap3A_345 = vector.shape_cast %select_n3A_339 : vector<16xf32> to vector<1x16xf32>
    tpu.vector_store %arg9[%swap3A_341, %swap3A_342], %swap3A_345 {strides = array<i32>} : memref<5x128xf32, #tpu.memory_space<vmem>>, vector<1x16xf32>,
    %get3A_346 = arith.constant 0 : i32
    %get3A_347 = arith.index_cast %get3A_346 : i32 to index
    %get3A_348 = arith.constant 48 : index
    %get3A_349 = tpu.vector_load %arg6[%get3A_347, %get3A_348] {strides = array<i32>} : memref<5x128xi32, #tpu.memory_space<vmem>>, vector<1x16xi32>,
    %get3A_350 = vector.shape_cast %get3A_349 : vector<1x16xi32> to vector<16xi32>
    %get3A_351 = arith.constant 0 : i32
    %get3A_352 = arith.index_cast %get3A_351 : i32 to index
    %get3A_353 = arith.constant 48 : index
    %get3A_354 = tpu.vector_load %arg8[%get3A_352, %get3A_353] {strides = array<i32>} : memref<5x128xf32, #tpu.memory_space<vmem>>, vector<1x16xf32>,
    %get3A_355 = vector.shape_cast %get3A_354 : vector<1x16xf32> to vector<16xf32>
    %get3A_356 = arith.constant 0 : i32
    %get3A_357 = arith.index_cast %get3A_356 : i32 to index
    %get3A_358 = arith.constant 48 : index
    %get3A_359 = tpu.vector_load %arg7[%get3A_357, %get3A_358] {strides = array<i32>} : memref<5x128xi32, #tpu.memory_space<vmem>>, vector<1x16xi32>,
    %get3A_360 = vector.shape_cast %get3A_359 : vector<1x16xi32> to vector<16xi32>
    %mul3A_361 = arith.constant 100000 : i32
    %mul3A_362 = vector.broadcast %mul3A_361 : i32 to vector<16xi32>
    %mul3A_363 = arith.muli %get3A_360, %mul3A_362 : vector<16xi32>
    %add3A_364 = vector.broadcast %mul3A_2 : i32 to vector<16xi32>
    %add3A_365 = arith.addi %add3A_364, %mul3A_363 : vector<16xi32>
    %add3A_366 = arith.addi %add3A_365, %get3A_350 : vector<16xi32>
    %swap3A_367 = arith.constant 0 : i32
    %swap3A_368 = arith.index_cast %swap3A_367 : i32 to index
    %swap3A_369 = arith.constant 48 : index
    %swap3A_370 = tpu.vector_load %arg10[%swap3A_368, %swap3A_369] {strides = array<i32>} : memref<5x128xi32, #tpu.memory_space<vmem>>, vector<1x16xi32>,
    %swap3A_371 = vector.shape_cast %swap3A_370 : vector<1x16xi32> to vector<16xi32>
    %swap3A_372 = vector.shape_cast %add3A_366 : vector<16xi32> to vector<1x16xi32>
    tpu.vector_store %arg10[%swap3A_368, %swap3A_369], %swap3A_372 {strides = array<i32>} : memref<5x128xi32, #tpu.memory_space<vmem>>, vector<1x16xi32>,
    %eq3A_373 = arith.constant 1 : i32
    %eq3A_374 = vector.broadcast %eq3A_373 : i32 to vector<16xi32>
    %eq3A_375 = arith.cmpi eq, %get3A_350, %eq3A_374 : vector<16xi32>
    %jit3A_376 = arith.constant 0.000000e+00 : f32
    %broadcast_in_dim3A_377 = vector.broadcast %jit3A_376 : f32 to vector<16xf32>
    %select_n3A_378 = arith.select %eq3A_375, %broadcast_in_dim3A_377, %get3A_355 : vector<16xi1>, vector<16xf32>
    %swap3A_379 = arith.constant 0 : i32
    %swap3A_380 = arith.index_cast %swap3A_379 : i32 to index
    %swap3A_381 = arith.constant 48 : index
    %swap3A_382 = tpu.vector_load %arg9[%swap3A_380, %swap3A_381] {strides = array<i32>} : memref<5x128xf32, #tpu.memory_space<vmem>>, vector<1x16xf32>,
    %swap3A_383 = vector.shape_cast %swap3A_382 : vector<1x16xf32> to vector<16xf32>
    %swap3A_384 = vector.shape_cast %select_n3A_378 : vector<16xf32> to vector<1x16xf32>
    tpu.vector_store %arg9[%swap3A_380, %swap3A_381], %swap3A_384 {strides = array<i32>} : memref<5x128xf32, #tpu.memory_space<vmem>>, vector<1x16xf32>,
    %get3A_385 = arith.constant 0 : i32
    %get3A_386 = arith.index_cast %get3A_385 : i32 to index
    %get3A_387 = arith.constant 64 : index
    %get3A_388 = tpu.vector_load %arg6[%get3A_386, %get3A_387] {strides = array<i32>} : memref<5x128xi32, #tpu.memory_space<vmem>>, vector<1x16xi32>,
    %get3A_389 = vector.shape_cast %get3A_388 : vector<1x16xi32> to vector<16xi32>
    %get3A_390 = arith.constant 0 : i32
    %get3A_391 = arith.index_cast %get3A_390 : i32 to index
    %get3A_392 = arith.constant 64 : index
    %get3A_393 = tpu.vector_load %arg8[%get3A_391, %get3A_392] {strides = array<i32>} : memref<5x128xf32, #tpu.memory_space<vmem>>, vector<1x16xf32>,
    %get3A_394 = vector.shape_cast %get3A_393 : vector<1x16xf32> to vector<16xf32>
    %get3A_395 = arith.constant 0 : i32
    %get3A_396 = arith.index_cast %get3A_395 : i32 to index
    %get3A_397 = arith.constant 64 : index
    %get3A_398 = tpu.vector_load %arg7[%get3A_396, %get3A_397] {strides = array<i32>} : memref<5x128xi32, #tpu.memory_space<vmem>>, vector<1x16xi32>,
    %get3A_399 = vector.shape_cast %get3A_398 : vector<1x16xi32> to vector<16xi32>
    %mul3A_400 = arith.constant 100000 : i32
    %mul3A_401 = vector.broadcast %mul3A_400 : i32 to vector<16xi32>
    %mul3A_402 = arith.muli %get3A_399, %mul3A_401 : vector<16xi32>
    %add3A_403 = vector.broadcast %mul3A_2 : i32 to vector<16xi32>
    %add3A_404 = arith.addi %add3A_403, %mul3A_402 : vector<16xi32>
    %add3A_405 = arith.addi %add3A_404, %get3A_389 : vector<16xi32>
    %swap3A_406 = arith.constant 0 : i32
    %swap3A_407 = arith.index_cast %swap3A_406 : i32 to index
    %swap3A_408 = arith.constant 64 : index
    %swap3A_409 = tpu.vector_load %arg10[%swap3A_407, %swap3A_408] {strides = array<i32>} : memref<5x128xi32, #tpu.memory_space<vmem>>, vector<1x16xi32>,
    %swap3A_410 = vector.shape_cast %swap3A_409 : vector<1x16xi32> to vector<16xi32>
    %swap3A_411 = vector.shape_cast %add3A_405 : vector<16xi32> to vector<1x16xi32>
    tpu.vector_store %arg10[%swap3A_407, %swap3A_408], %swap3A_411 {strides = array<i32>} : memref<5x128xi32, #tpu.memory_space<vmem>>, vector<1x16xi32>,
    %eq3A_412 = arith.constant 1 : i32
    %eq3A_413 = vector.broadcast %eq3A_412 : i32 to vector<16xi32>
    %eq3A_414 = arith.cmpi eq, %get3A_389, %eq3A_413 : vector<16xi32>
    %jit3A_415 = arith.constant 0.000000e+00 : f32
    %broadcast_in_dim3A_416 = vector.broadcast %jit3A_415 : f32 to vector<16xf32>
    %select_n3A_417 = arith.select %eq3A_414, %broadcast_in_dim3A_416, %get3A_394 : vector<16xi1>, vector<16xf32>
    %swap3A_418 = arith.constant 0 : i32
    %swap3A_419 = arith.index_cast %swap3A_418 : i32 to index
    %swap3A_420 = arith.constant 64 : index
    %swap3A_421 = tpu.vector_load %arg9[%swap3A_419, %swap3A_420] {strides = array<i32>} : memref<5x128xf32, #tpu.memory_space<vmem>>, vector<1x16xf32>,
    %swap3A_422 = vector.shape_cast %swap3A_421 : vector<1x16xf32> to vector<16xf32>
    %swap3A_423 = vector.shape_cast %select_n3A_417 : vector<16xf32> to vector<1x16xf32>
    tpu.vector_store %arg9[%swap3A_419, %swap3A_420], %swap3A_423 {strides = array<i32>} : memref<5x128xf32, #tpu.memory_space<vmem>>, vector<1x16xf32>,
    %get3A_424 = arith.constant 0 : i32
    %get3A_425 = arith.index_cast %get3A_424 : i32 to index
    %get3A_426 = arith.constant 80 : index
    %get3A_427 = tpu.vector_load %arg6[%get3A_425, %get3A_426] {strides = array<i32>} : memref<5x128xi32, #tpu.memory_space<vmem>>, vector<1x16xi32>,
    %get3A_428 = vector.shape_cast %get3A_427 : vector<1x16xi32> to vector<16xi32>
    %get3A_429 = arith.constant 0 : i32
    %get3A_430 = arith.index_cast %get3A_429 : i32 to index
    %get3A_431 = arith.constant 80 : index
    %get3A_432 = tpu.vector_load %arg8[%get3A_430, %get3A_431] {strides = array<i32>} : memref<5x128xf32, #tpu.memory_space<vmem>>, vector<1x16xf32>,
    %get3A_433 = vector.shape_cast %get3A_432 : vector<1x16xf32> to vector<16xf32>
    %get3A_434 = arith.constant 0 : i32
    %get3A_435 = arith.index_cast %get3A_434 : i32 to index
    %get3A_436 = arith.constant 80 : index
    %get3A_437 = tpu.vector_load %arg7[%get3A_435, %get3A_436] {strides = array<i32>} : memref<5x128xi32, #tpu.memory_space<vmem>>, vector<1x16xi32>,
    %get3A_438 = vector.shape_cast %get3A_437 : vector<1x16xi32> to vector<16xi32>
    %mul3A_439 = arith.constant 100000 : i32
    %mul3A_440 = vector.broadcast %mul3A_439 : i32 to vector<16xi32>
    %mul3A_441 = arith.muli %get3A_438, %mul3A_440 : vector<16xi32>
    %add3A_442 = vector.broadcast %mul3A_2 : i32 to vector<16xi32>
    %add3A_443 = arith.addi %add3A_442, %mul3A_441 : vector<16xi32>
    %add3A_444 = arith.addi %add3A_443, %get3A_428 : vector<16xi32>
    %swap3A_445 = arith.constant 0 : i32
    %swap3A_446 = arith.index_cast %swap3A_445 : i32 to index
    %swap3A_447 = arith.constant 80 : index
    %swap3A_448 = tpu.vector_load %arg10[%swap3A_446, %swap3A_447] {strides = array<i32>} : memref<5x128xi32, #tpu.memory_space<vmem>>, vector<1x16xi32>,
    %swap3A_449 = vector.shape_cast %swap3A_448 : vector<1x16xi32> to vector<16xi32>
    %swap3A_450 = vector.shape_cast %add3A_444 : vector<16xi32> to vector<1x16xi32>
    tpu.vector_store %arg10[%swap3A_446, %swap3A_447], %swap3A_450 {strides = array<i32>} : memref<5x128xi32, #tpu.memory_space<vmem>>, vector<1x16xi32>,
    %eq3A_451 = arith.constant 1 : i32
    %eq3A_452 = vector.broadcast %eq3A_451 : i32 to vector<16xi32>
    %eq3A_453 = arith.cmpi eq, %get3A_428, %eq3A_452 : vector<16xi32>
    %jit3A_454 = arith.constant 0.000000e+00 : f32
    %broadcast_in_dim3A_455 = vector.broadcast %jit3A_454 : f32 to vector<16xf32>
    %select_n3A_456 = arith.select %eq3A_453, %broadcast_in_dim3A_455, %get3A_433 : vector<16xi1>, vector<16xf32>
    %swap3A_457 = arith.constant 0 : i32
    %swap3A_458 = arith.index_cast %swap3A_457 : i32 to index
    %swap3A_459 = arith.constant 80 : index
    %swap3A_460 = tpu.vector_load %arg9[%swap3A_458, %swap3A_459] {strides = array<i32>} : memref<5x128xf32, #tpu.memory_space<vmem>>, vector<1x16xf32>,
    %swap3A_461 = vector.shape_cast %swap3A_460 : vector<1x16xf32> to vector<16xf32>
    %swap3A_462 = vector.shape_cast %select_n3A_456 : vector<16xf32> to vector<1x16xf32>
    tpu.vector_store %arg9[%swap3A_458, %swap3A_459], %swap3A_462 {strides = array<i32>} : memref<5x128xf32, #tpu.memory_space<vmem>>, vector<1x16xf32>,
    %get3A_463 = arith.constant 0 : i32
    %get3A_464 = arith.index_cast %get3A_463 : i32 to index
    %get3A_465 = arith.constant 96 : index
    %get3A_466 = tpu.vector_load %arg6[%get3A_464, %get3A_465] {strides = array<i32>} : memref<5x128xi32, #tpu.memory_space<vmem>>, vector<1x16xi32>,
    %get3A_467 = vector.shape_cast %get3A_466 : vector<1x16xi32> to vector<16xi32>
    %get3A_468 = arith.constant 0 : i32
    %get3A_469 = arith.index_cast %get3A_468 : i32 to index
    %get3A_470 = arith.constant 96 : index
    %get3A_471 = tpu.vector_load %arg8[%get3A_469, %get3A_470] {strides = array<i32>} : memref<5x128xf32, #tpu.memory_space<vmem>>, vector<1x16xf32>,
    %get3A_472 = vector.shape_cast %get3A_471 : vector<1x16xf32> to vector<16xf32>
    %get3A_473 = arith.constant 0 : i32
    %get3A_474 = arith.index_cast %get3A_473 : i32 to index
    %get3A_475 = arith.constant 96 : index
    %get3A_476 = tpu.vector_load %arg7[%get3A_474, %get3A_475] {strides = array<i32>} : memref<5x128xi32, #tpu.memory_space<vmem>>, vector<1x16xi32>,
    %get3A_477 = vector.shape_cast %get3A_476 : vector<1x16xi32> to vector<16xi32>
    %mul3A_478 = arith.constant 100000 : i32
    %mul3A_479 = vector.broadcast %mul3A_478 : i32 to vector<16xi32>
    %mul3A_480 = arith.muli %get3A_477, %mul3A_479 : vector<16xi32>
    %add3A_481 = vector.broadcast %mul3A_2 : i32 to vector<16xi32>
    %add3A_482 = arith.addi %add3A_481, %mul3A_480 : vector<16xi32>
    %add3A_483 = arith.addi %add3A_482, %get3A_467 : vector<16xi32>
    %swap3A_484 = arith.constant 0 : i32
    %swap3A_485 = arith.index_cast %swap3A_484 : i32 to index
    %swap3A_486 = arith.constant 96 : index
    %swap3A_487 = tpu.vector_load %arg10[%swap3A_485, %swap3A_486] {strides = array<i32>} : memref<5x128xi32, #tpu.memory_space<vmem>>, vector<1x16xi32>,
    %swap3A_488 = vector.shape_cast %swap3A_487 : vector<1x16xi32> to vector<16xi32>
    %swap3A_489 = vector.shape_cast %add3A_483 : vector<16xi32> to vector<1x16xi32>
    tpu.vector_store %arg10[%swap3A_485, %swap3A_486], %swap3A_489 {strides = array<i32>} : memref<5x128xi32, #tpu.memory_space<vmem>>, vector<1x16xi32>,
    %eq3A_490 = arith.constant 1 : i32
    %eq3A_491 = vector.broadcast %eq3A_490 : i32 to vector<16xi32>
    %eq3A_492 = arith.cmpi eq, %get3A_467, %eq3A_491 : vector<16xi32>
    %jit3A_493 = arith.constant 0.000000e+00 : f32
    %broadcast_in_dim3A_494 = vector.broadcast %jit3A_493 : f32 to vector<16xf32>
    %select_n3A_495 = arith.select %eq3A_492, %broadcast_in_dim3A_494, %get3A_472 : vector<16xi1>, vector<16xf32>
    %swap3A_496 = arith.constant 0 : i32
    %swap3A_497 = arith.index_cast %swap3A_496 : i32 to index
    %swap3A_498 = arith.constant 96 : index
    %swap3A_499 = tpu.vector_load %arg9[%swap3A_497, %swap3A_498] {strides = array<i32>} : memref<5x128xf32, #tpu.memory_space<vmem>>, vector<1x16xf32>,
    %swap3A_500 = vector.shape_cast %swap3A_499 : vector<1x16xf32> to vector<16xf32>
    %swap3A_501 = vector.shape_cast %select_n3A_495 : vector<16xf32> to vector<1x16xf32>
    tpu.vector_store %arg9[%swap3A_497, %swap3A_498], %swap3A_501 {strides = array<i32>} : memref<5x128xf32, #tpu.memory_space<vmem>>, vector<1x16xf32>,
    %get3A_502 = arith.constant 0 : i32
    %get3A_503 = arith.index_cast %get3A_502 : i32 to index
    %get3A_504 = arith.constant 112 : index
    %get3A_505 = tpu.vector_load %arg6[%get3A_503, %get3A_504] {strides = array<i32>} : memref<5x128xi32, #tpu.memory_space<vmem>>, vector<1x16xi32>,
    %get3A_506 = vector.shape_cast %get3A_505 : vector<1x16xi32> to vector<16xi32>
    %get3A_507 = arith.constant 0 : i32
    %get3A_508 = arith.index_cast %get3A_507 : i32 to index
    %get3A_509 = arith.constant 112 : index
    %get3A_510 = tpu.vector_load %arg8[%get3A_508, %get3A_509] {strides = array<i32>} : memref<5x128xf32, #tpu.memory_space<vmem>>, vector<1x16xf32>,
    %get3A_511 = vector.shape_cast %get3A_510 : vector<1x16xf32> to vector<16xf32>
    %get3A_512 = arith.constant 0 : i32
    %get3A_513 = arith.index_cast %get3A_512 : i32 to index
    %get3A_514 = arith.constant 112 : index
    %get3A_515 = tpu.vector_load %arg7[%get3A_513, %get3A_514] {strides = array<i32>} : memref<5x128xi32, #tpu.memory_space<vmem>>, vector<1x16xi32>,
    %get3A_516 = vector.shape_cast %get3A_515 : vector<1x16xi32> to vector<16xi32>
    %mul3A_517 = arith.constant 100000 : i32
    %mul3A_518 = vector.broadcast %mul3A_517 : i32 to vector<16xi32>
    %mul3A_519 = arith.muli %get3A_516, %mul3A_518 : vector<16xi32>
    %add3A_520 = vector.broadcast %mul3A_2 : i32 to vector<16xi32>
    %add3A_521 = arith.addi %add3A_520, %mul3A_519 : vector<16xi32>
    %add3A_522 = arith.addi %add3A_521, %get3A_506 : vector<16xi32>
    %swap3A_523 = arith.constant 0 : i32
    %swap3A_524 = arith.index_cast %swap3A_523 : i32 to index
    %swap3A_525 = arith.constant 112 : index
    %swap3A_526 = tpu.vector_load %arg10[%swap3A_524, %swap3A_525] {strides = array<i32>} : memref<5x128xi32, #tpu.memory_space<vmem>>, vector<1x16xi32>,
    %swap3A_527 = vector.shape_cast %swap3A_526 : vector<1x16xi32> to vector<16xi32>
    %swap3A_528 = vector.shape_cast %add3A_522 : vector<16xi32> to vector<1x16xi32>
    tpu.vector_store %arg10[%swap3A_524, %swap3A_525], %swap3A_528 {strides = array<i32>} : memref<5x128xi32, #tpu.memory_space<vmem>>, vector<1x16xi32>,
    %eq3A_529 = arith.constant 1 : i32
    %eq3A_530 = vector.broadcast %eq3A_529 : i32 to vector<16xi32>
    %eq3A_531 = arith.cmpi eq, %get3A_506, %eq3A_530 : vector<16xi32>
    %jit3A_532 = arith.constant 0.000000e+00 : f32
    %broadcast_in_dim3A_533 = vector.broadcast %jit3A_532 : f32 to vector<16xf32>
    %select_n3A_534 = arith.select %eq3A_531, %broadcast_in_dim3A_533, %get3A_511 : vector<16xi1>, vector<16xf32>
    %swap3A_535 = arith.constant 0 : i32
    %swap3A_536 = arith.index_cast %swap3A_535 : i32 to index
    %swap3A_537 = arith.constant 112 : index
    %swap3A_538 = tpu.vector_load %arg9[%swap3A_536, %swap3A_537] {strides = array<i32>} : memref<5x128xf32, #tpu.memory_space<vmem>>, vector<1x16xf32>,
    %swap3A_539 = vector.shape_cast %swap3A_538 : vector<1x16xf32> to vector<16xf32>
    %swap3A_540 = vector.shape_cast %select_n3A_534 : vector<16xf32> to vector<1x16xf32>
    tpu.vector_store %arg9[%swap3A_536, %swap3A_537], %swap3A_540 {strides = array<i32>} : memref<5x128xf32, #tpu.memory_space<vmem>>, vector<1x16xf32>,
    %get3A_541 = arith.constant 1 : i32
    %get3A_542 = arith.index_cast %get3A_541 : i32 to index
    %get3A_543 = arith.constant 0 : index
    %get3A_544 = tpu.vector_load %arg6[%get3A_542, %get3A_543] {strides = array<i32>} : memref<5x128xi32, #tpu.memory_space<vmem>>, vector<1x16xi32>,
    %get3A_545 = vector.shape_cast %get3A_544 : vector<1x16xi32> to vector<16xi32>
    %get3A_546 = arith.constant 1 : i32
    %get3A_547 = arith.index_cast %get3A_546 : i32 to index
    %get3A_548 = arith.constant 0 : index
    %get3A_549 = tpu.vector_load %arg8[%get3A_547, %get3A_548] {strides = array<i32>} : memref<5x128xf32, #tpu.memory_space<vmem>>, vector<1x16xf32>,
    %get3A_550 = vector.shape_cast %get3A_549 : vector<1x16xf32> to vector<16xf32>
    %get3A_551 = arith.constant 1 : i32
    %get3A_552 = arith.index_cast %get3A_551 : i32 to index
    %get3A_553 = arith.constant 0 : index
    %get3A_554 = tpu.vector_load %arg7[%get3A_552, %get3A_553] {strides = array<i32>} : memref<5x128xi32, #tpu.memory_space<vmem>>, vector<1x16xi32>,
    %get3A_555 = vector.shape_cast %get3A_554 : vector<1x16xi32> to vector<16xi32>
    %mul3A_556 = arith.constant 100000 : i32
    %mul3A_557 = vector.broadcast %mul3A_556 : i32 to vector<16xi32>
    %mul3A_558 = arith.muli %get3A_555, %mul3A_557 : vector<16xi32>
    %add3A_559 = vector.broadcast %mul3A_2 : i32 to vector<16xi32>
    %add3A_560 = arith.addi %add3A_559, %mul3A_558 : vector<16xi32>
    %add3A_561 = arith.addi %add3A_560, %get3A_545 : vector<16xi32>
    %swap3A_562 = arith.constant 1 : i32
    %swap3A_563 = arith.index_cast %swap3A_562 : i32 to index
    %swap3A_564 = arith.constant 0 : index
    %swap3A_565 = tpu.vector_load %arg10[%swap3A_563, %swap3A_564] {strides = array<i32>} : memref<5x128xi32, #tpu.memory_space<vmem>>, vector<1x16xi32>,
    %swap3A_566 = vector.shape_cast %swap3A_565 : vector<1x16xi32> to vector<16xi32>
    %swap3A_567 = vector.shape_cast %add3A_561 : vector<16xi32> to vector<1x16xi32>
    tpu.vector_store %arg10[%swap3A_563, %swap3A_564], %swap3A_567 {strides = array<i32>} : memref<5x128xi32, #tpu.memory_space<vmem>>, vector<1x16xi32>,
    %eq3A_568 = arith.constant 1 : i32
    %eq3A_569 = vector.broadcast %eq3A_568 : i32 to vector<16xi32>
    %eq3A_570 = arith.cmpi eq, %get3A_545, %eq3A_569 : vector<16xi32>
    %jit3A_571 = arith.constant 0.000000e+00 : f32
    %broadcast_in_dim3A_572 = vector.broadcast %jit3A_571 : f32 to vector<16xf32>
    %select_n3A_573 = arith.select %eq3A_570, %broadcast_in_dim3A_572, %get3A_550 : vector<16xi1>, vector<16xf32>
    %swap3A_574 = arith.constant 1 : i32
    %swap3A_575 = arith.index_cast %swap3A_574 : i32 to index
    %swap3A_576 = arith.constant 0 : index
    %swap3A_577 = tpu.vector_load %arg9[%swap3A_575, %swap3A_576] {strides = array<i32>} : memref<5x128xf32, #tpu.memory_space<vmem>>, vector<1x16xf32>,
    %swap3A_578 = vector.shape_cast %swap3A_577 : vector<1x16xf32> to vector<16xf32>
    %swap3A_579 = vector.shape_cast %select_n3A_573 : vector<16xf32> to vector<1x16xf32>
    tpu.vector_store %arg9[%swap3A_575, %swap3A_576], %swap3A_579 {strides = array<i32>} : memref<5x128xf32, #tpu.memory_space<vmem>>, vector<1x16xf32>,
    %get3A_580 = arith.constant 1 : i32
    %get3A_581 = arith.index_cast %get3A_580 : i32 to index
    %get3A_582 = arith.constant 16 : index
    %get3A_583 = tpu.vector_load %arg6[%get3A_581, %get3A_582] {strides = array<i32>} : memref<5x128xi32, #tpu.memory_space<vmem>>, vector<1x16xi32>,
    %get3A_584 = vector.shape_cast %get3A_583 : vector<1x16xi32> to vector<16xi32>
    %get3A_585 = arith.constant 1 : i32
    %get3A_586 = arith.index_cast %get3A_585 : i32 to index
    %get3A_587 = arith.constant 16 : index
    %get3A_588 = tpu.vector_load %arg8[%get3A_586, %get3A_587] {strides = array<i32>} : memref<5x128xf32, #tpu.memory_space<vmem>>, vector<1x16xf32>,
    %get3A_589 = vector.shape_cast %get3A_588 : vector<1x16xf32> to vector<16xf32>
    %get3A_590 = arith.constant 1 : i32
    %get3A_591 = arith.index_cast %get3A_590 : i32 to index
    %get3A_592 = arith.constant 16 : index
    %get3A_593 = tpu.vector_load %arg7[%get3A_591, %get3A_592] {strides = array<i32>} : memref<5x128xi32, #tpu.memory_space<vmem>>, vector<1x16xi32>,
    %get3A_594 = vector.shape_cast %get3A_593 : vector<1x16xi32> to vector<16xi32>
    %mul3A_595 = arith.constant 100000 : i32
    %mul3A_596 = vector.broadcast %mul3A_595 : i32 to vector<16xi32>
    %mul3A_597 = arith.muli %get3A_594, %mul3A_596 : vector<16xi32>
    %add3A_598 = vector.broadcast %mul3A_2 : i32 to vector<16xi32>
    %add3A_599 = arith.addi %add3A_598, %mul3A_597 : vector<16xi32>
    %add3A_600 = arith.addi %add3A_599, %get3A_584 : vector<16xi32>
    %swap3A_601 = arith.constant 1 : i32
    %swap3A_602 = arith.index_cast %swap3A_601 : i32 to index
    %swap3A_603 = arith.constant 16 : index
    %swap3A_604 = tpu.vector_load %arg10[%swap3A_602, %swap3A_603] {strides = array<i32>} : memref<5x128xi32, #tpu.memory_space<vmem>>, vector<1x16xi32>,
    %swap3A_605 = vector.shape_cast %swap3A_604 : vector<1x16xi32> to vector<16xi32>
    %swap3A_606 = vector.shape_cast %add3A_600 : vector<16xi32> to vector<1x16xi32>
    tpu.vector_store %arg10[%swap3A_602, %swap3A_603], %swap3A_606 {strides = array<i32>} : memref<5x128xi32, #tpu.memory_space<vmem>>, vector<1x16xi32>,
    %eq3A_607 = arith.constant 1 : i32
    %eq3A_608 = vector.broadcast %eq3A_607 : i32 to vector<16xi32>
    %eq3A_609 = arith.cmpi eq, %get3A_584, %eq3A_608 : vector<16xi32>
    %jit3A_610 = arith.constant 0.000000e+00 : f32
    %broadcast_in_dim3A_611 = vector.broadcast %jit3A_610 : f32 to vector<16xf32>
    %select_n3A_612 = arith.select %eq3A_609, %broadcast_in_dim3A_611, %get3A_589 : vector<16xi1>, vector<16xf32>
    %swap3A_613 = arith.constant 1 : i32
    %swap3A_614 = arith.index_cast %swap3A_613 : i32 to index
    %swap3A_615 = arith.constant 16 : index
    %swap3A_616 = tpu.vector_load %arg9[%swap3A_614, %swap3A_615] {strides = array<i32>} : memref<5x128xf32, #tpu.memory_space<vmem>>, vector<1x16xf32>,
    %swap3A_617 = vector.shape_cast %swap3A_616 : vector<1x16xf32> to vector<16xf32>
    %swap3A_618 = vector.shape_cast %select_n3A_612 : vector<16xf32> to vector<1x16xf32>
    tpu.vector_store %arg9[%swap3A_614, %swap3A_615], %swap3A_618 {strides = array<i32>} : memref<5x128xf32, #tpu.memory_space<vmem>>, vector<1x16xf32>,
    %get3A_619 = arith.constant 1 : i32
    %get3A_620 = arith.index_cast %get3A_619 : i32 to index
    %get3A_621 = arith.constant 32 : index
    %get3A_622 = tpu.vector_load %arg6[%get3A_620, %get3A_621] {strides = array<i32>} : memref<5x128xi32, #tpu.memory_space<vmem>>, vector<1x16xi32>,
    %get3A_623 = vector.shape_cast %get3A_622 : vector<1x16xi32> to vector<16xi32>
    %get3A_624 = arith.constant 1 : i32
    %get3A_625 = arith.index_cast %get3A_624 : i32 to index
    %get3A_626 = arith.constant 32 : index
    %get3A_627 = tpu.vector_load %arg8[%get3A_625, %get3A_626] {strides = array<i32>} : memref<5x128xf32, #tpu.memory_space<vmem>>, vector<1x16xf32>,
    %get3A_628 = vector.shape_cast %get3A_627 : vector<1x16xf32> to vector<16xf32>
    %get3A_629 = arith.constant 1 : i32
    %get3A_630 = arith.index_cast %get3A_629 : i32 to index
    %get3A_631 = arith.constant 32 : index
    %get3A_632 = tpu.vector_load %arg7[%get3A_630, %get3A_631] {strides = array<i32>} : memref<5x128xi32, #tpu.memory_space<vmem>>, vector<1x16xi32>,
    %get3A_633 = vector.shape_cast %get3A_632 : vector<1x16xi32> to vector<16xi32>
    %mul3A_634 = arith.constant 100000 : i32
    %mul3A_635 = vector.broadcast %mul3A_634 : i32 to vector<16xi32>
    %mul3A_636 = arith.muli %get3A_633, %mul3A_635 : vector<16xi32>
    %add3A_637 = vector.broadcast %mul3A_2 : i32 to vector<16xi32>
    %add3A_638 = arith.addi %add3A_637, %mul3A_636 : vector<16xi32>
    %add3A_639 = arith.addi %add3A_638, %get3A_623 : vector<16xi32>
    %swap3A_640 = arith.constant 1 : i32
    %swap3A_641 = arith.index_cast %swap3A_640 : i32 to index
    %swap3A_642 = arith.constant 32 : index
    %swap3A_643 = tpu.vector_load %arg10[%swap3A_641, %swap3A_642] {strides = array<i32>} : memref<5x128xi32, #tpu.memory_space<vmem>>, vector<1x16xi32>,
    %swap3A_644 = vector.shape_cast %swap3A_643 : vector<1x16xi32> to vector<16xi32>
    %swap3A_645 = vector.shape_cast %add3A_639 : vector<16xi32> to vector<1x16xi32>
    tpu.vector_store %arg10[%swap3A_641, %swap3A_642], %swap3A_645 {strides = array<i32>} : memref<5x128xi32, #tpu.memory_space<vmem>>, vector<1x16xi32>,
    %eq3A_646 = arith.constant 1 : i32
    %eq3A_647 = vector.broadcast %eq3A_646 : i32 to vector<16xi32>
    %eq3A_648 = arith.cmpi eq, %get3A_623, %eq3A_647 : vector<16xi32>
    %jit3A_649 = arith.constant 0.000000e+00 : f32
    %broadcast_in_dim3A_650 = vector.broadcast %jit3A_649 : f32 to vector<16xf32>
    %select_n3A_651 = arith.select %eq3A_648, %broadcast_in_dim3A_650, %get3A_628 : vector<16xi1>, vector<16xf32>
    %swap3A_652 = arith.constant 1 : i32
    %swap3A_653 = arith.index_cast %swap3A_652 : i32 to index
    %swap3A_654 = arith.constant 32 : index
    %swap3A_655 = tpu.vector_load %arg9[%swap3A_653, %swap3A_654] {strides = array<i32>} : memref<5x128xf32, #tpu.memory_space<vmem>>, vector<1x16xf32>,
    %swap3A_656 = vector.shape_cast %swap3A_655 : vector<1x16xf32> to vector<16xf32>
    %swap3A_657 = vector.shape_cast %select_n3A_651 : vector<16xf32> to vector<1x16xf32>
    tpu.vector_store %arg9[%swap3A_653, %swap3A_654], %swap3A_657 {strides = array<i32>} : memref<5x128xf32, #tpu.memory_space<vmem>>, vector<1x16xf32>,
    %get3A_658 = arith.constant 1 : i32
    %get3A_659 = arith.index_cast %get3A_658 : i32 to index
    %get3A_660 = arith.constant 48 : index
    %get3A_661 = tpu.vector_load %arg6[%get3A_659, %get3A_660] {strides = array<i32>} : memref<5x128xi32, #tpu.memory_space<vmem>>, vector<1x16xi32>,
    %get3A_662 = vector.shape_cast %get3A_661 : vector<1x16xi32> to vector<16xi32>
    %get3A_663 = arith.constant 1 : i32
    %get3A_664 = arith.index_cast %get3A_663 : i32 to index
    %get3A_665 = arith.constant 48 : index
    %get3A_666 = tpu.vector_load %arg8[%get3A_664, %get3A_665] {strides = array<i32>} : memref<5x128xf32, #tpu.memory_space<vmem>>, vector<1x16xf32>,
    %get3A_667 = vector.shape_cast %get3A_666 : vector<1x16xf32> to vector<16xf32>
    %get3A_668 = arith.constant 1 : i32
    %get3A_669 = arith.index_cast %get3A_668 : i32 to index
    %get3A_670 = arith.constant 48 : index
    %get3A_671 = tpu.vector_load %arg7[%get3A_669, %get3A_670] {strides = array<i32>} : memref<5x128xi32, #tpu.memory_space<vmem>>, vector<1x16xi32>,
    %get3A_672 = vector.shape_cast %get3A_671 : vector<1x16xi32> to vector<16xi32>
    %mul3A_673 = arith.constant 100000 : i32
    %mul3A_674 = vector.broadcast %mul3A_673 : i32 to vector<16xi32>
    %mul3A_675 = arith.muli %get3A_672, %mul3A_674 : vector<16xi32>
    %add3A_676 = vector.broadcast %mul3A_2 : i32 to vector<16xi32>
    %add3A_677 = arith.addi %add3A_676, %mul3A_675 : vector<16xi32>
    %add3A_678 = arith.addi %add3A_677, %get3A_662 : vector<16xi32>
    %swap3A_679 = arith.constant 1 : i32
    %swap3A_680 = arith.index_cast %swap3A_679 : i32 to index
    %swap3A_681 = arith.constant 48 : index
    %swap3A_682 = tpu.vector_load %arg10[%swap3A_680, %swap3A_681] {strides = array<i32>} : memref<5x128xi32, #tpu.memory_space<vmem>>, vector<1x16xi32>,
    %swap3A_683 = vector.shape_cast %swap3A_682 : vector<1x16xi32> to vector<16xi32>
    %swap3A_684 = vector.shape_cast %add3A_678 : vector<16xi32> to vector<1x16xi32>
    tpu.vector_store %arg10[%swap3A_680, %swap3A_681], %swap3A_684 {strides = array<i32>} : memref<5x128xi32, #tpu.memory_space<vmem>>, vector<1x16xi32>,
    %eq3A_685 = arith.constant 1 : i32
    %eq3A_686 = vector.broadcast %eq3A_685 : i32 to vector<16xi32>
    %eq3A_687 = arith.cmpi eq, %get3A_662, %eq3A_686 : vector<16xi32>
    %jit3A_688 = arith.constant 0.000000e+00 : f32
    %broadcast_in_dim3A_689 = vector.broadcast %jit3A_688 : f32 to vector<16xf32>
    %select_n3A_690 = arith.select %eq3A_687, %broadcast_in_dim3A_689, %get3A_667 : vector<16xi1>, vector<16xf32>
    %swap3A_691 = arith.constant 1 : i32
    %swap3A_692 = arith.index_cast %swap3A_691 : i32 to index
    %swap3A_693 = arith.constant 48 : index
    %swap3A_694 = tpu.vector_load %arg9[%swap3A_692, %swap3A_693] {strides = array<i32>} : memref<5x128xf32, #tpu.memory_space<vmem>>, vector<1x16xf32>,
    %swap3A_695 = vector.shape_cast %swap3A_694 : vector<1x16xf32> to vector<16xf32>
    %swap3A_696 = vector.shape_cast %select_n3A_690 : vector<16xf32> to vector<1x16xf32>
    tpu.vector_store %arg9[%swap3A_692, %swap3A_693], %swap3A_696 {strides = array<i32>} : memref<5x128xf32, #tpu.memory_space<vmem>>, vector<1x16xf32>,
    %get3A_697 = arith.constant 1 : i32
    %get3A_698 = arith.index_cast %get3A_697 : i32 to index
    %get3A_699 = arith.constant 64 : index
    %get3A_700 = tpu.vector_load %arg6[%get3A_698, %get3A_699] {strides = array<i32>} : memref<5x128xi32, #tpu.memory_space<vmem>>, vector<1x16xi32>,
    %get3A_701 = vector.shape_cast %get3A_700 : vector<1x16xi32> to vector<16xi32>
    %get3A_702 = arith.constant 1 : i32
    %get3A_703 = arith.index_cast %get3A_702 : i32 to index
    %get3A_704 = arith.constant 64 : index
    %get3A_705 = tpu.vector_load %arg8[%get3A_703, %get3A_704] {strides = array<i32>} : memref<5x128xf32, #tpu.memory_space<vmem>>, vector<1x16xf32>,
    %get3A_706 = vector.shape_cast %get3A_705 : vector<1x16xf32> to vector<16xf32>
    %get3A_707 = arith.constant 1 : i32
    %get3A_708 = arith.index_cast %get3A_707 : i32 to index
    %get3A_709 = arith.constant 64 : index
    %get3A_710 = tpu.vector_load %arg7[%get3A_708, %get3A_709] {strides = array<i32>} : memref<5x128xi32, #tpu.memory_space<vmem>>, vector<1x16xi32>,
    %get3A_711 = vector.shape_cast %get3A_710 : vector<1x16xi32> to vector<16xi32>
    %mul3A_712 = arith.constant 100000 : i32
    %mul3A_713 = vector.broadcast %mul3A_712 : i32 to vector<16xi32>
    %mul3A_714 = arith.muli %get3A_711, %mul3A_713 : vector<16xi32>
    %add3A_715 = vector.broadcast %mul3A_2 : i32 to vector<16xi32>
    %add3A_716 = arith.addi %add3A_715, %mul3A_714 : vector<16xi32>
    %add3A_717 = arith.addi %add3A_716, %get3A_701 : vector<16xi32>
    %swap3A_718 = arith.constant 1 : i32
    %swap3A_719 = arith.index_cast %swap3A_718 : i32 to index
    %swap3A_720 = arith.constant 64 : index
    %swap3A_721 = tpu.vector_load %arg10[%swap3A_719, %swap3A_720] {strides = array<i32>} : memref<5x128xi32, #tpu.memory_space<vmem>>, vector<1x16xi32>,
    %swap3A_722 = vector.shape_cast %swap3A_721 : vector<1x16xi32> to vector<16xi32>
    %swap3A_723 = vector.shape_cast %add3A_717 : vector<16xi32> to vector<1x16xi32>
    tpu.vector_store %arg10[%swap3A_719, %swap3A_720], %swap3A_723 {strides = array<i32>} : memref<5x128xi32, #tpu.memory_space<vmem>>, vector<1x16xi32>,
    %eq3A_724 = arith.constant 1 : i32
    %eq3A_725 = vector.broadcast %eq3A_724 : i32 to vector<16xi32>
    %eq3A_726 = arith.cmpi eq, %get3A_701, %eq3A_725 : vector<16xi32>
    %jit3A_727 = arith.constant 0.000000e+00 : f32
    %broadcast_in_dim3A_728 = vector.broadcast %jit3A_727 : f32 to vector<16xf32>
    %select_n3A_729 = arith.select %eq3A_726, %broadcast_in_dim3A_728, %get3A_706 : vector<16xi1>, vector<16xf32>
    %swap3A_730 = arith.constant 1 : i32
    %swap3A_731 = arith.index_cast %swap3A_730 : i32 to index
    %swap3A_732 = arith.constant 64 : index
    %swap3A_733 = tpu.vector_load %arg9[%swap3A_731, %swap3A_732] {strides = array<i32>} : memref<5x128xf32, #tpu.memory_space<vmem>>, vector<1x16xf32>,
    %swap3A_734 = vector.shape_cast %swap3A_733 : vector<1x16xf32> to vector<16xf32>
    %swap3A_735 = vector.shape_cast %select_n3A_729 : vector<16xf32> to vector<1x16xf32>
    tpu.vector_store %arg9[%swap3A_731, %swap3A_732], %swap3A_735 {strides = array<i32>} : memref<5x128xf32, #tpu.memory_space<vmem>>, vector<1x16xf32>,
    %get3A_736 = arith.constant 1 : i32
    %get3A_737 = arith.index_cast %get3A_736 : i32 to index
    %get3A_738 = arith.constant 80 : index
    %get3A_739 = tpu.vector_load %arg6[%get3A_737, %get3A_738] {strides = array<i32>} : memref<5x128xi32, #tpu.memory_space<vmem>>, vector<1x16xi32>,
    %get3A_740 = vector.shape_cast %get3A_739 : vector<1x16xi32> to vector<16xi32>
    %get3A_741 = arith.constant 1 : i32
    %get3A_742 = arith.index_cast %get3A_741 : i32 to index
    %get3A_743 = arith.constant 80 : index
    %get3A_744 = tpu.vector_load %arg8[%get3A_742, %get3A_743] {strides = array<i32>} : memref<5x128xf32, #tpu.memory_space<vmem>>, vector<1x16xf32>,
    %get3A_745 = vector.shape_cast %get3A_744 : vector<1x16xf32> to vector<16xf32>
    %get3A_746 = arith.constant 1 : i32
    %get3A_747 = arith.index_cast %get3A_746 : i32 to index
    %get3A_748 = arith.constant 80 : index
    %get3A_749 = tpu.vector_load %arg7[%get3A_747, %get3A_748] {strides = array<i32>} : memref<5x128xi32, #tpu.memory_space<vmem>>, vector<1x16xi32>,
    %get3A_750 = vector.shape_cast %get3A_749 : vector<1x16xi32> to vector<16xi32>
    %mul3A_751 = arith.constant 100000 : i32
    %mul3A_752 = vector.broadcast %mul3A_751 : i32 to vector<16xi32>
    %mul3A_753 = arith.muli %get3A_750, %mul3A_752 : vector<16xi32>
    %add3A_754 = vector.broadcast %mul3A_2 : i32 to vector<16xi32>
    %add3A_755 = arith.addi %add3A_754, %mul3A_753 : vector<16xi32>
    %add3A_756 = arith.addi %add3A_755, %get3A_740 : vector<16xi32>
    %swap3A_757 = arith.constant 1 : i32
    %swap3A_758 = arith.index_cast %swap3A_757 : i32 to index
    %swap3A_759 = arith.constant 80 : index
    %swap3A_760 = tpu.vector_load %arg10[%swap3A_758, %swap3A_759] {strides = array<i32>} : memref<5x128xi32, #tpu.memory_space<vmem>>, vector<1x16xi32>,
    %swap3A_761 = vector.shape_cast %swap3A_760 : vector<1x16xi32> to vector<16xi32>
    %swap3A_762 = vector.shape_cast %add3A_756 : vector<16xi32> to vector<1x16xi32>
    tpu.vector_store %arg10[%swap3A_758, %swap3A_759], %swap3A_762 {strides = array<i32>} : memref<5x128xi32, #tpu.memory_space<vmem>>, vector<1x16xi32>,
    %eq3A_763 = arith.constant 1 : i32
    %eq3A_764 = vector.broadcast %eq3A_763 : i32 to vector<16xi32>
    %eq3A_765 = arith.cmpi eq, %get3A_740, %eq3A_764 : vector<16xi32>
    %jit3A_766 = arith.constant 0.000000e+00 : f32
    %broadcast_in_dim3A_767 = vector.broadcast %jit3A_766 : f32 to vector<16xf32>
    %select_n3A_768 = arith.select %eq3A_765, %broadcast_in_dim3A_767, %get3A_745 : vector<16xi1>, vector<16xf32>
    %swap3A_769 = arith.constant 1 : i32
    %swap3A_770 = arith.index_cast %swap3A_769 : i32 to index
    %swap3A_771 = arith.constant 80 : index
    %swap3A_772 = tpu.vector_load %arg9[%swap3A_770, %swap3A_771] {strides = array<i32>} : memref<5x128xf32, #tpu.memory_space<vmem>>, vector<1x16xf32>,
    %swap3A_773 = vector.shape_cast %swap3A_772 : vector<1x16xf32> to vector<16xf32>
    %swap3A_774 = vector.shape_cast %select_n3A_768 : vector<16xf32> to vector<1x16xf32>
    tpu.vector_store %arg9[%swap3A_770, %swap3A_771], %swap3A_774 {strides = array<i32>} : memref<5x128xf32, #tpu.memory_space<vmem>>, vector<1x16xf32>,
    %get3A_775 = arith.constant 1 : i32
    %get3A_776 = arith.index_cast %get3A_775 : i32 to index
    %get3A_777 = arith.constant 96 : index
    %get3A_778 = tpu.vector_load %arg6[%get3A_776, %get3A_777] {strides = array<i32>} : memref<5x128xi32, #tpu.memory_space<vmem>>, vector<1x16xi32>,
    %get3A_779 = vector.shape_cast %get3A_778 : vector<1x16xi32> to vector<16xi32>
    %get3A_780 = arith.constant 1 : i32
    %get3A_781 = arith.index_cast %get3A_780 : i32 to index
    %get3A_782 = arith.constant 96 : index
    %get3A_783 = tpu.vector_load %arg8[%get3A_781, %get3A_782] {strides = array<i32>} : memref<5x128xf32, #tpu.memory_space<vmem>>, vector<1x16xf32>,
    %get3A_784 = vector.shape_cast %get3A_783 : vector<1x16xf32> to vector<16xf32>
    %get3A_785 = arith.constant 1 : i32
    %get3A_786 = arith.index_cast %get3A_785 : i32 to index
    %get3A_787 = arith.constant 96 : index
    %get3A_788 = tpu.vector_load %arg7[%get3A_786, %get3A_787] {strides = array<i32>} : memref<5x128xi32, #tpu.memory_space<vmem>>, vector<1x16xi32>,
    %get3A_789 = vector.shape_cast %get3A_788 : vector<1x16xi32> to vector<16xi32>
    %mul3A_790 = arith.constant 100000 : i32
    %mul3A_791 = vector.broadcast %mul3A_790 : i32 to vector<16xi32>
    %mul3A_792 = arith.muli %get3A_789, %mul3A_791 : vector<16xi32>
    %add3A_793 = vector.broadcast %mul3A_2 : i32 to vector<16xi32>
    %add3A_794 = arith.addi %add3A_793, %mul3A_792 : vector<16xi32>
    %add3A_795 = arith.addi %add3A_794, %get3A_779 : vector<16xi32>
    %swap3A_796 = arith.constant 1 : i32
    %swap3A_797 = arith.index_cast %swap3A_796 : i32 to index
    %swap3A_798 = arith.constant 96 : index
    %swap3A_799 = tpu.vector_load %arg10[%swap3A_797, %swap3A_798] {strides = array<i32>} : memref<5x128xi32, #tpu.memory_space<vmem>>, vector<1x16xi32>,
    %swap3A_800 = vector.shape_cast %swap3A_799 : vector<1x16xi32> to vector<16xi32>
    %swap3A_801 = vector.shape_cast %add3A_795 : vector<16xi32> to vector<1x16xi32>
    tpu.vector_store %arg10[%swap3A_797, %swap3A_798], %swap3A_801 {strides = array<i32>} : memref<5x128xi32, #tpu.memory_space<vmem>>, vector<1x16xi32>,
    %eq3A_802 = arith.constant 1 : i32
    %eq3A_803 = vector.broadcast %eq3A_802 : i32 to vector<16xi32>
    %eq3A_804 = arith.cmpi eq, %get3A_779, %eq3A_803 : vector<16xi32>
    %jit3A_805 = arith.constant 0.000000e+00 : f32
    %broadcast_in_dim3A_806 = vector.broadcast %jit3A_805 : f32 to vector<16xf32>
    %select_n3A_807 = arith.select %eq3A_804, %broadcast_in_dim3A_806, %get3A_784 : vector<16xi1>, vector<16xf32>
    %swap3A_808 = arith.constant 1 : i32
    %swap3A_809 = arith.index_cast %swap3A_808 : i32 to index
    %swap3A_810 = arith.constant 96 : index
    %swap3A_811 = tpu.vector_load %arg9[%swap3A_809, %swap3A_810] {strides = array<i32>} : memref<5x128xf32, #tpu.memory_space<vmem>>, vector<1x16xf32>,
    %swap3A_812 = vector.shape_cast %swap3A_811 : vector<1x16xf32> to vector<16xf32>
    %swap3A_813 = vector.shape_cast %select_n3A_807 : vector<16xf32> to vector<1x16xf32>
    tpu.vector_store %arg9[%swap3A_809, %swap3A_810], %swap3A_813 {strides = array<i32>} : memref<5x128xf32, #tpu.memory_space<vmem>>, vector<1x16xf32>,
    %get3A_814 = arith.constant 1 : i32
    %get3A_815 = arith.index_cast %get3A_814 : i32 to index
    %get3A_816 = arith.constant 112 : index
    %get3A_817 = tpu.vector_load %arg6[%get3A_815, %get3A_816] {strides = array<i32>} : memref<5x128xi32, #tpu.memory_space<vmem>>, vector<1x16xi32>,
    %get3A_818 = vector.shape_cast %get3A_817 : vector<1x16xi32> to vector<16xi32>
    %get3A_819 = arith.constant 1 : i32
    %get3A_820 = arith.index_cast %get3A_819 : i32 to index
    %get3A_821 = arith.constant 112 : index
    %get3A_822 = tpu.vector_load %arg8[%get3A_820, %get3A_821] {strides = array<i32>} : memref<5x128xf32, #tpu.memory_space<vmem>>, vector<1x16xf32>,
    %get3A_823 = vector.shape_cast %get3A_822 : vector<1x16xf32> to vector<16xf32>
    %get3A_824 = arith.constant 1 : i32
    %get3A_825 = arith.index_cast %get3A_824 : i32 to index
    %get3A_826 = arith.constant 112 : index
    %get3A_827 = tpu.vector_load %arg7[%get3A_825, %get3A_826] {strides = array<i32>} : memref<5x128xi32, #tpu.memory_space<vmem>>, vector<1x16xi32>,
    %get3A_828 = vector.shape_cast %get3A_827 : vector<1x16xi32> to vector<16xi32>
    %mul3A_829 = arith.constant 100000 : i32
    %mul3A_830 = vector.broadcast %mul3A_829 : i32 to vector<16xi32>
    %mul3A_831 = arith.muli %get3A_828, %mul3A_830 : vector<16xi32>
    %add3A_832 = vector.broadcast %mul3A_2 : i32 to vector<16xi32>
    %add3A_833 = arith.addi %add3A_832, %mul3A_831 : vector<16xi32>
    %add3A_834 = arith.addi %add3A_833, %get3A_818 : vector<16xi32>
    %swap3A_835 = arith.constant 1 : i32
    %swap3A_836 = arith.index_cast %swap3A_835 : i32 to index
    %swap3A_837 = arith.constant 112 : index
    %swap3A_838 = tpu.vector_load %arg10[%swap3A_836, %swap3A_837] {strides = array<i32>} : memref<5x128xi32, #tpu.memory_space<vmem>>, vector<1x16xi32>,
    %swap3A_839 = vector.shape_cast %swap3A_838 : vector<1x16xi32> to vector<16xi32>
    %swap3A_840 = vector.shape_cast %add3A_834 : vector<16xi32> to vector<1x16xi32>
    tpu.vector_store %arg10[%swap3A_836, %swap3A_837], %swap3A_840 {strides = array<i32>} : memref<5x128xi32, #tpu.memory_space<vmem>>, vector<1x16xi32>,
    %eq3A_841 = arith.constant 1 : i32
    %eq3A_842 = vector.broadcast %eq3A_841 : i32 to vector<16xi32>
    %eq3A_843 = arith.cmpi eq, %get3A_818, %eq3A_842 : vector<16xi32>
    %jit3A_844 = arith.constant 0.000000e+00 : f32
    %broadcast_in_dim3A_845 = vector.broadcast %jit3A_844 : f32 to vector<16xf32>
    %select_n3A_846 = arith.select %eq3A_843, %broadcast_in_dim3A_845, %get3A_823 : vector<16xi1>, vector<16xf32>
    %swap3A_847 = arith.constant 1 : i32
    %swap3A_848 = arith.index_cast %swap3A_847 : i32 to index
    %swap3A_849 = arith.constant 112 : index
    %swap3A_850 = tpu.vector_load %arg9[%swap3A_848, %swap3A_849] {strides = array<i32>} : memref<5x128xf32, #tpu.memory_space<vmem>>, vector<1x16xf32>,
    %swap3A_851 = vector.shape_cast %swap3A_850 : vector<1x16xf32> to vector<16xf32>
    %swap3A_852 = vector.shape_cast %select_n3A_846 : vector<16xf32> to vector<1x16xf32>
    tpu.vector_store %arg9[%swap3A_848, %swap3A_849], %swap3A_852 {strides = array<i32>} : memref<5x128xf32, #tpu.memory_space<vmem>>, vector<1x16xf32>,
    %get3A_853 = arith.constant 2 : i32
    %get3A_854 = arith.index_cast %get3A_853 : i32 to index
    %get3A_855 = arith.constant 0 : index
    %get3A_856 = tpu.vector_load %arg6[%get3A_854, %get3A_855] {strides = array<i32>} : memref<5x128xi32, #tpu.memory_space<vmem>>, vector<1x16xi32>,
    %get3A_857 = vector.shape_cast %get3A_856 : vector<1x16xi32> to vector<16xi32>
    %get3A_858 = arith.constant 2 : i32
    %get3A_859 = arith.index_cast %get3A_858 : i32 to index
    %get3A_860 = arith.constant 0 : index
    %get3A_861 = tpu.vector_load %arg8[%get3A_859, %get3A_860] {strides = array<i32>} : memref<5x128xf32, #tpu.memory_space<vmem>>, vector<1x16xf32>,
    %get3A_862 = vector.shape_cast %get3A_861 : vector<1x16xf32> to vector<16xf32>
    %get3A_863 = arith.constant 2 : i32
    %get3A_864 = arith.index_cast %get3A_863 : i32 to index
    %get3A_865 = arith.constant 0 : index
    %get3A_866 = tpu.vector_load %arg7[%get3A_864, %get3A_865] {strides = array<i32>} : memref<5x128xi32, #tpu.memory_space<vmem>>, vector<1x16xi32>,
    %get3A_867 = vector.shape_cast %get3A_866 : vector<1x16xi32> to vector<16xi32>
    %mul3A_868 = arith.constant 100000 : i32
    %mul3A_869 = vector.broadcast %mul3A_868 : i32 to vector<16xi32>
    %mul3A_870 = arith.muli %get3A_867, %mul3A_869 : vector<16xi32>
    %add3A_871 = vector.broadcast %mul3A_2 : i32 to vector<16xi32>
    %add3A_872 = arith.addi %add3A_871, %mul3A_870 : vector<16xi32>
    %add3A_873 = arith.addi %add3A_872, %get3A_857 : vector<16xi32>
    %swap3A_874 = arith.constant 2 : i32
    %swap3A_875 = arith.index_cast %swap3A_874 : i32 to index
    %swap3A_876 = arith.constant 0 : index
    %swap3A_877 = tpu.vector_load %arg10[%swap3A_875, %swap3A_876] {strides = array<i32>} : memref<5x128xi32, #tpu.memory_space<vmem>>, vector<1x16xi32>,
    %swap3A_878 = vector.shape_cast %swap3A_877 : vector<1x16xi32> to vector<16xi32>
    %swap3A_879 = vector.shape_cast %add3A_873 : vector<16xi32> to vector<1x16xi32>
    tpu.vector_store %arg10[%swap3A_875, %swap3A_876], %swap3A_879 {strides = array<i32>} : memref<5x128xi32, #tpu.memory_space<vmem>>, vector<1x16xi32>,
    %eq3A_880 = arith.constant 1 : i32
    %eq3A_881 = vector.broadcast %eq3A_880 : i32 to vector<16xi32>
    %eq3A_882 = arith.cmpi eq, %get3A_857, %eq3A_881 : vector<16xi32>
    %jit3A_883 = arith.constant 0.000000e+00 : f32
    %broadcast_in_dim3A_884 = vector.broadcast %jit3A_883 : f32 to vector<16xf32>
    %select_n3A_885 = arith.select %eq3A_882, %broadcast_in_dim3A_884, %get3A_862 : vector<16xi1>, vector<16xf32>
    %swap3A_886 = arith.constant 2 : i32
    %swap3A_887 = arith.index_cast %swap3A_886 : i32 to index
    %swap3A_888 = arith.constant 0 : index
    %swap3A_889 = tpu.vector_load %arg9[%swap3A_887, %swap3A_888] {strides = array<i32>} : memref<5x128xf32, #tpu.memory_space<vmem>>, vector<1x16xf32>,
    %swap3A_890 = vector.shape_cast %swap3A_889 : vector<1x16xf32> to vector<16xf32>
    %swap3A_891 = vector.shape_cast %select_n3A_885 : vector<16xf32> to vector<1x16xf32>
    tpu.vector_store %arg9[%swap3A_887, %swap3A_888], %swap3A_891 {strides = array<i32>} : memref<5x128xf32, #tpu.memory_space<vmem>>, vector<1x16xf32>,
    %get3A_892 = arith.constant 2 : i32
    %get3A_893 = arith.index_cast %get3A_892 : i32 to index
    %get3A_894 = arith.constant 16 : index
    %get3A_895 = tpu.vector_load %arg6[%get3A_893, %get3A_894] {strides = array<i32>} : memref<5x128xi32, #tpu.memory_space<vmem>>, vector<1x16xi32>,
    %get3A_896 = vector.shape_cast %get3A_895 : vector<1x16xi32> to vector<16xi32>
    %get3A_897 = arith.constant 2 : i32
    %get3A_898 = arith.index_cast %get3A_897 : i32 to index
    %get3A_899 = arith.constant 16 : index
    %get3A_900 = tpu.vector_load %arg8[%get3A_898, %get3A_899] {strides = array<i32>} : memref<5x128xf32, #tpu.memory_space<vmem>>, vector<1x16xf32>,
    %get3A_901 = vector.shape_cast %get3A_900 : vector<1x16xf32> to vector<16xf32>
    %get3A_902 = arith.constant 2 : i32
    %get3A_903 = arith.index_cast %get3A_902 : i32 to index
    %get3A_904 = arith.constant 16 : index
    %get3A_905 = tpu.vector_load %arg7[%get3A_903, %get3A_904] {strides = array<i32>} : memref<5x128xi32, #tpu.memory_space<vmem>>, vector<1x16xi32>,
    %get3A_906 = vector.shape_cast %get3A_905 : vector<1x16xi32> to vector<16xi32>
    %mul3A_907 = arith.constant 100000 : i32
    %mul3A_908 = vector.broadcast %mul3A_907 : i32 to vector<16xi32>
    %mul3A_909 = arith.muli %get3A_906, %mul3A_908 : vector<16xi32>
    %add3A_910 = vector.broadcast %mul3A_2 : i32 to vector<16xi32>
    %add3A_911 = arith.addi %add3A_910, %mul3A_909 : vector<16xi32>
    %add3A_912 = arith.addi %add3A_911, %get3A_896 : vector<16xi32>
    %swap3A_913 = arith.constant 2 : i32
    %swap3A_914 = arith.index_cast %swap3A_913 : i32 to index
    %swap3A_915 = arith.constant 16 : index
    %swap3A_916 = tpu.vector_load %arg10[%swap3A_914, %swap3A_915] {strides = array<i32>} : memref<5x128xi32, #tpu.memory_space<vmem>>, vector<1x16xi32>,
    %swap3A_917 = vector.shape_cast %swap3A_916 : vector<1x16xi32> to vector<16xi32>
    %swap3A_918 = vector.shape_cast %add3A_912 : vector<16xi32> to vector<1x16xi32>
    tpu.vector_store %arg10[%swap3A_914, %swap3A_915], %swap3A_918 {strides = array<i32>} : memref<5x128xi32, #tpu.memory_space<vmem>>, vector<1x16xi32>,
    %eq3A_919 = arith.constant 1 : i32
    %eq3A_920 = vector.broadcast %eq3A_919 : i32 to vector<16xi32>
    %eq3A_921 = arith.cmpi eq, %get3A_896, %eq3A_920 : vector<16xi32>
    %jit3A_922 = arith.constant 0.000000e+00 : f32
    %broadcast_in_dim3A_923 = vector.broadcast %jit3A_922 : f32 to vector<16xf32>
    %select_n3A_924 = arith.select %eq3A_921, %broadcast_in_dim3A_923, %get3A_901 : vector<16xi1>, vector<16xf32>
    %swap3A_925 = arith.constant 2 : i32
    %swap3A_926 = arith.index_cast %swap3A_925 : i32 to index
    %swap3A_927 = arith.constant 16 : index
    %swap3A_928 = tpu.vector_load %arg9[%swap3A_926, %swap3A_927] {strides = array<i32>} : memref<5x128xf32, #tpu.memory_space<vmem>>, vector<1x16xf32>,
    %swap3A_929 = vector.shape_cast %swap3A_928 : vector<1x16xf32> to vector<16xf32>
    %swap3A_930 = vector.shape_cast %select_n3A_924 : vector<16xf32> to vector<1x16xf32>
    tpu.vector_store %arg9[%swap3A_926, %swap3A_927], %swap3A_930 {strides = array<i32>} : memref<5x128xf32, #tpu.memory_space<vmem>>, vector<1x16xf32>,
    %get3A_931 = arith.constant 2 : i32
    %get3A_932 = arith.index_cast %get3A_931 : i32 to index
    %get3A_933 = arith.constant 32 : index
    %get3A_934 = tpu.vector_load %arg6[%get3A_932, %get3A_933] {strides = array<i32>} : memref<5x128xi32, #tpu.memory_space<vmem>>, vector<1x16xi32>,
    %get3A_935 = vector.shape_cast %get3A_934 : vector<1x16xi32> to vector<16xi32>
    %get3A_936 = arith.constant 2 : i32
    %get3A_937 = arith.index_cast %get3A_936 : i32 to index
    %get3A_938 = arith.constant 32 : index
    %get3A_939 = tpu.vector_load %arg8[%get3A_937, %get3A_938] {strides = array<i32>} : memref<5x128xf32, #tpu.memory_space<vmem>>, vector<1x16xf32>,
    %get3A_940 = vector.shape_cast %get3A_939 : vector<1x16xf32> to vector<16xf32>
    %get3A_941 = arith.constant 2 : i32
    %get3A_942 = arith.index_cast %get3A_941 : i32 to index
    %get3A_943 = arith.constant 32 : index
    %get3A_944 = tpu.vector_load %arg7[%get3A_942, %get3A_943] {strides = array<i32>} : memref<5x128xi32, #tpu.memory_space<vmem>>, vector<1x16xi32>,
    %get3A_945 = vector.shape_cast %get3A_944 : vector<1x16xi32> to vector<16xi32>
    %mul3A_946 = arith.constant 100000 : i32
    %mul3A_947 = vector.broadcast %mul3A_946 : i32 to vector<16xi32>
    %mul3A_948 = arith.muli %get3A_945, %mul3A_947 : vector<16xi32>
    %add3A_949 = vector.broadcast %mul3A_2 : i32 to vector<16xi32>
    %add3A_950 = arith.addi %add3A_949, %mul3A_948 : vector<16xi32>
    %add3A_951 = arith.addi %add3A_950, %get3A_935 : vector<16xi32>
    %swap3A_952 = arith.constant 2 : i32
    %swap3A_953 = arith.index_cast %swap3A_952 : i32 to index
    %swap3A_954 = arith.constant 32 : index
    %swap3A_955 = tpu.vector_load %arg10[%swap3A_953, %swap3A_954] {strides = array<i32>} : memref<5x128xi32, #tpu.memory_space<vmem>>, vector<1x16xi32>,
    %swap3A_956 = vector.shape_cast %swap3A_955 : vector<1x16xi32> to vector<16xi32>
    %swap3A_957 = vector.shape_cast %add3A_951 : vector<16xi32> to vector<1x16xi32>
    tpu.vector_store %arg10[%swap3A_953, %swap3A_954], %swap3A_957 {strides = array<i32>} : memref<5x128xi32, #tpu.memory_space<vmem>>, vector<1x16xi32>,
    %eq3A_958 = arith.constant 1 : i32
    %eq3A_959 = vector.broadcast %eq3A_958 : i32 to vector<16xi32>
    %eq3A_960 = arith.cmpi eq, %get3A_935, %eq3A_959 : vector<16xi32>
    %jit3A_961 = arith.constant 0.000000e+00 : f32
    %broadcast_in_dim3A_962 = vector.broadcast %jit3A_961 : f32 to vector<16xf32>
    %select_n3A_963 = arith.select %eq3A_960, %broadcast_in_dim3A_962, %get3A_940 : vector<16xi1>, vector<16xf32>
    %swap3A_964 = arith.constant 2 : i32
    %swap3A_965 = arith.index_cast %swap3A_964 : i32 to index
    %swap3A_966 = arith.constant 32 : index
    %swap3A_967 = tpu.vector_load %arg9[%swap3A_965, %swap3A_966] {strides = array<i32>} : memref<5x128xf32, #tpu.memory_space<vmem>>, vector<1x16xf32>,
    %swap3A_968 = vector.shape_cast %swap3A_967 : vector<1x16xf32> to vector<16xf32>
    %swap3A_969 = vector.shape_cast %select_n3A_963 : vector<16xf32> to vector<1x16xf32>
    tpu.vector_store %arg9[%swap3A_965, %swap3A_966], %swap3A_969 {strides = array<i32>} : memref<5x128xf32, #tpu.memory_space<vmem>>, vector<1x16xf32>,
    %get3A_970 = arith.constant 2 : i32
    %get3A_971 = arith.index_cast %get3A_970 : i32 to index
    %get3A_972 = arith.constant 48 : index
    %get3A_973 = tpu.vector_load %arg6[%get3A_971, %get3A_972] {strides = array<i32>} : memref<5x128xi32, #tpu.memory_space<vmem>>, vector<1x16xi32>,
    %get3A_974 = vector.shape_cast %get3A_973 : vector<1x16xi32> to vector<16xi32>
    %get3A_975 = arith.constant 2 : i32
    %get3A_976 = arith.index_cast %get3A_975 : i32 to index
    %get3A_977 = arith.constant 48 : index
    %get3A_978 = tpu.vector_load %arg8[%get3A_976, %get3A_977] {strides = array<i32>} : memref<5x128xf32, #tpu.memory_space<vmem>>, vector<1x16xf32>,
    %get3A_979 = vector.shape_cast %get3A_978 : vector<1x16xf32> to vector<16xf32>
    %get3A_980 = arith.constant 2 : i32
    %get3A_981 = arith.index_cast %get3A_980 : i32 to index
    %get3A_982 = arith.constant 48 : index
    %get3A_983 = tpu.vector_load %arg7[%get3A_981, %get3A_982] {strides = array<i32>} : memref<5x128xi32, #tpu.memory_space<vmem>>, vector<1x16xi32>,
    %get3A_984 = vector.shape_cast %get3A_983 : vector<1x16xi32> to vector<16xi32>
    %mul3A_985 = arith.constant 100000 : i32
    %mul3A_986 = vector.broadcast %mul3A_985 : i32 to vector<16xi32>
    %mul3A_987 = arith.muli %get3A_984, %mul3A_986 : vector<16xi32>
    %add3A_988 = vector.broadcast %mul3A_2 : i32 to vector<16xi32>
    %add3A_989 = arith.addi %add3A_988, %mul3A_987 : vector<16xi32>
    %add3A_990 = arith.addi %add3A_989, %get3A_974 : vector<16xi32>
    %swap3A_991 = arith.constant 2 : i32
    %swap3A_992 = arith.index_cast %swap3A_991 : i32 to index
    %swap3A_993 = arith.constant 48 : index
    %swap3A_994 = tpu.vector_load %arg10[%swap3A_992, %swap3A_993] {strides = array<i32>} : memref<5x128xi32, #tpu.memory_space<vmem>>, vector<1x16xi32>,
    %swap3A_995 = vector.shape_cast %swap3A_994 : vector<1x16xi32> to vector<16xi32>
    %swap3A_996 = vector.shape_cast %add3A_990 : vector<16xi32> to vector<1x16xi32>
    tpu.vector_store %arg10[%swap3A_992, %swap3A_993], %swap3A_996 {strides = array<i32>} : memref<5x128xi32, #tpu.memory_space<vmem>>, vector<1x16xi32>,
    %eq3A_997 = arith.constant 1 : i32
    %eq3A_998 = vector.broadcast %eq3A_997 : i32 to vector<16xi32>
    %eq3A_999 = arith.cmpi eq, %get3A_974, %eq3A_998 : vector<16xi32>
    %jit3A_1000 = arith.constant 0.000000e+00 : f32
    %broadcast_in_dim3A_1001 = vector.broadcast %jit3A_1000 : f32 to vector<16xf32>
    %select_n3A_1002 = arith.select %eq3A_999, %broadcast_in_dim3A_1001, %get3A_979 : vector<16xi1>, vector<16xf32>
    %swap3A_1003 = arith.constant 2 : i32
    %swap3A_1004 = arith.index_cast %swap3A_1003 : i32 to index
    %swap3A_1005 = arith.constant 48 : index
    %swap3A_1006 = tpu.vector_load %arg9[%swap3A_1004, %swap3A_1005] {strides = array<i32>} : memref<5x128xf32, #tpu.memory_space<vmem>>, vector<1x16xf32>,
    %swap3A_1007 = vector.shape_cast %swap3A_1006 : vector<1x16xf32> to vector<16xf32>
    %swap3A_1008 = vector.shape_cast %select_n3A_1002 : vector<16xf32> to vector<1x16xf32>
    tpu.vector_store %arg9[%swap3A_1004, %swap3A_1005], %swap3A_1008 {strides = array<i32>} : memref<5x128xf32, #tpu.memory_space<vmem>>, vector<1x16xf32>,
    %get3A_1009 = arith.constant 2 : i32
    %get3A_1010 = arith.index_cast %get3A_1009 : i32 to index
    %get3A_1011 = arith.constant 64 : index
    %get3A_1012 = tpu.vector_load %arg6[%get3A_1010, %get3A_1011] {strides = array<i32>} : memref<5x128xi32, #tpu.memory_space<vmem>>, vector<1x16xi32>,
    %get3A_1013 = vector.shape_cast %get3A_1012 : vector<1x16xi32> to vector<16xi32>
    %get3A_1014 = arith.constant 2 : i32
    %get3A_1015 = arith.index_cast %get3A_1014 : i32 to index
    %get3A_1016 = arith.constant 64 : index
    %get3A_1017 = tpu.vector_load %arg8[%get3A_1015, %get3A_1016] {strides = array<i32>} : memref<5x128xf32, #tpu.memory_space<vmem>>, vector<1x16xf32>,
    %get3A_1018 = vector.shape_cast %get3A_1017 : vector<1x16xf32> to vector<16xf32>
    %get3A_1019 = arith.constant 2 : i32
    %get3A_1020 = arith.index_cast %get3A_1019 : i32 to index
    %get3A_1021 = arith.constant 64 : index
    %get3A_1022 = tpu.vector_load %arg7[%get3A_1020, %get3A_1021] {strides = array<i32>} : memref<5x128xi32, #tpu.memory_space<vmem>>, vector<1x16xi32>,
    %get3A_1023 = vector.shape_cast %get3A_1022 : vector<1x16xi32> to vector<16xi32>
    %mul3A_1024 = arith.constant 100000 : i32
    %mul3A_1025 = vector.broadcast %mul3A_1024 : i32 to vector<16xi32>
    %mul3A_1026 = arith.muli %get3A_1023, %mul3A_1025 : vector<16xi32>
    %add3A_1027 = vector.broadcast %mul3A_2 : i32 to vector<16xi32>
    %add3A_1028 = arith.addi %add3A_1027, %mul3A_1026 : vector<16xi32>
    %add3A_1029 = arith.addi %add3A_1028, %get3A_1013 : vector<16xi32>
    %swap3A_1030 = arith.constant 2 : i32
    %swap3A_1031 = arith.index_cast %swap3A_1030 : i32 to index
    %swap3A_1032 = arith.constant 64 : index
    %swap3A_1033 = tpu.vector_load %arg10[%swap3A_1031, %swap3A_1032] {strides = array<i32>} : memref<5x128xi32, #tpu.memory_space<vmem>>, vector<1x16xi32>,
    %swap3A_1034 = vector.shape_cast %swap3A_1033 : vector<1x16xi32> to vector<16xi32>
    %swap3A_1035 = vector.shape_cast %add3A_1029 : vector<16xi32> to vector<1x16xi32>
    tpu.vector_store %arg10[%swap3A_1031, %swap3A_1032], %swap3A_1035 {strides = array<i32>} : memref<5x128xi32, #tpu.memory_space<vmem>>, vector<1x16xi32>,
    %eq3A_1036 = arith.constant 1 : i32
    %eq3A_1037 = vector.broadcast %eq3A_1036 : i32 to vector<16xi32>
    %eq3A_1038 = arith.cmpi eq, %get3A_1013, %eq3A_1037 : vector<16xi32>
    %jit3A_1039 = arith.constant 0.000000e+00 : f32
    %broadcast_in_dim3A_1040 = vector.broadcast %jit3A_1039 : f32 to vector<16xf32>
    %select_n3A_1041 = arith.select %eq3A_1038, %broadcast_in_dim3A_1040, %get3A_1018 : vector<16xi1>, vector<16xf32>
    %swap3A_1042 = arith.constant 2 : i32
    %swap3A_1043 = arith.index_cast %swap3A_1042 : i32 to index
    %swap3A_1044 = arith.constant 64 : index
    %swap3A_1045 = tpu.vector_load %arg9[%swap3A_1043, %swap3A_1044] {strides = array<i32>} : memref<5x128xf32, #tpu.memory_space<vmem>>, vector<1x16xf32>,
    %swap3A_1046 = vector.shape_cast %swap3A_1045 : vector<1x16xf32> to vector<16xf32>
    %swap3A_1047 = vector.shape_cast %select_n3A_1041 : vector<16xf32> to vector<1x16xf32>
    tpu.vector_store %arg9[%swap3A_1043, %swap3A_1044], %swap3A_1047 {strides = array<i32>} : memref<5x128xf32, #tpu.memory_space<vmem>>, vector<1x16xf32>,
    %get3A_1048 = arith.constant 2 : i32
    %get3A_1049 = arith.index_cast %get3A_1048 : i32 to index
    %get3A_1050 = arith.constant 80 : index
    %get3A_1051 = tpu.vector_load %arg6[%get3A_1049, %get3A_1050] {strides = array<i32>} : memref<5x128xi32, #tpu.memory_space<vmem>>, vector<1x16xi32>,
    %get3A_1052 = vector.shape_cast %get3A_1051 : vector<1x16xi32> to vector<16xi32>
    %get3A_1053 = arith.constant 2 : i32
    %get3A_1054 = arith.index_cast %get3A_1053 : i32 to index
    %get3A_1055 = arith.constant 80 : index
    %get3A_1056 = tpu.vector_load %arg8[%get3A_1054, %get3A_1055] {strides = array<i32>} : memref<5x128xf32, #tpu.memory_space<vmem>>, vector<1x16xf32>,
    %get3A_1057 = vector.shape_cast %get3A_1056 : vector<1x16xf32> to vector<16xf32>
    %get3A_1058 = arith.constant 2 : i32
    %get3A_1059 = arith.index_cast %get3A_1058 : i32 to index
    %get3A_1060 = arith.constant 80 : index
    %get3A_1061 = tpu.vector_load %arg7[%get3A_1059, %get3A_1060] {strides = array<i32>} : memref<5x128xi32, #tpu.memory_space<vmem>>, vector<1x16xi32>,
    %get3A_1062 = vector.shape_cast %get3A_1061 : vector<1x16xi32> to vector<16xi32>
    %mul3A_1063 = arith.constant 100000 : i32
    %mul3A_1064 = vector.broadcast %mul3A_1063 : i32 to vector<16xi32>
    %mul3A_1065 = arith.muli %get3A_1062, %mul3A_1064 : vector<16xi32>
    %add3A_1066 = vector.broadcast %mul3A_2 : i32 to vector<16xi32>
    %add3A_1067 = arith.addi %add3A_1066, %mul3A_1065 : vector<16xi32>
    %add3A_1068 = arith.addi %add3A_1067, %get3A_1052 : vector<16xi32>
    %swap3A_1069 = arith.constant 2 : i32
    %swap3A_1070 = arith.index_cast %swap3A_1069 : i32 to index
    %swap3A_1071 = arith.constant 80 : index
    %swap3A_1072 = tpu.vector_load %arg10[%swap3A_1070, %swap3A_1071] {strides = array<i32>} : memref<5x128xi32, #tpu.memory_space<vmem>>, vector<1x16xi32>,
    %swap3A_1073 = vector.shape_cast %swap3A_1072 : vector<1x16xi32> to vector<16xi32>
    %swap3A_1074 = vector.shape_cast %add3A_1068 : vector<16xi32> to vector<1x16xi32>
    tpu.vector_store %arg10[%swap3A_1070, %swap3A_1071], %swap3A_1074 {strides = array<i32>} : memref<5x128xi32, #tpu.memory_space<vmem>>, vector<1x16xi32>,
    %eq3A_1075 = arith.constant 1 : i32
    %eq3A_1076 = vector.broadcast %eq3A_1075 : i32 to vector<16xi32>
    %eq3A_1077 = arith.cmpi eq, %get3A_1052, %eq3A_1076 : vector<16xi32>
    %jit3A_1078 = arith.constant 0.000000e+00 : f32
    %broadcast_in_dim3A_1079 = vector.broadcast %jit3A_1078 : f32 to vector<16xf32>
    %select_n3A_1080 = arith.select %eq3A_1077, %broadcast_in_dim3A_1079, %get3A_1057 : vector<16xi1>, vector<16xf32>
    %swap3A_1081 = arith.constant 2 : i32
    %swap3A_1082 = arith.index_cast %swap3A_1081 : i32 to index
    %swap3A_1083 = arith.constant 80 : index
    %swap3A_1084 = tpu.vector_load %arg9[%swap3A_1082, %swap3A_1083] {strides = array<i32>} : memref<5x128xf32, #tpu.memory_space<vmem>>, vector<1x16xf32>,
    %swap3A_1085 = vector.shape_cast %swap3A_1084 : vector<1x16xf32> to vector<16xf32>
    %swap3A_1086 = vector.shape_cast %select_n3A_1080 : vector<16xf32> to vector<1x16xf32>
    tpu.vector_store %arg9[%swap3A_1082, %swap3A_1083], %swap3A_1086 {strides = array<i32>} : memref<5x128xf32, #tpu.memory_space<vmem>>, vector<1x16xf32>,
    %get3A_1087 = arith.constant 2 : i32
    %get3A_1088 = arith.index_cast %get3A_1087 : i32 to index
    %get3A_1089 = arith.constant 96 : index
    %get3A_1090 = tpu.vector_load %arg6[%get3A_1088, %get3A_1089] {strides = array<i32>} : memref<5x128xi32, #tpu.memory_space<vmem>>, vector<1x16xi32>,
    %get3A_1091 = vector.shape_cast %get3A_1090 : vector<1x16xi32> to vector<16xi32>
    %get3A_1092 = arith.constant 2 : i32
    %get3A_1093 = arith.index_cast %get3A_1092 : i32 to index
    %get3A_1094 = arith.constant 96 : index
    %get3A_1095 = tpu.vector_load %arg8[%get3A_1093, %get3A_1094] {strides = array<i32>} : memref<5x128xf32, #tpu.memory_space<vmem>>, vector<1x16xf32>,
    %get3A_1096 = vector.shape_cast %get3A_1095 : vector<1x16xf32> to vector<16xf32>
    %get3A_1097 = arith.constant 2 : i32
    %get3A_1098 = arith.index_cast %get3A_1097 : i32 to index
    %get3A_1099 = arith.constant 96 : index
    %get3A_1100 = tpu.vector_load %arg7[%get3A_1098, %get3A_1099] {strides = array<i32>} : memref<5x128xi32, #tpu.memory_space<vmem>>, vector<1x16xi32>,
    %get3A_1101 = vector.shape_cast %get3A_1100 : vector<1x16xi32> to vector<16xi32>
    %mul3A_1102 = arith.constant 100000 : i32
    %mul3A_1103 = vector.broadcast %mul3A_1102 : i32 to vector<16xi32>
    %mul3A_1104 = arith.muli %get3A_1101, %mul3A_1103 : vector<16xi32>
    %add3A_1105 = vector.broadcast %mul3A_2 : i32 to vector<16xi32>
    %add3A_1106 = arith.addi %add3A_1105, %mul3A_1104 : vector<16xi32>
    %add3A_1107 = arith.addi %add3A_1106, %get3A_1091 : vector<16xi32>
    %swap3A_1108 = arith.constant 2 : i32
    %swap3A_1109 = arith.index_cast %swap3A_1108 : i32 to index
    %swap3A_1110 = arith.constant 96 : index
    %swap3A_1111 = tpu.vector_load %arg10[%swap3A_1109, %swap3A_1110] {strides = array<i32>} : memref<5x128xi32, #tpu.memory_space<vmem>>, vector<1x16xi32>,
    %swap3A_1112 = vector.shape_cast %swap3A_1111 : vector<1x16xi32> to vector<16xi32>
    %swap3A_1113 = vector.shape_cast %add3A_1107 : vector<16xi32> to vector<1x16xi32>
    tpu.vector_store %arg10[%swap3A_1109, %swap3A_1110], %swap3A_1113 {strides = array<i32>} : memref<5x128xi32, #tpu.memory_space<vmem>>, vector<1x16xi32>,
    %eq3A_1114 = arith.constant 1 : i32
    %eq3A_1115 = vector.broadcast %eq3A_1114 : i32 to vector<16xi32>
    %eq3A_1116 = arith.cmpi eq, %get3A_1091, %eq3A_1115 : vector<16xi32>
    %jit3A_1117 = arith.constant 0.000000e+00 : f32
    %broadcast_in_dim3A_1118 = vector.broadcast %jit3A_1117 : f32 to vector<16xf32>
    %select_n3A_1119 = arith.select %eq3A_1116, %broadcast_in_dim3A_1118, %get3A_1096 : vector<16xi1>, vector<16xf32>
    %swap3A_1120 = arith.constant 2 : i32
    %swap3A_1121 = arith.index_cast %swap3A_1120 : i32 to index
    %swap3A_1122 = arith.constant 96 : index
    %swap3A_1123 = tpu.vector_load %arg9[%swap3A_1121, %swap3A_1122] {strides = array<i32>} : memref<5x128xf32, #tpu.memory_space<vmem>>, vector<1x16xf32>,
    %swap3A_1124 = vector.shape_cast %swap3A_1123 : vector<1x16xf32> to vector<16xf32>
    %swap3A_1125 = vector.shape_cast %select_n3A_1119 : vector<16xf32> to vector<1x16xf32>
    tpu.vector_store %arg9[%swap3A_1121, %swap3A_1122], %swap3A_1125 {strides = array<i32>} : memref<5x128xf32, #tpu.memory_space<vmem>>, vector<1x16xf32>,
    %get3A_1126 = arith.constant 2 : i32
    %get3A_1127 = arith.index_cast %get3A_1126 : i32 to index
    %get3A_1128 = arith.constant 112 : index
    %get3A_1129 = tpu.vector_load %arg6[%get3A_1127, %get3A_1128] {strides = array<i32>} : memref<5x128xi32, #tpu.memory_space<vmem>>, vector<1x16xi32>,
    %get3A_1130 = vector.shape_cast %get3A_1129 : vector<1x16xi32> to vector<16xi32>
    %get3A_1131 = arith.constant 2 : i32
    %get3A_1132 = arith.index_cast %get3A_1131 : i32 to index
    %get3A_1133 = arith.constant 112 : index
    %get3A_1134 = tpu.vector_load %arg8[%get3A_1132, %get3A_1133] {strides = array<i32>} : memref<5x128xf32, #tpu.memory_space<vmem>>, vector<1x16xf32>,
    %get3A_1135 = vector.shape_cast %get3A_1134 : vector<1x16xf32> to vector<16xf32>
    %get3A_1136 = arith.constant 2 : i32
    %get3A_1137 = arith.index_cast %get3A_1136 : i32 to index
    %get3A_1138 = arith.constant 112 : index
    %get3A_1139 = tpu.vector_load %arg7[%get3A_1137, %get3A_1138] {strides = array<i32>} : memref<5x128xi32, #tpu.memory_space<vmem>>, vector<1x16xi32>,
    %get3A_1140 = vector.shape_cast %get3A_1139 : vector<1x16xi32> to vector<16xi32>
    %mul3A_1141 = arith.constant 100000 : i32
    %mul3A_1142 = vector.broadcast %mul3A_1141 : i32 to vector<16xi32>
    %mul3A_1143 = arith.muli %get3A_1140, %mul3A_1142 : vector<16xi32>
    %add3A_1144 = vector.broadcast %mul3A_2 : i32 to vector<16xi32>
    %add3A_1145 = arith.addi %add3A_1144, %mul3A_1143 : vector<16xi32>
    %add3A_1146 = arith.addi %add3A_1145, %get3A_1130 : vector<16xi32>
    %swap3A_1147 = arith.constant 2 : i32
    %swap3A_1148 = arith.index_cast %swap3A_1147 : i32 to index
    %swap3A_1149 = arith.constant 112 : index
    %swap3A_1150 = tpu.vector_load %arg10[%swap3A_1148, %swap3A_1149] {strides = array<i32>} : memref<5x128xi32, #tpu.memory_space<vmem>>, vector<1x16xi32>,
    %swap3A_1151 = vector.shape_cast %swap3A_1150 : vector<1x16xi32> to vector<16xi32>
    %swap3A_1152 = vector.shape_cast %add3A_1146 : vector<16xi32> to vector<1x16xi32>
    tpu.vector_store %arg10[%swap3A_1148, %swap3A_1149], %swap3A_1152 {strides = array<i32>} : memref<5x128xi32, #tpu.memory_space<vmem>>, vector<1x16xi32>,
    %eq3A_1153 = arith.constant 1 : i32
    %eq3A_1154 = vector.broadcast %eq3A_1153 : i32 to vector<16xi32>
    %eq3A_1155 = arith.cmpi eq, %get3A_1130, %eq3A_1154 : vector<16xi32>
    %jit3A_1156 = arith.constant 0.000000e+00 : f32
    %broadcast_in_dim3A_1157 = vector.broadcast %jit3A_1156 : f32 to vector<16xf32>
    %select_n3A_1158 = arith.select %eq3A_1155, %broadcast_in_dim3A_1157, %get3A_1135 : vector<16xi1>, vector<16xf32>
    %swap3A_1159 = arith.constant 2 : i32
    %swap3A_1160 = arith.index_cast %swap3A_1159 : i32 to index
    %swap3A_1161 = arith.constant 112 : index
    %swap3A_1162 = tpu.vector_load %arg9[%swap3A_1160, %swap3A_1161] {strides = array<i32>} : memref<5x128xf32, #tpu.memory_space<vmem>>, vector<1x16xf32>,
    %swap3A_1163 = vector.shape_cast %swap3A_1162 : vector<1x16xf32> to vector<16xf32>
    %swap3A_1164 = vector.shape_cast %select_n3A_1158 : vector<16xf32> to vector<1x16xf32>
    tpu.vector_store %arg9[%swap3A_1160, %swap3A_1161], %swap3A_1164 {strides = array<i32>} : memref<5x128xf32, #tpu.memory_space<vmem>>, vector<1x16xf32>,
    %get3A_1165 = arith.constant 3 : i32
    %get3A_1166 = arith.index_cast %get3A_1165 : i32 to index
    %get3A_1167 = arith.constant 0 : index
    %get3A_1168 = tpu.vector_load %arg6[%get3A_1166, %get3A_1167] {strides = array<i32>} : memref<5x128xi32, #tpu.memory_space<vmem>>, vector<1x16xi32>,
    %get3A_1169 = vector.shape_cast %get3A_1168 : vector<1x16xi32> to vector<16xi32>
    %get3A_1170 = arith.constant 3 : i32
    %get3A_1171 = arith.index_cast %get3A_1170 : i32 to index
    %get3A_1172 = arith.constant 0 : index
    %get3A_1173 = tpu.vector_load %arg8[%get3A_1171, %get3A_1172] {strides = array<i32>} : memref<5x128xf32, #tpu.memory_space<vmem>>, vector<1x16xf32>,
    %get3A_1174 = vector.shape_cast %get3A_1173 : vector<1x16xf32> to vector<16xf32>
    %get3A_1175 = arith.constant 3 : i32
    %get3A_1176 = arith.index_cast %get3A_1175 : i32 to index
    %get3A_1177 = arith.constant 0 : index
    %get3A_1178 = tpu.vector_load %arg7[%get3A_1176, %get3A_1177] {strides = array<i32>} : memref<5x128xi32, #tpu.memory_space<vmem>>, vector<1x16xi32>,
    %get3A_1179 = vector.shape_cast %get3A_1178 : vector<1x16xi32> to vector<16xi32>
    %mul3A_1180 = arith.constant 100000 : i32
    %mul3A_1181 = vector.broadcast %mul3A_1180 : i32 to vector<16xi32>
    %mul3A_1182 = arith.muli %get3A_1179, %mul3A_1181 : vector<16xi32>
    %add3A_1183 = vector.broadcast %mul3A_2 : i32 to vector<16xi32>
    %add3A_1184 = arith.addi %add3A_1183, %mul3A_1182 : vector<16xi32>
    %add3A_1185 = arith.addi %add3A_1184, %get3A_1169 : vector<16xi32>
    %swap3A_1186 = arith.constant 3 : i32
    %swap3A_1187 = arith.index_cast %swap3A_1186 : i32 to index
    %swap3A_1188 = arith.constant 0 : index
    %swap3A_1189 = tpu.vector_load %arg10[%swap3A_1187, %swap3A_1188] {strides = array<i32>} : memref<5x128xi32, #tpu.memory_space<vmem>>, vector<1x16xi32>,
    %swap3A_1190 = vector.shape_cast %swap3A_1189 : vector<1x16xi32> to vector<16xi32>
    %swap3A_1191 = vector.shape_cast %add3A_1185 : vector<16xi32> to vector<1x16xi32>
    tpu.vector_store %arg10[%swap3A_1187, %swap3A_1188], %swap3A_1191 {strides = array<i32>} : memref<5x128xi32, #tpu.memory_space<vmem>>, vector<1x16xi32>,
    %eq3A_1192 = arith.constant 1 : i32
    %eq3A_1193 = vector.broadcast %eq3A_1192 : i32 to vector<16xi32>
    %eq3A_1194 = arith.cmpi eq, %get3A_1169, %eq3A_1193 : vector<16xi32>
    %jit3A_1195 = arith.constant 0.000000e+00 : f32
    %broadcast_in_dim3A_1196 = vector.broadcast %jit3A_1195 : f32 to vector<16xf32>
    %select_n3A_1197 = arith.select %eq3A_1194, %broadcast_in_dim3A_1196, %get3A_1174 : vector<16xi1>, vector<16xf32>
    %swap3A_1198 = arith.constant 3 : i32
    %swap3A_1199 = arith.index_cast %swap3A_1198 : i32 to index
    %swap3A_1200 = arith.constant 0 : index
    %swap3A_1201 = tpu.vector_load %arg9[%swap3A_1199, %swap3A_1200] {strides = array<i32>} : memref<5x128xf32, #tpu.memory_space<vmem>>, vector<1x16xf32>,
    %swap3A_1202 = vector.shape_cast %swap3A_1201 : vector<1x16xf32> to vector<16xf32>
    %swap3A_1203 = vector.shape_cast %select_n3A_1197 : vector<16xf32> to vector<1x16xf32>
    tpu.vector_store %arg9[%swap3A_1199, %swap3A_1200], %swap3A_1203 {strides = array<i32>} : memref<5x128xf32, #tpu.memory_space<vmem>>, vector<1x16xf32>,
    %get3A_1204 = arith.constant 3 : i32
    %get3A_1205 = arith.index_cast %get3A_1204 : i32 to index
    %get3A_1206 = arith.constant 16 : index
    %get3A_1207 = tpu.vector_load %arg6[%get3A_1205, %get3A_1206] {strides = array<i32>} : memref<5x128xi32, #tpu.memory_space<vmem>>, vector<1x16xi32>,
    %get3A_1208 = vector.shape_cast %get3A_1207 : vector<1x16xi32> to vector<16xi32>
    %get3A_1209 = arith.constant 3 : i32
    %get3A_1210 = arith.index_cast %get3A_1209 : i32 to index
    %get3A_1211 = arith.constant 16 : index
    %get3A_1212 = tpu.vector_load %arg8[%get3A_1210, %get3A_1211] {strides = array<i32>} : memref<5x128xf32, #tpu.memory_space<vmem>>, vector<1x16xf32>,
    %get3A_1213 = vector.shape_cast %get3A_1212 : vector<1x16xf32> to vector<16xf32>
    %get3A_1214 = arith.constant 3 : i32
    %get3A_1215 = arith.index_cast %get3A_1214 : i32 to index
    %get3A_1216 = arith.constant 16 : index
    %get3A_1217 = tpu.vector_load %arg7[%get3A_1215, %get3A_1216] {strides = array<i32>} : memref<5x128xi32, #tpu.memory_space<vmem>>, vector<1x16xi32>,
    %get3A_1218 = vector.shape_cast %get3A_1217 : vector<1x16xi32> to vector<16xi32>
    %mul3A_1219 = arith.constant 100000 : i32
    %mul3A_1220 = vector.broadcast %mul3A_1219 : i32 to vector<16xi32>
    %mul3A_1221 = arith.muli %get3A_1218, %mul3A_1220 : vector<16xi32>
    %add3A_1222 = vector.broadcast %mul3A_2 : i32 to vector<16xi32>
    %add3A_1223 = arith.addi %add3A_1222, %mul3A_1221 : vector<16xi32>
    %add3A_1224 = arith.addi %add3A_1223, %get3A_1208 : vector<16xi32>
    %swap3A_1225 = arith.constant 3 : i32
    %swap3A_1226 = arith.index_cast %swap3A_1225 : i32 to index
    %swap3A_1227 = arith.constant 16 : index
    %swap3A_1228 = tpu.vector_load %arg10[%swap3A_1226, %swap3A_1227] {strides = array<i32>} : memref<5x128xi32, #tpu.memory_space<vmem>>, vector<1x16xi32>,
    %swap3A_1229 = vector.shape_cast %swap3A_1228 : vector<1x16xi32> to vector<16xi32>
    %swap3A_1230 = vector.shape_cast %add3A_1224 : vector<16xi32> to vector<1x16xi32>
    tpu.vector_store %arg10[%swap3A_1226, %swap3A_1227], %swap3A_1230 {strides = array<i32>} : memref<5x128xi32, #tpu.memory_space<vmem>>, vector<1x16xi32>,
    %eq3A_1231 = arith.constant 1 : i32
    %eq3A_1232 = vector.broadcast %eq3A_1231 : i32 to vector<16xi32>
    %eq3A_1233 = arith.cmpi eq, %get3A_1208, %eq3A_1232 : vector<16xi32>
    %jit3A_1234 = arith.constant 0.000000e+00 : f32
    %broadcast_in_dim3A_1235 = vector.broadcast %jit3A_1234 : f32 to vector<16xf32>
    %select_n3A_1236 = arith.select %eq3A_1233, %broadcast_in_dim3A_1235, %get3A_1213 : vector<16xi1>, vector<16xf32>
    %swap3A_1237 = arith.constant 3 : i32
    %swap3A_1238 = arith.index_cast %swap3A_1237 : i32 to index
    %swap3A_1239 = arith.constant 16 : index
    %swap3A_1240 = tpu.vector_load %arg9[%swap3A_1238, %swap3A_1239] {strides = array<i32>} : memref<5x128xf32, #tpu.memory_space<vmem>>, vector<1x16xf32>,
    %swap3A_1241 = vector.shape_cast %swap3A_1240 : vector<1x16xf32> to vector<16xf32>
    %swap3A_1242 = vector.shape_cast %select_n3A_1236 : vector<16xf32> to vector<1x16xf32>
    tpu.vector_store %arg9[%swap3A_1238, %swap3A_1239], %swap3A_1242 {strides = array<i32>} : memref<5x128xf32, #tpu.memory_space<vmem>>, vector<1x16xf32>,
    %get3A_1243 = arith.constant 3 : i32
    %get3A_1244 = arith.index_cast %get3A_1243 : i32 to index
    %get3A_1245 = arith.constant 32 : index
    %get3A_1246 = tpu.vector_load %arg6[%get3A_1244, %get3A_1245] {strides = array<i32>} : memref<5x128xi32, #tpu.memory_space<vmem>>, vector<1x16xi32>,
    %get3A_1247 = vector.shape_cast %get3A_1246 : vector<1x16xi32> to vector<16xi32>
    %get3A_1248 = arith.constant 3 : i32
    %get3A_1249 = arith.index_cast %get3A_1248 : i32 to index
    %get3A_1250 = arith.constant 32 : index
    %get3A_1251 = tpu.vector_load %arg8[%get3A_1249, %get3A_1250] {strides = array<i32>} : memref<5x128xf32, #tpu.memory_space<vmem>>, vector<1x16xf32>,
    %get3A_1252 = vector.shape_cast %get3A_1251 : vector<1x16xf32> to vector<16xf32>
    %get3A_1253 = arith.constant 3 : i32
    %get3A_1254 = arith.index_cast %get3A_1253 : i32 to index
    %get3A_1255 = arith.constant 32 : index
    %get3A_1256 = tpu.vector_load %arg7[%get3A_1254, %get3A_1255] {strides = array<i32>} : memref<5x128xi32, #tpu.memory_space<vmem>>, vector<1x16xi32>,
    %get3A_1257 = vector.shape_cast %get3A_1256 : vector<1x16xi32> to vector<16xi32>
    %mul3A_1258 = arith.constant 100000 : i32
    %mul3A_1259 = vector.broadcast %mul3A_1258 : i32 to vector<16xi32>
    %mul3A_1260 = arith.muli %get3A_1257, %mul3A_1259 : vector<16xi32>
    %add3A_1261 = vector.broadcast %mul3A_2 : i32 to vector<16xi32>
    %add3A_1262 = arith.addi %add3A_1261, %mul3A_1260 : vector<16xi32>
    %add3A_1263 = arith.addi %add3A_1262, %get3A_1247 : vector<16xi32>
    %swap3A_1264 = arith.constant 3 : i32
    %swap3A_1265 = arith.index_cast %swap3A_1264 : i32 to index
    %swap3A_1266 = arith.constant 32 : index
    %swap3A_1267 = tpu.vector_load %arg10[%swap3A_1265, %swap3A_1266] {strides = array<i32>} : memref<5x128xi32, #tpu.memory_space<vmem>>, vector<1x16xi32>,
    %swap3A_1268 = vector.shape_cast %swap3A_1267 : vector<1x16xi32> to vector<16xi32>
    %swap3A_1269 = vector.shape_cast %add3A_1263 : vector<16xi32> to vector<1x16xi32>
    tpu.vector_store %arg10[%swap3A_1265, %swap3A_1266], %swap3A_1269 {strides = array<i32>} : memref<5x128xi32, #tpu.memory_space<vmem>>, vector<1x16xi32>,
    %eq3A_1270 = arith.constant 1 : i32
    %eq3A_1271 = vector.broadcast %eq3A_1270 : i32 to vector<16xi32>
    %eq3A_1272 = arith.cmpi eq, %get3A_1247, %eq3A_1271 : vector<16xi32>
    %jit3A_1273 = arith.constant 0.000000e+00 : f32
    %broadcast_in_dim3A_1274 = vector.broadcast %jit3A_1273 : f32 to vector<16xf32>
    %select_n3A_1275 = arith.select %eq3A_1272, %broadcast_in_dim3A_1274, %get3A_1252 : vector<16xi1>, vector<16xf32>
    %swap3A_1276 = arith.constant 3 : i32
    %swap3A_1277 = arith.index_cast %swap3A_1276 : i32 to index
    %swap3A_1278 = arith.constant 32 : index
    %swap3A_1279 = tpu.vector_load %arg9[%swap3A_1277, %swap3A_1278] {strides = array<i32>} : memref<5x128xf32, #tpu.memory_space<vmem>>, vector<1x16xf32>,
    %swap3A_1280 = vector.shape_cast %swap3A_1279 : vector<1x16xf32> to vector<16xf32>
    %swap3A_1281 = vector.shape_cast %select_n3A_1275 : vector<16xf32> to vector<1x16xf32>
    tpu.vector_store %arg9[%swap3A_1277, %swap3A_1278], %swap3A_1281 {strides = array<i32>} : memref<5x128xf32, #tpu.memory_space<vmem>>, vector<1x16xf32>,
    %get3A_1282 = arith.constant 3 : i32
    %get3A_1283 = arith.index_cast %get3A_1282 : i32 to index
    %get3A_1284 = arith.constant 48 : index
    %get3A_1285 = tpu.vector_load %arg6[%get3A_1283, %get3A_1284] {strides = array<i32>} : memref<5x128xi32, #tpu.memory_space<vmem>>, vector<1x16xi32>,
    %get3A_1286 = vector.shape_cast %get3A_1285 : vector<1x16xi32> to vector<16xi32>
    %get3A_1287 = arith.constant 3 : i32
    %get3A_1288 = arith.index_cast %get3A_1287 : i32 to index
    %get3A_1289 = arith.constant 48 : index
    %get3A_1290 = tpu.vector_load %arg8[%get3A_1288, %get3A_1289] {strides = array<i32>} : memref<5x128xf32, #tpu.memory_space<vmem>>, vector<1x16xf32>,
    %get3A_1291 = vector.shape_cast %get3A_1290 : vector<1x16xf32> to vector<16xf32>
    %get3A_1292 = arith.constant 3 : i32
    %get3A_1293 = arith.index_cast %get3A_1292 : i32 to index
    %get3A_1294 = arith.constant 48 : index
    %get3A_1295 = tpu.vector_load %arg7[%get3A_1293, %get3A_1294] {strides = array<i32>} : memref<5x128xi32, #tpu.memory_space<vmem>>, vector<1x16xi32>,
    %get3A_1296 = vector.shape_cast %get3A_1295 : vector<1x16xi32> to vector<16xi32>
    %mul3A_1297 = arith.constant 100000 : i32
    %mul3A_1298 = vector.broadcast %mul3A_1297 : i32 to vector<16xi32>
    %mul3A_1299 = arith.muli %get3A_1296, %mul3A_1298 : vector<16xi32>
    %add3A_1300 = vector.broadcast %mul3A_2 : i32 to vector<16xi32>
    %add3A_1301 = arith.addi %add3A_1300, %mul3A_1299 : vector<16xi32>
    %add3A_1302 = arith.addi %add3A_1301, %get3A_1286 : vector<16xi32>
    %swap3A_1303 = arith.constant 3 : i32
    %swap3A_1304 = arith.index_cast %swap3A_1303 : i32 to index
    %swap3A_1305 = arith.constant 48 : index
    %swap3A_1306 = tpu.vector_load %arg10[%swap3A_1304, %swap3A_1305] {strides = array<i32>} : memref<5x128xi32, #tpu.memory_space<vmem>>, vector<1x16xi32>,
    %swap3A_1307 = vector.shape_cast %swap3A_1306 : vector<1x16xi32> to vector<16xi32>
    %swap3A_1308 = vector.shape_cast %add3A_1302 : vector<16xi32> to vector<1x16xi32>
    tpu.vector_store %arg10[%swap3A_1304, %swap3A_1305], %swap3A_1308 {strides = array<i32>} : memref<5x128xi32, #tpu.memory_space<vmem>>, vector<1x16xi32>,
    %eq3A_1309 = arith.constant 1 : i32
    %eq3A_1310 = vector.broadcast %eq3A_1309 : i32 to vector<16xi32>
    %eq3A_1311 = arith.cmpi eq, %get3A_1286, %eq3A_1310 : vector<16xi32>
    %jit3A_1312 = arith.constant 0.000000e+00 : f32
    %broadcast_in_dim3A_1313 = vector.broadcast %jit3A_1312 : f32 to vector<16xf32>
    %select_n3A_1314 = arith.select %eq3A_1311, %broadcast_in_dim3A_1313, %get3A_1291 : vector<16xi1>, vector<16xf32>
    %swap3A_1315 = arith.constant 3 : i32
    %swap3A_1316 = arith.index_cast %swap3A_1315 : i32 to index
    %swap3A_1317 = arith.constant 48 : index
    %swap3A_1318 = tpu.vector_load %arg9[%swap3A_1316, %swap3A_1317] {strides = array<i32>} : memref<5x128xf32, #tpu.memory_space<vmem>>, vector<1x16xf32>,
    %swap3A_1319 = vector.shape_cast %swap3A_1318 : vector<1x16xf32> to vector<16xf32>
    %swap3A_1320 = vector.shape_cast %select_n3A_1314 : vector<16xf32> to vector<1x16xf32>
    tpu.vector_store %arg9[%swap3A_1316, %swap3A_1317], %swap3A_1320 {strides = array<i32>} : memref<5x128xf32, #tpu.memory_space<vmem>>, vector<1x16xf32>,
    %get3A_1321 = arith.constant 3 : i32
    %get3A_1322 = arith.index_cast %get3A_1321 : i32 to index
    %get3A_1323 = arith.constant 64 : index
    %get3A_1324 = tpu.vector_load %arg6[%get3A_1322, %get3A_1323] {strides = array<i32>} : memref<5x128xi32, #tpu.memory_space<vmem>>, vector<1x16xi32>,
    %get3A_1325 = vector.shape_cast %get3A_1324 : vector<1x16xi32> to vector<16xi32>
    %get3A_1326 = arith.constant 3 : i32
    %get3A_1327 = arith.index_cast %get3A_1326 : i32 to index
    %get3A_1328 = arith.constant 64 : index
    %get3A_1329 = tpu.vector_load %arg8[%get3A_1327, %get3A_1328] {strides = array<i32>} : memref<5x128xf32, #tpu.memory_space<vmem>>, vector<1x16xf32>,
    %get3A_1330 = vector.shape_cast %get3A_1329 : vector<1x16xf32> to vector<16xf32>
    %get3A_1331 = arith.constant 3 : i32
    %get3A_1332 = arith.index_cast %get3A_1331 : i32 to index
    %get3A_1333 = arith.constant 64 : index
    %get3A_1334 = tpu.vector_load %arg7[%get3A_1332, %get3A_1333] {strides = array<i32>} : memref<5x128xi32, #tpu.memory_space<vmem>>, vector<1x16xi32>,
    %get3A_1335 = vector.shape_cast %get3A_1334 : vector<1x16xi32> to vector<16xi32>
    %mul3A_1336 = arith.constant 100000 : i32
    %mul3A_1337 = vector.broadcast %mul3A_1336 : i32 to vector<16xi32>
    %mul3A_1338 = arith.muli %get3A_1335, %mul3A_1337 : vector<16xi32>
    %add3A_1339 = vector.broadcast %mul3A_2 : i32 to vector<16xi32>
    %add3A_1340 = arith.addi %add3A_1339, %mul3A_1338 : vector<16xi32>
    %add3A_1341 = arith.addi %add3A_1340, %get3A_1325 : vector<16xi32>
    %swap3A_1342 = arith.constant 3 : i32
    %swap3A_1343 = arith.index_cast %swap3A_1342 : i32 to index
    %swap3A_1344 = arith.constant 64 : index
    %swap3A_1345 = tpu.vector_load %arg10[%swap3A_1343, %swap3A_1344] {strides = array<i32>} : memref<5x128xi32, #tpu.memory_space<vmem>>, vector<1x16xi32>,
    %swap3A_1346 = vector.shape_cast %swap3A_1345 : vector<1x16xi32> to vector<16xi32>
    %swap3A_1347 = vector.shape_cast %add3A_1341 : vector<16xi32> to vector<1x16xi32>
    tpu.vector_store %arg10[%swap3A_1343, %swap3A_1344], %swap3A_1347 {strides = array<i32>} : memref<5x128xi32, #tpu.memory_space<vmem>>, vector<1x16xi32>,
    %eq3A_1348 = arith.constant 1 : i32
    %eq3A_1349 = vector.broadcast %eq3A_1348 : i32 to vector<16xi32>
    %eq3A_1350 = arith.cmpi eq, %get3A_1325, %eq3A_1349 : vector<16xi32>
    %jit3A_1351 = arith.constant 0.000000e+00 : f32
    %broadcast_in_dim3A_1352 = vector.broadcast %jit3A_1351 : f32 to vector<16xf32>
    %select_n3A_1353 = arith.select %eq3A_1350, %broadcast_in_dim3A_1352, %get3A_1330 : vector<16xi1>, vector<16xf32>
    %swap3A_1354 = arith.constant 3 : i32
    %swap3A_1355 = arith.index_cast %swap3A_1354 : i32 to index
    %swap3A_1356 = arith.constant 64 : index
    %swap3A_1357 = tpu.vector_load %arg9[%swap3A_1355, %swap3A_1356] {strides = array<i32>} : memref<5x128xf32, #tpu.memory_space<vmem>>, vector<1x16xf32>,
    %swap3A_1358 = vector.shape_cast %swap3A_1357 : vector<1x16xf32> to vector<16xf32>
    %swap3A_1359 = vector.shape_cast %select_n3A_1353 : vector<16xf32> to vector<1x16xf32>
    tpu.vector_store %arg9[%swap3A_1355, %swap3A_1356], %swap3A_1359 {strides = array<i32>} : memref<5x128xf32, #tpu.memory_space<vmem>>, vector<1x16xf32>,
    %get3A_1360 = arith.constant 3 : i32
    %get3A_1361 = arith.index_cast %get3A_1360 : i32 to index
    %get3A_1362 = arith.constant 80 : index
    %get3A_1363 = tpu.vector_load %arg6[%get3A_1361, %get3A_1362] {strides = array<i32>} : memref<5x128xi32, #tpu.memory_space<vmem>>, vector<1x16xi32>,
    %get3A_1364 = vector.shape_cast %get3A_1363 : vector<1x16xi32> to vector<16xi32>
    %get3A_1365 = arith.constant 3 : i32
    %get3A_1366 = arith.index_cast %get3A_1365 : i32 to index
    %get3A_1367 = arith.constant 80 : index
    %get3A_1368 = tpu.vector_load %arg8[%get3A_1366, %get3A_1367] {strides = array<i32>} : memref<5x128xf32, #tpu.memory_space<vmem>>, vector<1x16xf32>,
    %get3A_1369 = vector.shape_cast %get3A_1368 : vector<1x16xf32> to vector<16xf32>
    %get3A_1370 = arith.constant 3 : i32
    %get3A_1371 = arith.index_cast %get3A_1370 : i32 to index
    %get3A_1372 = arith.constant 80 : index
    %get3A_1373 = tpu.vector_load %arg7[%get3A_1371, %get3A_1372] {strides = array<i32>} : memref<5x128xi32, #tpu.memory_space<vmem>>, vector<1x16xi32>,
    %get3A_1374 = vector.shape_cast %get3A_1373 : vector<1x16xi32> to vector<16xi32>
    %mul3A_1375 = arith.constant 100000 : i32
    %mul3A_1376 = vector.broadcast %mul3A_1375 : i32 to vector<16xi32>
    %mul3A_1377 = arith.muli %get3A_1374, %mul3A_1376 : vector<16xi32>
    %add3A_1378 = vector.broadcast %mul3A_2 : i32 to vector<16xi32>
    %add3A_1379 = arith.addi %add3A_1378, %mul3A_1377 : vector<16xi32>
    %add3A_1380 = arith.addi %add3A_1379, %get3A_1364 : vector<16xi32>
    %swap3A_1381 = arith.constant 3 : i32
    %swap3A_1382 = arith.index_cast %swap3A_1381 : i32 to index
    %swap3A_1383 = arith.constant 80 : index
    %swap3A_1384 = tpu.vector_load %arg10[%swap3A_1382, %swap3A_1383] {strides = array<i32>} : memref<5x128xi32, #tpu.memory_space<vmem>>, vector<1x16xi32>,
    %swap3A_1385 = vector.shape_cast %swap3A_1384 : vector<1x16xi32> to vector<16xi32>
    %swap3A_1386 = vector.shape_cast %add3A_1380 : vector<16xi32> to vector<1x16xi32>
    tpu.vector_store %arg10[%swap3A_1382, %swap3A_1383], %swap3A_1386 {strides = array<i32>} : memref<5x128xi32, #tpu.memory_space<vmem>>, vector<1x16xi32>,
    %eq3A_1387 = arith.constant 1 : i32
    %eq3A_1388 = vector.broadcast %eq3A_1387 : i32 to vector<16xi32>
    %eq3A_1389 = arith.cmpi eq, %get3A_1364, %eq3A_1388 : vector<16xi32>
    %jit3A_1390 = arith.constant 0.000000e+00 : f32
    %broadcast_in_dim3A_1391 = vector.broadcast %jit3A_1390 : f32 to vector<16xf32>
    %select_n3A_1392 = arith.select %eq3A_1389, %broadcast_in_dim3A_1391, %get3A_1369 : vector<16xi1>, vector<16xf32>
    %swap3A_1393 = arith.constant 3 : i32
    %swap3A_1394 = arith.index_cast %swap3A_1393 : i32 to index
    %swap3A_1395 = arith.constant 80 : index
    %swap3A_1396 = tpu.vector_load %arg9[%swap3A_1394, %swap3A_1395] {strides = array<i32>} : memref<5x128xf32, #tpu.memory_space<vmem>>, vector<1x16xf32>,
    %swap3A_1397 = vector.shape_cast %swap3A_1396 : vector<1x16xf32> to vector<16xf32>
    %swap3A_1398 = vector.shape_cast %select_n3A_1392 : vector<16xf32> to vector<1x16xf32>
    tpu.vector_store %arg9[%swap3A_1394, %swap3A_1395], %swap3A_1398 {strides = array<i32>} : memref<5x128xf32, #tpu.memory_space<vmem>>, vector<1x16xf32>,
    %get3A_1399 = arith.constant 3 : i32
    %get3A_1400 = arith.index_cast %get3A_1399 : i32 to index
    %get3A_1401 = arith.constant 96 : index
    %get3A_1402 = tpu.vector_load %arg6[%get3A_1400, %get3A_1401] {strides = array<i32>} : memref<5x128xi32, #tpu.memory_space<vmem>>, vector<1x16xi32>,
    %get3A_1403 = vector.shape_cast %get3A_1402 : vector<1x16xi32> to vector<16xi32>
    %get3A_1404 = arith.constant 3 : i32
    %get3A_1405 = arith.index_cast %get3A_1404 : i32 to index
    %get3A_1406 = arith.constant 96 : index
    %get3A_1407 = tpu.vector_load %arg8[%get3A_1405, %get3A_1406] {strides = array<i32>} : memref<5x128xf32, #tpu.memory_space<vmem>>, vector<1x16xf32>,
    %get3A_1408 = vector.shape_cast %get3A_1407 : vector<1x16xf32> to vector<16xf32>
    %get3A_1409 = arith.constant 3 : i32
    %get3A_1410 = arith.index_cast %get3A_1409 : i32 to index
    %get3A_1411 = arith.constant 96 : index
    %get3A_1412 = tpu.vector_load %arg7[%get3A_1410, %get3A_1411] {strides = array<i32>} : memref<5x128xi32, #tpu.memory_space<vmem>>, vector<1x16xi32>,
    %get3A_1413 = vector.shape_cast %get3A_1412 : vector<1x16xi32> to vector<16xi32>
    %mul3A_1414 = arith.constant 100000 : i32
    %mul3A_1415 = vector.broadcast %mul3A_1414 : i32 to vector<16xi32>
    %mul3A_1416 = arith.muli %get3A_1413, %mul3A_1415 : vector<16xi32>
    %add3A_1417 = vector.broadcast %mul3A_2 : i32 to vector<16xi32>
    %add3A_1418 = arith.addi %add3A_1417, %mul3A_1416 : vector<16xi32>
    %add3A_1419 = arith.addi %add3A_1418, %get3A_1403 : vector<16xi32>
    %swap3A_1420 = arith.constant 3 : i32
    %swap3A_1421 = arith.index_cast %swap3A_1420 : i32 to index
    %swap3A_1422 = arith.constant 96 : index
    %swap3A_1423 = tpu.vector_load %arg10[%swap3A_1421, %swap3A_1422] {strides = array<i32>} : memref<5x128xi32, #tpu.memory_space<vmem>>, vector<1x16xi32>,
    %swap3A_1424 = vector.shape_cast %swap3A_1423 : vector<1x16xi32> to vector<16xi32>
    %swap3A_1425 = vector.shape_cast %add3A_1419 : vector<16xi32> to vector<1x16xi32>
    tpu.vector_store %arg10[%swap3A_1421, %swap3A_1422], %swap3A_1425 {strides = array<i32>} : memref<5x128xi32, #tpu.memory_space<vmem>>, vector<1x16xi32>,
    %eq3A_1426 = arith.constant 1 : i32
    %eq3A_1427 = vector.broadcast %eq3A_1426 : i32 to vector<16xi32>
    %eq3A_1428 = arith.cmpi eq, %get3A_1403, %eq3A_1427 : vector<16xi32>
    %jit3A_1429 = arith.constant 0.000000e+00 : f32
    %broadcast_in_dim3A_1430 = vector.broadcast %jit3A_1429 : f32 to vector<16xf32>
    %select_n3A_1431 = arith.select %eq3A_1428, %broadcast_in_dim3A_1430, %get3A_1408 : vector<16xi1>, vector<16xf32>
    %swap3A_1432 = arith.constant 3 : i32
    %swap3A_1433 = arith.index_cast %swap3A_1432 : i32 to index
    %swap3A_1434 = arith.constant 96 : index
    %swap3A_1435 = tpu.vector_load %arg9[%swap3A_1433, %swap3A_1434] {strides = array<i32>} : memref<5x128xf32, #tpu.memory_space<vmem>>, vector<1x16xf32>,
    %swap3A_1436 = vector.shape_cast %swap3A_1435 : vector<1x16xf32> to vector<16xf32>
    %swap3A_1437 = vector.shape_cast %select_n3A_1431 : vector<16xf32> to vector<1x16xf32>
    tpu.vector_store %arg9[%swap3A_1433, %swap3A_1434], %swap3A_1437 {strides = array<i32>} : memref<5x128xf32, #tpu.memory_space<vmem>>, vector<1x16xf32>,
    %get3A_1438 = arith.constant 3 : i32
    %get3A_1439 = arith.index_cast %get3A_1438 : i32 to index
    %get3A_1440 = arith.constant 112 : index
    %get3A_1441 = tpu.vector_load %arg6[%get3A_1439, %get3A_1440] {strides = array<i32>} : memref<5x128xi32, #tpu.memory_space<vmem>>, vector<1x16xi32>,
    %get3A_1442 = vector.shape_cast %get3A_1441 : vector<1x16xi32> to vector<16xi32>
    %get3A_1443 = arith.constant 3 : i32
    %get3A_1444 = arith.index_cast %get3A_1443 : i32 to index
    %get3A_1445 = arith.constant 112 : index
    %get3A_1446 = tpu.vector_load %arg8[%get3A_1444, %get3A_1445] {strides = array<i32>} : memref<5x128xf32, #tpu.memory_space<vmem>>, vector<1x16xf32>,
    %get3A_1447 = vector.shape_cast %get3A_1446 : vector<1x16xf32> to vector<16xf32>
    %get3A_1448 = arith.constant 3 : i32
    %get3A_1449 = arith.index_cast %get3A_1448 : i32 to index
    %get3A_1450 = arith.constant 112 : index
    %get3A_1451 = tpu.vector_load %arg7[%get3A_1449, %get3A_1450] {strides = array<i32>} : memref<5x128xi32, #tpu.memory_space<vmem>>, vector<1x16xi32>,
    %get3A_1452 = vector.shape_cast %get3A_1451 : vector<1x16xi32> to vector<16xi32>
    %mul3A_1453 = arith.constant 100000 : i32
    %mul3A_1454 = vector.broadcast %mul3A_1453 : i32 to vector<16xi32>
    %mul3A_1455 = arith.muli %get3A_1452, %mul3A_1454 : vector<16xi32>
    %add3A_1456 = vector.broadcast %mul3A_2 : i32 to vector<16xi32>
    %add3A_1457 = arith.addi %add3A_1456, %mul3A_1455 : vector<16xi32>
    %add3A_1458 = arith.addi %add3A_1457, %get3A_1442 : vector<16xi32>
    %swap3A_1459 = arith.constant 3 : i32
    %swap3A_1460 = arith.index_cast %swap3A_1459 : i32 to index
    %swap3A_1461 = arith.constant 112 : index
    %swap3A_1462 = tpu.vector_load %arg10[%swap3A_1460, %swap3A_1461] {strides = array<i32>} : memref<5x128xi32, #tpu.memory_space<vmem>>, vector<1x16xi32>,
    %swap3A_1463 = vector.shape_cast %swap3A_1462 : vector<1x16xi32> to vector<16xi32>
    %swap3A_1464 = vector.shape_cast %add3A_1458 : vector<16xi32> to vector<1x16xi32>
    tpu.vector_store %arg10[%swap3A_1460, %swap3A_1461], %swap3A_1464 {strides = array<i32>} : memref<5x128xi32, #tpu.memory_space<vmem>>, vector<1x16xi32>,
    %eq3A_1465 = arith.constant 1 : i32
    %eq3A_1466 = vector.broadcast %eq3A_1465 : i32 to vector<16xi32>
    %eq3A_1467 = arith.cmpi eq, %get3A_1442, %eq3A_1466 : vector<16xi32>
    %jit3A_1468 = arith.constant 0.000000e+00 : f32
    %broadcast_in_dim3A_1469 = vector.broadcast %jit3A_1468 : f32 to vector<16xf32>
    %select_n3A_1470 = arith.select %eq3A_1467, %broadcast_in_dim3A_1469, %get3A_1447 : vector<16xi1>, vector<16xf32>
    %swap3A_1471 = arith.constant 3 : i32
    %swap3A_1472 = arith.index_cast %swap3A_1471 : i32 to index
    %swap3A_1473 = arith.constant 112 : index
    %swap3A_1474 = tpu.vector_load %arg9[%swap3A_1472, %swap3A_1473] {strides = array<i32>} : memref<5x128xf32, #tpu.memory_space<vmem>>, vector<1x16xf32>,
    %swap3A_1475 = vector.shape_cast %swap3A_1474 : vector<1x16xf32> to vector<16xf32>
    %swap3A_1476 = vector.shape_cast %select_n3A_1470 : vector<16xf32> to vector<1x16xf32>
    tpu.vector_store %arg9[%swap3A_1472, %swap3A_1473], %swap3A_1476 {strides = array<i32>} : memref<5x128xf32, #tpu.memory_space<vmem>>, vector<1x16xf32>,
    %get3A_1477 = arith.constant 4 : i32
    %get3A_1478 = arith.index_cast %get3A_1477 : i32 to index
    %get3A_1479 = arith.constant 0 : index
    %get3A_1480 = tpu.vector_load %arg6[%get3A_1478, %get3A_1479] {strides = array<i32>} : memref<5x128xi32, #tpu.memory_space<vmem>>, vector<1x16xi32>,
    %get3A_1481 = vector.shape_cast %get3A_1480 : vector<1x16xi32> to vector<16xi32>
    %get3A_1482 = arith.constant 4 : i32
    %get3A_1483 = arith.index_cast %get3A_1482 : i32 to index
    %get3A_1484 = arith.constant 0 : index
    %get3A_1485 = tpu.vector_load %arg8[%get3A_1483, %get3A_1484] {strides = array<i32>} : memref<5x128xf32, #tpu.memory_space<vmem>>, vector<1x16xf32>,
    %get3A_1486 = vector.shape_cast %get3A_1485 : vector<1x16xf32> to vector<16xf32>
    %get3A_1487 = arith.constant 4 : i32
    %get3A_1488 = arith.index_cast %get3A_1487 : i32 to index
    %get3A_1489 = arith.constant 0 : index
    %get3A_1490 = tpu.vector_load %arg7[%get3A_1488, %get3A_1489] {strides = array<i32>} : memref<5x128xi32, #tpu.memory_space<vmem>>, vector<1x16xi32>,
    %get3A_1491 = vector.shape_cast %get3A_1490 : vector<1x16xi32> to vector<16xi32>
    %mul3A_1492 = arith.constant 100000 : i32
    %mul3A_1493 = vector.broadcast %mul3A_1492 : i32 to vector<16xi32>
    %mul3A_1494 = arith.muli %get3A_1491, %mul3A_1493 : vector<16xi32>
    %add3A_1495 = vector.broadcast %mul3A_2 : i32 to vector<16xi32>
    %add3A_1496 = arith.addi %add3A_1495, %mul3A_1494 : vector<16xi32>
    %add3A_1497 = arith.addi %add3A_1496, %get3A_1481 : vector<16xi32>
    %swap3A_1498 = arith.constant 4 : i32
    %swap3A_1499 = arith.index_cast %swap3A_1498 : i32 to index
    %swap3A_1500 = arith.constant 0 : index
    %swap3A_1501 = tpu.vector_load %arg10[%swap3A_1499, %swap3A_1500] {strides = array<i32>} : memref<5x128xi32, #tpu.memory_space<vmem>>, vector<1x16xi32>,
    %swap3A_1502 = vector.shape_cast %swap3A_1501 : vector<1x16xi32> to vector<16xi32>
    %swap3A_1503 = vector.shape_cast %add3A_1497 : vector<16xi32> to vector<1x16xi32>
    tpu.vector_store %arg10[%swap3A_1499, %swap3A_1500], %swap3A_1503 {strides = array<i32>} : memref<5x128xi32, #tpu.memory_space<vmem>>, vector<1x16xi32>,
    %eq3A_1504 = arith.constant 1 : i32
    %eq3A_1505 = vector.broadcast %eq3A_1504 : i32 to vector<16xi32>
    %eq3A_1506 = arith.cmpi eq, %get3A_1481, %eq3A_1505 : vector<16xi32>
    %jit3A_1507 = arith.constant 0.000000e+00 : f32
    %broadcast_in_dim3A_1508 = vector.broadcast %jit3A_1507 : f32 to vector<16xf32>
    %select_n3A_1509 = arith.select %eq3A_1506, %broadcast_in_dim3A_1508, %get3A_1486 : vector<16xi1>, vector<16xf32>
    %swap3A_1510 = arith.constant 4 : i32
    %swap3A_1511 = arith.index_cast %swap3A_1510 : i32 to index
    %swap3A_1512 = arith.constant 0 : index
    %swap3A_1513 = tpu.vector_load %arg9[%swap3A_1511, %swap3A_1512] {strides = array<i32>} : memref<5x128xf32, #tpu.memory_space<vmem>>, vector<1x16xf32>,
    %swap3A_1514 = vector.shape_cast %swap3A_1513 : vector<1x16xf32> to vector<16xf32>
    %swap3A_1515 = vector.shape_cast %select_n3A_1509 : vector<16xf32> to vector<1x16xf32>
    tpu.vector_store %arg9[%swap3A_1511, %swap3A_1512], %swap3A_1515 {strides = array<i32>} : memref<5x128xf32, #tpu.memory_space<vmem>>, vector<1x16xf32>,
    %get3A_1516 = arith.constant 4 : i32
    %get3A_1517 = arith.index_cast %get3A_1516 : i32 to index
    %get3A_1518 = arith.constant 16 : index
    %get3A_1519 = tpu.vector_load %arg6[%get3A_1517, %get3A_1518] {strides = array<i32>} : memref<5x128xi32, #tpu.memory_space<vmem>>, vector<1x16xi32>,
    %get3A_1520 = vector.shape_cast %get3A_1519 : vector<1x16xi32> to vector<16xi32>
    %get3A_1521 = arith.constant 4 : i32
    %get3A_1522 = arith.index_cast %get3A_1521 : i32 to index
    %get3A_1523 = arith.constant 16 : index
    %get3A_1524 = tpu.vector_load %arg8[%get3A_1522, %get3A_1523] {strides = array<i32>} : memref<5x128xf32, #tpu.memory_space<vmem>>, vector<1x16xf32>,
    %get3A_1525 = vector.shape_cast %get3A_1524 : vector<1x16xf32> to vector<16xf32>
    %get3A_1526 = arith.constant 4 : i32
    %get3A_1527 = arith.index_cast %get3A_1526 : i32 to index
    %get3A_1528 = arith.constant 16 : index
    %get3A_1529 = tpu.vector_load %arg7[%get3A_1527, %get3A_1528] {strides = array<i32>} : memref<5x128xi32, #tpu.memory_space<vmem>>, vector<1x16xi32>,
    %get3A_1530 = vector.shape_cast %get3A_1529 : vector<1x16xi32> to vector<16xi32>
    %mul3A_1531 = arith.constant 100000 : i32
    %mul3A_1532 = vector.broadcast %mul3A_1531 : i32 to vector<16xi32>
    %mul3A_1533 = arith.muli %get3A_1530, %mul3A_1532 : vector<16xi32>
    %add3A_1534 = vector.broadcast %mul3A_2 : i32 to vector<16xi32>
    %add3A_1535 = arith.addi %add3A_1534, %mul3A_1533 : vector<16xi32>
    %add3A_1536 = arith.addi %add3A_1535, %get3A_1520 : vector<16xi32>
    %swap3A_1537 = arith.constant 4 : i32
    %swap3A_1538 = arith.index_cast %swap3A_1537 : i32 to index
    %swap3A_1539 = arith.constant 16 : index
    %swap3A_1540 = tpu.vector_load %arg10[%swap3A_1538, %swap3A_1539] {strides = array<i32>} : memref<5x128xi32, #tpu.memory_space<vmem>>, vector<1x16xi32>,
    %swap3A_1541 = vector.shape_cast %swap3A_1540 : vector<1x16xi32> to vector<16xi32>
    %swap3A_1542 = vector.shape_cast %add3A_1536 : vector<16xi32> to vector<1x16xi32>
    tpu.vector_store %arg10[%swap3A_1538, %swap3A_1539], %swap3A_1542 {strides = array<i32>} : memref<5x128xi32, #tpu.memory_space<vmem>>, vector<1x16xi32>,
    %eq3A_1543 = arith.constant 1 : i32
    %eq3A_1544 = vector.broadcast %eq3A_1543 : i32 to vector<16xi32>
    %eq3A_1545 = arith.cmpi eq, %get3A_1520, %eq3A_1544 : vector<16xi32>
    %jit3A_1546 = arith.constant 0.000000e+00 : f32
    %broadcast_in_dim3A_1547 = vector.broadcast %jit3A_1546 : f32 to vector<16xf32>
    %select_n3A_1548 = arith.select %eq3A_1545, %broadcast_in_dim3A_1547, %get3A_1525 : vector<16xi1>, vector<16xf32>
    %swap3A_1549 = arith.constant 4 : i32
    %swap3A_1550 = arith.index_cast %swap3A_1549 : i32 to index
    %swap3A_1551 = arith.constant 16 : index
    %swap3A_1552 = tpu.vector_load %arg9[%swap3A_1550, %swap3A_1551] {strides = array<i32>} : memref<5x128xf32, #tpu.memory_space<vmem>>, vector<1x16xf32>,
    %swap3A_1553 = vector.shape_cast %swap3A_1552 : vector<1x16xf32> to vector<16xf32>
    %swap3A_1554 = vector.shape_cast %select_n3A_1548 : vector<16xf32> to vector<1x16xf32>
    tpu.vector_store %arg9[%swap3A_1550, %swap3A_1551], %swap3A_1554 {strides = array<i32>} : memref<5x128xf32, #tpu.memory_space<vmem>>, vector<1x16xf32>,
    %get3A_1555 = arith.constant 4 : i32
    %get3A_1556 = arith.index_cast %get3A_1555 : i32 to index
    %get3A_1557 = arith.constant 32 : index
    %get3A_1558 = tpu.vector_load %arg6[%get3A_1556, %get3A_1557] {strides = array<i32>} : memref<5x128xi32, #tpu.memory_space<vmem>>, vector<1x16xi32>,
    %get3A_1559 = vector.shape_cast %get3A_1558 : vector<1x16xi32> to vector<16xi32>
    %get3A_1560 = arith.constant 4 : i32
    %get3A_1561 = arith.index_cast %get3A_1560 : i32 to index
    %get3A_1562 = arith.constant 32 : index
    %get3A_1563 = tpu.vector_load %arg8[%get3A_1561, %get3A_1562] {strides = array<i32>} : memref<5x128xf32, #tpu.memory_space<vmem>>, vector<1x16xf32>,
    %get3A_1564 = vector.shape_cast %get3A_1563 : vector<1x16xf32> to vector<16xf32>
    %get3A_1565 = arith.constant 4 : i32
    %get3A_1566 = arith.index_cast %get3A_1565 : i32 to index
    %get3A_1567 = arith.constant 32 : index
    %get3A_1568 = tpu.vector_load %arg7[%get3A_1566, %get3A_1567] {strides = array<i32>} : memref<5x128xi32, #tpu.memory_space<vmem>>, vector<1x16xi32>,
    %get3A_1569 = vector.shape_cast %get3A_1568 : vector<1x16xi32> to vector<16xi32>
    %mul3A_1570 = arith.constant 100000 : i32
    %mul3A_1571 = vector.broadcast %mul3A_1570 : i32 to vector<16xi32>
    %mul3A_1572 = arith.muli %get3A_1569, %mul3A_1571 : vector<16xi32>
    %add3A_1573 = vector.broadcast %mul3A_2 : i32 to vector<16xi32>
    %add3A_1574 = arith.addi %add3A_1573, %mul3A_1572 : vector<16xi32>
    %add3A_1575 = arith.addi %add3A_1574, %get3A_1559 : vector<16xi32>
    %swap3A_1576 = arith.constant 4 : i32
    %swap3A_1577 = arith.index_cast %swap3A_1576 : i32 to index
    %swap3A_1578 = arith.constant 32 : index
    %swap3A_1579 = tpu.vector_load %arg10[%swap3A_1577, %swap3A_1578] {strides = array<i32>} : memref<5x128xi32, #tpu.memory_space<vmem>>, vector<1x16xi32>,
    %swap3A_1580 = vector.shape_cast %swap3A_1579 : vector<1x16xi32> to vector<16xi32>
    %swap3A_1581 = vector.shape_cast %add3A_1575 : vector<16xi32> to vector<1x16xi32>
    tpu.vector_store %arg10[%swap3A_1577, %swap3A_1578], %swap3A_1581 {strides = array<i32>} : memref<5x128xi32, #tpu.memory_space<vmem>>, vector<1x16xi32>,
    %eq3A_1582 = arith.constant 1 : i32
    %eq3A_1583 = vector.broadcast %eq3A_1582 : i32 to vector<16xi32>
    %eq3A_1584 = arith.cmpi eq, %get3A_1559, %eq3A_1583 : vector<16xi32>
    %jit3A_1585 = arith.constant 0.000000e+00 : f32
    %broadcast_in_dim3A_1586 = vector.broadcast %jit3A_1585 : f32 to vector<16xf32>
    %select_n3A_1587 = arith.select %eq3A_1584, %broadcast_in_dim3A_1586, %get3A_1564 : vector<16xi1>, vector<16xf32>
    %swap3A_1588 = arith.constant 4 : i32
    %swap3A_1589 = arith.index_cast %swap3A_1588 : i32 to index
    %swap3A_1590 = arith.constant 32 : index
    %swap3A_1591 = tpu.vector_load %arg9[%swap3A_1589, %swap3A_1590] {strides = array<i32>} : memref<5x128xf32, #tpu.memory_space<vmem>>, vector<1x16xf32>,
    %swap3A_1592 = vector.shape_cast %swap3A_1591 : vector<1x16xf32> to vector<16xf32>
    %swap3A_1593 = vector.shape_cast %select_n3A_1587 : vector<16xf32> to vector<1x16xf32>
    tpu.vector_store %arg9[%swap3A_1589, %swap3A_1590], %swap3A_1593 {strides = array<i32>} : memref<5x128xf32, #tpu.memory_space<vmem>>, vector<1x16xf32>,
    %get3A_1594 = arith.constant 4 : i32
    %get3A_1595 = arith.index_cast %get3A_1594 : i32 to index
    %get3A_1596 = arith.constant 48 : index
    %get3A_1597 = tpu.vector_load %arg6[%get3A_1595, %get3A_1596] {strides = array<i32>} : memref<5x128xi32, #tpu.memory_space<vmem>>, vector<1x16xi32>,
    %get3A_1598 = vector.shape_cast %get3A_1597 : vector<1x16xi32> to vector<16xi32>
    %get3A_1599 = arith.constant 4 : i32
    %get3A_1600 = arith.index_cast %get3A_1599 : i32 to index
    %get3A_1601 = arith.constant 48 : index
    %get3A_1602 = tpu.vector_load %arg8[%get3A_1600, %get3A_1601] {strides = array<i32>} : memref<5x128xf32, #tpu.memory_space<vmem>>, vector<1x16xf32>,
    %get3A_1603 = vector.shape_cast %get3A_1602 : vector<1x16xf32> to vector<16xf32>
    %get3A_1604 = arith.constant 4 : i32
    %get3A_1605 = arith.index_cast %get3A_1604 : i32 to index
    %get3A_1606 = arith.constant 48 : index
    %get3A_1607 = tpu.vector_load %arg7[%get3A_1605, %get3A_1606] {strides = array<i32>} : memref<5x128xi32, #tpu.memory_space<vmem>>, vector<1x16xi32>,
    %get3A_1608 = vector.shape_cast %get3A_1607 : vector<1x16xi32> to vector<16xi32>
    %mul3A_1609 = arith.constant 100000 : i32
    %mul3A_1610 = vector.broadcast %mul3A_1609 : i32 to vector<16xi32>
    %mul3A_1611 = arith.muli %get3A_1608, %mul3A_1610 : vector<16xi32>
    %add3A_1612 = vector.broadcast %mul3A_2 : i32 to vector<16xi32>
    %add3A_1613 = arith.addi %add3A_1612, %mul3A_1611 : vector<16xi32>
    %add3A_1614 = arith.addi %add3A_1613, %get3A_1598 : vector<16xi32>
    %swap3A_1615 = arith.constant 4 : i32
    %swap3A_1616 = arith.index_cast %swap3A_1615 : i32 to index
    %swap3A_1617 = arith.constant 48 : index
    %swap3A_1618 = tpu.vector_load %arg10[%swap3A_1616, %swap3A_1617] {strides = array<i32>} : memref<5x128xi32, #tpu.memory_space<vmem>>, vector<1x16xi32>,
    %swap3A_1619 = vector.shape_cast %swap3A_1618 : vector<1x16xi32> to vector<16xi32>
    %swap3A_1620 = vector.shape_cast %add3A_1614 : vector<16xi32> to vector<1x16xi32>
    tpu.vector_store %arg10[%swap3A_1616, %swap3A_1617], %swap3A_1620 {strides = array<i32>} : memref<5x128xi32, #tpu.memory_space<vmem>>, vector<1x16xi32>,
    %eq3A_1621 = arith.constant 1 : i32
    %eq3A_1622 = vector.broadcast %eq3A_1621 : i32 to vector<16xi32>
    %eq3A_1623 = arith.cmpi eq, %get3A_1598, %eq3A_1622 : vector<16xi32>
    %jit3A_1624 = arith.constant 0.000000e+00 : f32
    %broadcast_in_dim3A_1625 = vector.broadcast %jit3A_1624 : f32 to vector<16xf32>
    %select_n3A_1626 = arith.select %eq3A_1623, %broadcast_in_dim3A_1625, %get3A_1603 : vector<16xi1>, vector<16xf32>
    %swap3A_1627 = arith.constant 4 : i32
    %swap3A_1628 = arith.index_cast %swap3A_1627 : i32 to index
    %swap3A_1629 = arith.constant 48 : index
    %swap3A_1630 = tpu.vector_load %arg9[%swap3A_1628, %swap3A_1629] {strides = array<i32>} : memref<5x128xf32, #tpu.memory_space<vmem>>, vector<1x16xf32>,
    %swap3A_1631 = vector.shape_cast %swap3A_1630 : vector<1x16xf32> to vector<16xf32>
    %swap3A_1632 = vector.shape_cast %select_n3A_1626 : vector<16xf32> to vector<1x16xf32>
    tpu.vector_store %arg9[%swap3A_1628, %swap3A_1629], %swap3A_1632 {strides = array<i32>} : memref<5x128xf32, #tpu.memory_space<vmem>>, vector<1x16xf32>,
    %get3A_1633 = arith.constant 4 : i32
    %get3A_1634 = arith.index_cast %get3A_1633 : i32 to index
    %get3A_1635 = arith.constant 64 : index
    %get3A_1636 = tpu.vector_load %arg6[%get3A_1634, %get3A_1635] {strides = array<i32>} : memref<5x128xi32, #tpu.memory_space<vmem>>, vector<1x16xi32>,
    %get3A_1637 = vector.shape_cast %get3A_1636 : vector<1x16xi32> to vector<16xi32>
    %get3A_1638 = arith.constant 4 : i32
    %get3A_1639 = arith.index_cast %get3A_1638 : i32 to index
    %get3A_1640 = arith.constant 64 : index
    %get3A_1641 = tpu.vector_load %arg8[%get3A_1639, %get3A_1640] {strides = array<i32>} : memref<5x128xf32, #tpu.memory_space<vmem>>, vector<1x16xf32>,
    %get3A_1642 = vector.shape_cast %get3A_1641 : vector<1x16xf32> to vector<16xf32>
    %get3A_1643 = arith.constant 4 : i32
    %get3A_1644 = arith.index_cast %get3A_1643 : i32 to index
    %get3A_1645 = arith.constant 64 : index
    %get3A_1646 = tpu.vector_load %arg7[%get3A_1644, %get3A_1645] {strides = array<i32>} : memref<5x128xi32, #tpu.memory_space<vmem>>, vector<1x16xi32>,
    %get3A_1647 = vector.shape_cast %get3A_1646 : vector<1x16xi32> to vector<16xi32>
    %mul3A_1648 = arith.constant 100000 : i32
    %mul3A_1649 = vector.broadcast %mul3A_1648 : i32 to vector<16xi32>
    %mul3A_1650 = arith.muli %get3A_1647, %mul3A_1649 : vector<16xi32>
    %add3A_1651 = vector.broadcast %mul3A_2 : i32 to vector<16xi32>
    %add3A_1652 = arith.addi %add3A_1651, %mul3A_1650 : vector<16xi32>
    %add3A_1653 = arith.addi %add3A_1652, %get3A_1637 : vector<16xi32>
    %swap3A_1654 = arith.constant 4 : i32
    %swap3A_1655 = arith.index_cast %swap3A_1654 : i32 to index
    %swap3A_1656 = arith.constant 64 : index
    %swap3A_1657 = tpu.vector_load %arg10[%swap3A_1655, %swap3A_1656] {strides = array<i32>} : memref<5x128xi32, #tpu.memory_space<vmem>>, vector<1x16xi32>,
    %swap3A_1658 = vector.shape_cast %swap3A_1657 : vector<1x16xi32> to vector<16xi32>
    %swap3A_1659 = vector.shape_cast %add3A_1653 : vector<16xi32> to vector<1x16xi32>
    tpu.vector_store %arg10[%swap3A_1655, %swap3A_1656], %swap3A_1659 {strides = array<i32>} : memref<5x128xi32, #tpu.memory_space<vmem>>, vector<1x16xi32>,
    %eq3A_1660 = arith.constant 1 : i32
    %eq3A_1661 = vector.broadcast %eq3A_1660 : i32 to vector<16xi32>
    %eq3A_1662 = arith.cmpi eq, %get3A_1637, %eq3A_1661 : vector<16xi32>
    %jit3A_1663 = arith.constant 0.000000e+00 : f32
    %broadcast_in_dim3A_1664 = vector.broadcast %jit3A_1663 : f32 to vector<16xf32>
    %select_n3A_1665 = arith.select %eq3A_1662, %broadcast_in_dim3A_1664, %get3A_1642 : vector<16xi1>, vector<16xf32>
    %swap3A_1666 = arith.constant 4 : i32
    %swap3A_1667 = arith.index_cast %swap3A_1666 : i32 to index
    %swap3A_1668 = arith.constant 64 : index
    %swap3A_1669 = tpu.vector_load %arg9[%swap3A_1667, %swap3A_1668] {strides = array<i32>} : memref<5x128xf32, #tpu.memory_space<vmem>>, vector<1x16xf32>,
    %swap3A_1670 = vector.shape_cast %swap3A_1669 : vector<1x16xf32> to vector<16xf32>
    %swap3A_1671 = vector.shape_cast %select_n3A_1665 : vector<16xf32> to vector<1x16xf32>
    tpu.vector_store %arg9[%swap3A_1667, %swap3A_1668], %swap3A_1671 {strides = array<i32>} : memref<5x128xf32, #tpu.memory_space<vmem>>, vector<1x16xf32>,
    %get3A_1672 = arith.constant 4 : i32
    %get3A_1673 = arith.index_cast %get3A_1672 : i32 to index
    %get3A_1674 = arith.constant 80 : index
    %get3A_1675 = tpu.vector_load %arg6[%get3A_1673, %get3A_1674] {strides = array<i32>} : memref<5x128xi32, #tpu.memory_space<vmem>>, vector<1x16xi32>,
    %get3A_1676 = vector.shape_cast %get3A_1675 : vector<1x16xi32> to vector<16xi32>
    %get3A_1677 = arith.constant 4 : i32
    %get3A_1678 = arith.index_cast %get3A_1677 : i32 to index
    %get3A_1679 = arith.constant 80 : index
    %get3A_1680 = tpu.vector_load %arg8[%get3A_1678, %get3A_1679] {strides = array<i32>} : memref<5x128xf32, #tpu.memory_space<vmem>>, vector<1x16xf32>,
    %get3A_1681 = vector.shape_cast %get3A_1680 : vector<1x16xf32> to vector<16xf32>
    %get3A_1682 = arith.constant 4 : i32
    %get3A_1683 = arith.index_cast %get3A_1682 : i32 to index
    %get3A_1684 = arith.constant 80 : index
    %get3A_1685 = tpu.vector_load %arg7[%get3A_1683, %get3A_1684] {strides = array<i32>} : memref<5x128xi32, #tpu.memory_space<vmem>>, vector<1x16xi32>,
    %get3A_1686 = vector.shape_cast %get3A_1685 : vector<1x16xi32> to vector<16xi32>
    %mul3A_1687 = arith.constant 100000 : i32
    %mul3A_1688 = vector.broadcast %mul3A_1687 : i32 to vector<16xi32>
    %mul3A_1689 = arith.muli %get3A_1686, %mul3A_1688 : vector<16xi32>
    %add3A_1690 = vector.broadcast %mul3A_2 : i32 to vector<16xi32>
    %add3A_1691 = arith.addi %add3A_1690, %mul3A_1689 : vector<16xi32>
    %add3A_1692 = arith.addi %add3A_1691, %get3A_1676 : vector<16xi32>
    %swap3A_1693 = arith.constant 4 : i32
    %swap3A_1694 = arith.index_cast %swap3A_1693 : i32 to index
    %swap3A_1695 = arith.constant 80 : index
    %swap3A_1696 = tpu.vector_load %arg10[%swap3A_1694, %swap3A_1695] {strides = array<i32>} : memref<5x128xi32, #tpu.memory_space<vmem>>, vector<1x16xi32>,
    %swap3A_1697 = vector.shape_cast %swap3A_1696 : vector<1x16xi32> to vector<16xi32>
    %swap3A_1698 = vector.shape_cast %add3A_1692 : vector<16xi32> to vector<1x16xi32>
    tpu.vector_store %arg10[%swap3A_1694, %swap3A_1695], %swap3A_1698 {strides = array<i32>} : memref<5x128xi32, #tpu.memory_space<vmem>>, vector<1x16xi32>,
    %eq3A_1699 = arith.constant 1 : i32
    %eq3A_1700 = vector.broadcast %eq3A_1699 : i32 to vector<16xi32>
    %eq3A_1701 = arith.cmpi eq, %get3A_1676, %eq3A_1700 : vector<16xi32>
    %jit3A_1702 = arith.constant 0.000000e+00 : f32
    %broadcast_in_dim3A_1703 = vector.broadcast %jit3A_1702 : f32 to vector<16xf32>
    %select_n3A_1704 = arith.select %eq3A_1701, %broadcast_in_dim3A_1703, %get3A_1681 : vector<16xi1>, vector<16xf32>
    %swap3A_1705 = arith.constant 4 : i32
    %swap3A_1706 = arith.index_cast %swap3A_1705 : i32 to index
    %swap3A_1707 = arith.constant 80 : index
    %swap3A_1708 = tpu.vector_load %arg9[%swap3A_1706, %swap3A_1707] {strides = array<i32>} : memref<5x128xf32, #tpu.memory_space<vmem>>, vector<1x16xf32>,
    %swap3A_1709 = vector.shape_cast %swap3A_1708 : vector<1x16xf32> to vector<16xf32>
    %swap3A_1710 = vector.shape_cast %select_n3A_1704 : vector<16xf32> to vector<1x16xf32>
    tpu.vector_store %arg9[%swap3A_1706, %swap3A_1707], %swap3A_1710 {strides = array<i32>} : memref<5x128xf32, #tpu.memory_space<vmem>>, vector<1x16xf32>,
    %get3A_1711 = arith.constant 4 : i32
    %get3A_1712 = arith.index_cast %get3A_1711 : i32 to index
    %get3A_1713 = arith.constant 96 : index
    %get3A_1714 = tpu.vector_load %arg6[%get3A_1712, %get3A_1713] {strides = array<i32>} : memref<5x128xi32, #tpu.memory_space<vmem>>, vector<1x16xi32>,
    %get3A_1715 = vector.shape_cast %get3A_1714 : vector<1x16xi32> to vector<16xi32>
    %get3A_1716 = arith.constant 4 : i32
    %get3A_1717 = arith.index_cast %get3A_1716 : i32 to index
    %get3A_1718 = arith.constant 96 : index
    %get3A_1719 = tpu.vector_load %arg8[%get3A_1717, %get3A_1718] {strides = array<i32>} : memref<5x128xf32, #tpu.memory_space<vmem>>, vector<1x16xf32>,
    %get3A_1720 = vector.shape_cast %get3A_1719 : vector<1x16xf32> to vector<16xf32>
    %get3A_1721 = arith.constant 4 : i32
    %get3A_1722 = arith.index_cast %get3A_1721 : i32 to index
    %get3A_1723 = arith.constant 96 : index
    %get3A_1724 = tpu.vector_load %arg7[%get3A_1722, %get3A_1723] {strides = array<i32>} : memref<5x128xi32, #tpu.memory_space<vmem>>, vector<1x16xi32>,
    %get3A_1725 = vector.shape_cast %get3A_1724 : vector<1x16xi32> to vector<16xi32>
    %mul3A_1726 = arith.constant 100000 : i32
    %mul3A_1727 = vector.broadcast %mul3A_1726 : i32 to vector<16xi32>
    %mul3A_1728 = arith.muli %get3A_1725, %mul3A_1727 : vector<16xi32>
    %add3A_1729 = vector.broadcast %mul3A_2 : i32 to vector<16xi32>
    %add3A_1730 = arith.addi %add3A_1729, %mul3A_1728 : vector<16xi32>
    %add3A_1731 = arith.addi %add3A_1730, %get3A_1715 : vector<16xi32>
    %swap3A_1732 = arith.constant 4 : i32
    %swap3A_1733 = arith.index_cast %swap3A_1732 : i32 to index
    %swap3A_1734 = arith.constant 96 : index
    %swap3A_1735 = tpu.vector_load %arg10[%swap3A_1733, %swap3A_1734] {strides = array<i32>} : memref<5x128xi32, #tpu.memory_space<vmem>>, vector<1x16xi32>,
    %swap3A_1736 = vector.shape_cast %swap3A_1735 : vector<1x16xi32> to vector<16xi32>
    %swap3A_1737 = vector.shape_cast %add3A_1731 : vector<16xi32> to vector<1x16xi32>
    tpu.vector_store %arg10[%swap3A_1733, %swap3A_1734], %swap3A_1737 {strides = array<i32>} : memref<5x128xi32, #tpu.memory_space<vmem>>, vector<1x16xi32>,
    %eq3A_1738 = arith.constant 1 : i32
    %eq3A_1739 = vector.broadcast %eq3A_1738 : i32 to vector<16xi32>
    %eq3A_1740 = arith.cmpi eq, %get3A_1715, %eq3A_1739 : vector<16xi32>
    %jit3A_1741 = arith.constant 0.000000e+00 : f32
    %broadcast_in_dim3A_1742 = vector.broadcast %jit3A_1741 : f32 to vector<16xf32>
    %select_n3A_1743 = arith.select %eq3A_1740, %broadcast_in_dim3A_1742, %get3A_1720 : vector<16xi1>, vector<16xf32>
    %swap3A_1744 = arith.constant 4 : i32
    %swap3A_1745 = arith.index_cast %swap3A_1744 : i32 to index
    %swap3A_1746 = arith.constant 96 : index
    %swap3A_1747 = tpu.vector_load %arg9[%swap3A_1745, %swap3A_1746] {strides = array<i32>} : memref<5x128xf32, #tpu.memory_space<vmem>>, vector<1x16xf32>,
    %swap3A_1748 = vector.shape_cast %swap3A_1747 : vector<1x16xf32> to vector<16xf32>
    %swap3A_1749 = vector.shape_cast %select_n3A_1743 : vector<16xf32> to vector<1x16xf32>
    tpu.vector_store %arg9[%swap3A_1745, %swap3A_1746], %swap3A_1749 {strides = array<i32>} : memref<5x128xf32, #tpu.memory_space<vmem>>, vector<1x16xf32>,
    %get3A_1750 = arith.constant 4 : i32
    %get3A_1751 = arith.index_cast %get3A_1750 : i32 to index
    %get3A_1752 = arith.constant 112 : index
    %get3A_1753 = tpu.vector_load %arg6[%get3A_1751, %get3A_1752] {strides = array<i32>} : memref<5x128xi32, #tpu.memory_space<vmem>>, vector<1x16xi32>,
    %get3A_1754 = vector.shape_cast %get3A_1753 : vector<1x16xi32> to vector<16xi32>
    %get3A_1755 = arith.constant 4 : i32
    %get3A_1756 = arith.index_cast %get3A_1755 : i32 to index
    %get3A_1757 = arith.constant 112 : index
    %get3A_1758 = tpu.vector_load %arg8[%get3A_1756, %get3A_1757] {strides = array<i32>} : memref<5x128xf32, #tpu.memory_space<vmem>>, vector<1x16xf32>,
    %get3A_1759 = vector.shape_cast %get3A_1758 : vector<1x16xf32> to vector<16xf32>
    %get3A_1760 = arith.constant 4 : i32
    %get3A_1761 = arith.index_cast %get3A_1760 : i32 to index
    %get3A_1762 = arith.constant 112 : index
    %get3A_1763 = tpu.vector_load %arg7[%get3A_1761, %get3A_1762] {strides = array<i32>} : memref<5x128xi32, #tpu.memory_space<vmem>>, vector<1x16xi32>,
    %get3A_1764 = vector.shape_cast %get3A_1763 : vector<1x16xi32> to vector<16xi32>
    %mul3A_1765 = arith.constant 100000 : i32
    %mul3A_1766 = vector.broadcast %mul3A_1765 : i32 to vector<16xi32>
    %mul3A_1767 = arith.muli %get3A_1764, %mul3A_1766 : vector<16xi32>
    %add3A_1768 = vector.broadcast %mul3A_2 : i32 to vector<16xi32>
    %add3A_1769 = arith.addi %add3A_1768, %mul3A_1767 : vector<16xi32>
    %add3A_1770 = arith.addi %add3A_1769, %get3A_1754 : vector<16xi32>
    %swap3A_1771 = arith.constant 4 : i32
    %swap3A_1772 = arith.index_cast %swap3A_1771 : i32 to index
    %swap3A_1773 = arith.constant 112 : index
    %swap3A_1774 = tpu.vector_load %arg10[%swap3A_1772, %swap3A_1773] {strides = array<i32>} : memref<5x128xi32, #tpu.memory_space<vmem>>, vector<1x16xi32>,
    %swap3A_1775 = vector.shape_cast %swap3A_1774 : vector<1x16xi32> to vector<16xi32>
    %swap3A_1776 = vector.shape_cast %add3A_1770 : vector<16xi32> to vector<1x16xi32>
    tpu.vector_store %arg10[%swap3A_1772, %swap3A_1773], %swap3A_1776 {strides = array<i32>} : memref<5x128xi32, #tpu.memory_space<vmem>>, vector<1x16xi32>,
    %eq3A_1777 = arith.constant 1 : i32
    %eq3A_1778 = vector.broadcast %eq3A_1777 : i32 to vector<16xi32>
    %eq3A_1779 = arith.cmpi eq, %get3A_1754, %eq3A_1778 : vector<16xi32>
    %jit3A_1780 = arith.constant 0.000000e+00 : f32
    %broadcast_in_dim3A_1781 = vector.broadcast %jit3A_1780 : f32 to vector<16xf32>
    %select_n3A_1782 = arith.select %eq3A_1779, %broadcast_in_dim3A_1781, %get3A_1759 : vector<16xi1>, vector<16xf32>
    %swap3A_1783 = arith.constant 4 : i32
    %swap3A_1784 = arith.index_cast %swap3A_1783 : i32 to index
    %swap3A_1785 = arith.constant 112 : index
    %swap3A_1786 = tpu.vector_load %arg9[%swap3A_1784, %swap3A_1785] {strides = array<i32>} : memref<5x128xf32, #tpu.memory_space<vmem>>, vector<1x16xf32>,
    %swap3A_1787 = vector.shape_cast %swap3A_1786 : vector<1x16xf32> to vector<16xf32>
    %swap3A_1788 = vector.shape_cast %select_n3A_1782 : vector<16xf32> to vector<1x16xf32>
    tpu.vector_store %arg9[%swap3A_1784, %swap3A_1785], %swap3A_1788 {strides = array<i32>} : memref<5x128xf32, #tpu.memory_space<vmem>>, vector<1x16xf32>,
    %dma_wait3A_1789 = tpu.memref_slice %arg5[%add3A_59] : memref<102400000xf32, #tpu.memory_space<hbm>> -> memref<100000xf32, #tpu.memory_space<hbm>>
    %dma_wait3A_1790 = tpu.memref_slice %arg5[%add3A_59] : memref<102400000xf32, #tpu.memory_space<hbm>> -> memref<100000xf32, #tpu.memory_space<hbm>>
    tpu.wait_dma2 semaphore(%arg13 : memref<!tpu.dma_semaphore, #tpu.memory_space<semaphore_mem>>) src(%arg11 : memref<100000xf32, #tpu.memory_space<vmem>>) dst(%dma_wait3A_1790 : memref<100000xf32, #tpu.memory_space<hbm>>)
    %dma_wait3A_1791 = tpu.memref_slice %arg5[%add3A_63] : memref<102400000xf32, #tpu.memory_space<hbm>> -> memref<100000xf32, #tpu.memory_space<hbm>>
    %dma_wait3A_1792 = tpu.memref_slice %arg5[%add3A_63] : memref<102400000xf32, #tpu.memory_space<hbm>> -> memref<100000xf32, #tpu.memory_space<hbm>>
    tpu.wait_dma2 semaphore(%arg13 : memref<!tpu.dma_semaphore, #tpu.memory_space<semaphore_mem>>) src(%arg11 : memref<100000xf32, #tpu.memory_space<vmem>>) dst(%dma_wait3A_1792 : memref<100000xf32, #tpu.memory_space<hbm>>)
    %dma_wait3A_1793 = tpu.memref_slice %arg5[%add3A_67] : memref<102400000xf32, #tpu.memory_space<hbm>> -> memref<100000xf32, #tpu.memory_space<hbm>>
    %dma_wait3A_1794 = tpu.memref_slice %arg5[%add3A_67] : memref<102400000xf32, #tpu.memory_space<hbm>> -> memref<100000xf32, #tpu.memory_space<hbm>>
    tpu.wait_dma2 semaphore(%arg13 : memref<!tpu.dma_semaphore, #tpu.memory_space<semaphore_mem>>) src(%arg11 : memref<100000xf32, #tpu.memory_space<vmem>>) dst(%dma_wait3A_1794 : memref<100000xf32, #tpu.memory_space<hbm>>)
    %dma_wait3A_1795 = tpu.memref_slice %arg5[%add3A_71] : memref<102400000xf32, #tpu.memory_space<hbm>> -> memref<100000xf32, #tpu.memory_space<hbm>>
    %dma_wait3A_1796 = tpu.memref_slice %arg5[%add3A_71] : memref<102400000xf32, #tpu.memory_space<hbm>> -> memref<100000xf32, #tpu.memory_space<hbm>>
    tpu.wait_dma2 semaphore(%arg13 : memref<!tpu.dma_semaphore, #tpu.memory_space<semaphore_mem>>) src(%arg11 : memref<100000xf32, #tpu.memory_space<vmem>>) dst(%dma_wait3A_1796 : memref<100000xf32, #tpu.memory_space<hbm>>)
    %dma_wait3A_1797 = tpu.memref_slice %arg5[%add3A_75] : memref<102400000xf32, #tpu.memory_space<hbm>> -> memref<100000xf32, #tpu.memory_space<hbm>>
    %dma_wait3A_1798 = tpu.memref_slice %arg5[%add3A_75] : memref<102400000xf32, #tpu.memory_space<hbm>> -> memref<100000xf32, #tpu.memory_space<hbm>>
    tpu.wait_dma2 semaphore(%arg13 : memref<!tpu.dma_semaphore, #tpu.memory_space<semaphore_mem>>) src(%arg11 : memref<100000xf32, #tpu.memory_space<vmem>>) dst(%dma_wait3A_1798 : memref<100000xf32, #tpu.memory_space<hbm>>)
    %dma_wait3A_1799 = tpu.memref_slice %arg5[%add3A_79] : memref<102400000xf32, #tpu.memory_space<hbm>> -> memref<100000xf32, #tpu.memory_space<hbm>>
    %dma_wait3A_1800 = tpu.memref_slice %arg5[%add3A_79] : memref<102400000xf32, #tpu.memory_space<hbm>> -> memref<100000xf32, #tpu.memory_space<hbm>>
    tpu.wait_dma2 semaphore(%arg13 : memref<!tpu.dma_semaphore, #tpu.memory_space<semaphore_mem>>) src(%arg11 : memref<100000xf32, #tpu.memory_space<vmem>>) dst(%dma_wait3A_1800 : memref<100000xf32, #tpu.memory_space<hbm>>)
    %dma_wait3A_1801 = tpu.memref_slice %arg5[%add3A_83] : memref<102400000xf32, #tpu.memory_space<hbm>> -> memref<100000xf32, #tpu.memory_space<hbm>>
    %dma_wait3A_1802 = tpu.memref_slice %arg5[%add3A_83] : memref<102400000xf32, #tpu.memory_space<hbm>> -> memref<100000xf32, #tpu.memory_space<hbm>>
    tpu.wait_dma2 semaphore(%arg13 : memref<!tpu.dma_semaphore, #tpu.memory_space<semaphore_mem>>) src(%arg11 : memref<100000xf32, #tpu.memory_space<vmem>>) dst(%dma_wait3A_1802 : memref<100000xf32, #tpu.memory_space<hbm>>)
    %dma_wait3A_1803 = tpu.memref_slice %arg5[%add3A_87] : memref<102400000xf32, #tpu.memory_space<hbm>> -> memref<100000xf32, #tpu.memory_space<hbm>>
    %dma_wait3A_1804 = tpu.memref_slice %arg5[%add3A_87] : memref<102400000xf32, #tpu.memory_space<hbm>> -> memref<100000xf32, #tpu.memory_space<hbm>>
    tpu.wait_dma2 semaphore(%arg13 : memref<!tpu.dma_semaphore, #tpu.memory_space<semaphore_mem>>) src(%arg11 : memref<100000xf32, #tpu.memory_space<vmem>>) dst(%dma_wait3A_1804 : memref<100000xf32, #tpu.memory_space<hbm>>)
    %dma_wait3A_1805 = tpu.memref_slice %arg5[%add3A_91] : memref<102400000xf32, #tpu.memory_space<hbm>> -> memref<100000xf32, #tpu.memory_space<hbm>>
    %dma_wait3A_1806 = tpu.memref_slice %arg5[%add3A_91] : memref<102400000xf32, #tpu.memory_space<hbm>> -> memref<100000xf32, #tpu.memory_space<hbm>>
    tpu.wait_dma2 semaphore(%arg13 : memref<!tpu.dma_semaphore, #tpu.memory_space<semaphore_mem>>) src(%arg11 : memref<100000xf32, #tpu.memory_space<vmem>>) dst(%dma_wait3A_1806 : memref<100000xf32, #tpu.memory_space<hbm>>)
    %dma_wait3A_1807 = tpu.memref_slice %arg5[%add3A_95] : memref<102400000xf32, #tpu.memory_space<hbm>> -> memref<100000xf32, #tpu.memory_space<hbm>>
    %dma_wait3A_1808 = tpu.memref_slice %arg5[%add3A_95] : memref<102400000xf32, #tpu.memory_space<hbm>> -> memref<100000xf32, #tpu.memory_space<hbm>>
    tpu.wait_dma2 semaphore(%arg13 : memref<!tpu.dma_semaphore, #tpu.memory_space<semaphore_mem>>) src(%arg11 : memref<100000xf32, #tpu.memory_space<vmem>>) dst(%dma_wait3A_1808 : memref<100000xf32, #tpu.memory_space<hbm>>)
    %dma_wait3A_1809 = tpu.memref_slice %arg5[%add3A_99] : memref<102400000xf32, #tpu.memory_space<hbm>> -> memref<100000xf32, #tpu.memory_space<hbm>>
    %dma_wait3A_1810 = tpu.memref_slice %arg5[%add3A_99] : memref<102400000xf32, #tpu.memory_space<hbm>> -> memref<100000xf32, #tpu.memory_space<hbm>>
    tpu.wait_dma2 semaphore(%arg13 : memref<!tpu.dma_semaphore, #tpu.memory_space<semaphore_mem>>) src(%arg11 : memref<100000xf32, #tpu.memory_space<vmem>>) dst(%dma_wait3A_1810 : memref<100000xf32, #tpu.memory_space<hbm>>)
    %dma_wait3A_1811 = tpu.memref_slice %arg5[%add3A_103] : memref<102400000xf32, #tpu.memory_space<hbm>> -> memref<100000xf32, #tpu.memory_space<hbm>>
    %dma_wait3A_1812 = tpu.memref_slice %arg5[%add3A_103] : memref<102400000xf32, #tpu.memory_space<hbm>> -> memref<100000xf32, #tpu.memory_space<hbm>>
    tpu.wait_dma2 semaphore(%arg13 : memref<!tpu.dma_semaphore, #tpu.memory_space<semaphore_mem>>) src(%arg11 : memref<100000xf32, #tpu.memory_space<vmem>>) dst(%dma_wait3A_1812 : memref<100000xf32, #tpu.memory_space<hbm>>)
    %dma_wait3A_1813 = tpu.memref_slice %arg5[%add3A_107] : memref<102400000xf32, #tpu.memory_space<hbm>> -> memref<100000xf32, #tpu.memory_space<hbm>>
    %dma_wait3A_1814 = tpu.memref_slice %arg5[%add3A_107] : memref<102400000xf32, #tpu.memory_space<hbm>> -> memref<100000xf32, #tpu.memory_space<hbm>>
    tpu.wait_dma2 semaphore(%arg13 : memref<!tpu.dma_semaphore, #tpu.memory_space<semaphore_mem>>) src(%arg11 : memref<100000xf32, #tpu.memory_space<vmem>>) dst(%dma_wait3A_1814 : memref<100000xf32, #tpu.memory_space<hbm>>)
    %dma_wait3A_1815 = tpu.memref_slice %arg5[%add3A_111] : memref<102400000xf32, #tpu.memory_space<hbm>> -> memref<100000xf32, #tpu.memory_space<hbm>>
    %dma_wait3A_1816 = tpu.memref_slice %arg5[%add3A_111] : memref<102400000xf32, #tpu.memory_space<hbm>> -> memref<100000xf32, #tpu.memory_space<hbm>>
    tpu.wait_dma2 semaphore(%arg13 : memref<!tpu.dma_semaphore, #tpu.memory_space<semaphore_mem>>) src(%arg11 : memref<100000xf32, #tpu.memory_space<vmem>>) dst(%dma_wait3A_1816 : memref<100000xf32, #tpu.memory_space<hbm>>)
    %dma_wait3A_1817 = tpu.memref_slice %arg5[%add3A_115] : memref<102400000xf32, #tpu.memory_space<hbm>> -> memref<100000xf32, #tpu.memory_space<hbm>>
    %dma_wait3A_1818 = tpu.memref_slice %arg5[%add3A_115] : memref<102400000xf32, #tpu.memory_space<hbm>> -> memref<100000xf32, #tpu.memory_space<hbm>>
    tpu.wait_dma2 semaphore(%arg13 : memref<!tpu.dma_semaphore, #tpu.memory_space<semaphore_mem>>) src(%arg11 : memref<100000xf32, #tpu.memory_space<vmem>>) dst(%dma_wait3A_1818 : memref<100000xf32, #tpu.memory_space<hbm>>)
    %dma_wait3A_1819 = tpu.memref_slice %arg5[%add3A_119] : memref<102400000xf32, #tpu.memory_space<hbm>> -> memref<100000xf32, #tpu.memory_space<hbm>>
    %dma_wait3A_1820 = tpu.memref_slice %arg5[%add3A_119] : memref<102400000xf32, #tpu.memory_space<hbm>> -> memref<100000xf32, #tpu.memory_space<hbm>>
    tpu.wait_dma2 semaphore(%arg13 : memref<!tpu.dma_semaphore, #tpu.memory_space<semaphore_mem>>) src(%arg11 : memref<100000xf32, #tpu.memory_space<vmem>>) dst(%dma_wait3A_1820 : memref<100000xf32, #tpu.memory_space<hbm>>)
    %dma_wait3A_1821 = tpu.memref_slice %arg5[%add3A_123] : memref<102400000xf32, #tpu.memory_space<hbm>> -> memref<100000xf32, #tpu.memory_space<hbm>>
    %dma_wait3A_1822 = tpu.memref_slice %arg5[%add3A_123] : memref<102400000xf32, #tpu.memory_space<hbm>> -> memref<100000xf32, #tpu.memory_space<hbm>>
    tpu.wait_dma2 semaphore(%arg13 : memref<!tpu.dma_semaphore, #tpu.memory_space<semaphore_mem>>) src(%arg11 : memref<100000xf32, #tpu.memory_space<vmem>>) dst(%dma_wait3A_1822 : memref<100000xf32, #tpu.memory_space<hbm>>)
    %dma_wait3A_1823 = tpu.memref_slice %arg5[%add3A_127] : memref<102400000xf32, #tpu.memory_space<hbm>> -> memref<100000xf32, #tpu.memory_space<hbm>>
    %dma_wait3A_1824 = tpu.memref_slice %arg5[%add3A_127] : memref<102400000xf32, #tpu.memory_space<hbm>> -> memref<100000xf32, #tpu.memory_space<hbm>>
    tpu.wait_dma2 semaphore(%arg13 : memref<!tpu.dma_semaphore, #tpu.memory_space<semaphore_mem>>) src(%arg11 : memref<100000xf32, #tpu.memory_space<vmem>>) dst(%dma_wait3A_1824 : memref<100000xf32, #tpu.memory_space<hbm>>)
    %dma_wait3A_1825 = tpu.memref_slice %arg5[%add3A_131] : memref<102400000xf32, #tpu.memory_space<hbm>> -> memref<100000xf32, #tpu.memory_space<hbm>>
    %dma_wait3A_1826 = tpu.memref_slice %arg5[%add3A_131] : memref<102400000xf32, #tpu.memory_space<hbm>> -> memref<100000xf32, #tpu.memory_space<hbm>>
    tpu.wait_dma2 semaphore(%arg13 : memref<!tpu.dma_semaphore, #tpu.memory_space<semaphore_mem>>) src(%arg11 : memref<100000xf32, #tpu.memory_space<vmem>>) dst(%dma_wait3A_1826 : memref<100000xf32, #tpu.memory_space<hbm>>)
    %dma_wait3A_1827 = tpu.memref_slice %arg5[%add3A_135] : memref<102400000xf32, #tpu.memory_space<hbm>> -> memref<100000xf32, #tpu.memory_space<hbm>>
    %dma_wait3A_1828 = tpu.memref_slice %arg5[%add3A_135] : memref<102400000xf32, #tpu.memory_space<hbm>> -> memref<100000xf32, #tpu.memory_space<hbm>>
    tpu.wait_dma2 semaphore(%arg13 : memref<!tpu.dma_semaphore, #tpu.memory_space<semaphore_mem>>) src(%arg11 : memref<100000xf32, #tpu.memory_space<vmem>>) dst(%dma_wait3A_1828 : memref<100000xf32, #tpu.memory_space<hbm>>)
    %dma_wait3A_1829 = tpu.memref_slice %arg5[%add3A_139] : memref<102400000xf32, #tpu.memory_space<hbm>> -> memref<100000xf32, #tpu.memory_space<hbm>>
    %dma_wait3A_1830 = tpu.memref_slice %arg5[%add3A_139] : memref<102400000xf32, #tpu.memory_space<hbm>> -> memref<100000xf32, #tpu.memory_space<hbm>>
    tpu.wait_dma2 semaphore(%arg13 : memref<!tpu.dma_semaphore, #tpu.memory_space<semaphore_mem>>) src(%arg11 : memref<100000xf32, #tpu.memory_space<vmem>>) dst(%dma_wait3A_1830 : memref<100000xf32, #tpu.memory_space<hbm>>)
    %dma_wait3A_1831 = tpu.memref_slice %arg5[%add3A_143] : memref<102400000xf32, #tpu.memory_space<hbm>> -> memref<100000xf32, #tpu.memory_space<hbm>>
    %dma_wait3A_1832 = tpu.memref_slice %arg5[%add3A_143] : memref<102400000xf32, #tpu.memory_space<hbm>> -> memref<100000xf32, #tpu.memory_space<hbm>>
    tpu.wait_dma2 semaphore(%arg13 : memref<!tpu.dma_semaphore, #tpu.memory_space<semaphore_mem>>) src(%arg11 : memref<100000xf32, #tpu.memory_space<vmem>>) dst(%dma_wait3A_1832 : memref<100000xf32, #tpu.memory_space<hbm>>)
    %dma_wait3A_1833 = tpu.memref_slice %arg5[%add3A_147] : memref<102400000xf32, #tpu.memory_space<hbm>> -> memref<100000xf32, #tpu.memory_space<hbm>>
    %dma_wait3A_1834 = tpu.memref_slice %arg5[%add3A_147] : memref<102400000xf32, #tpu.memory_space<hbm>> -> memref<100000xf32, #tpu.memory_space<hbm>>
    tpu.wait_dma2 semaphore(%arg13 : memref<!tpu.dma_semaphore, #tpu.memory_space<semaphore_mem>>) src(%arg11 : memref<100000xf32, #tpu.memory_space<vmem>>) dst(%dma_wait3A_1834 : memref<100000xf32, #tpu.memory_space<hbm>>)
    %dma_wait3A_1835 = tpu.memref_slice %arg5[%add3A_151] : memref<102400000xf32, #tpu.memory_space<hbm>> -> memref<100000xf32, #tpu.memory_space<hbm>>
    %dma_wait3A_1836 = tpu.memref_slice %arg5[%add3A_151] : memref<102400000xf32, #tpu.memory_space<hbm>> -> memref<100000xf32, #tpu.memory_space<hbm>>
    tpu.wait_dma2 semaphore(%arg13 : memref<!tpu.dma_semaphore, #tpu.memory_space<semaphore_mem>>) src(%arg11 : memref<100000xf32, #tpu.memory_space<vmem>>) dst(%dma_wait3A_1836 : memref<100000xf32, #tpu.memory_space<hbm>>)
    %dma_wait3A_1837 = tpu.memref_slice %arg5[%add3A_155] : memref<102400000xf32, #tpu.memory_space<hbm>> -> memref<100000xf32, #tpu.memory_space<hbm>>
    %dma_wait3A_1838 = tpu.memref_slice %arg5[%add3A_155] : memref<102400000xf32, #tpu.memory_space<hbm>> -> memref<100000xf32, #tpu.memory_space<hbm>>
    tpu.wait_dma2 semaphore(%arg13 : memref<!tpu.dma_semaphore, #tpu.memory_space<semaphore_mem>>) src(%arg11 : memref<100000xf32, #tpu.memory_space<vmem>>) dst(%dma_wait3A_1838 : memref<100000xf32, #tpu.memory_space<hbm>>)
    %dma_wait3A_1839 = tpu.memref_slice %arg5[%add3A_159] : memref<102400000xf32, #tpu.memory_space<hbm>> -> memref<100000xf32, #tpu.memory_space<hbm>>
    %dma_wait3A_1840 = tpu.memref_slice %arg5[%add3A_159] : memref<102400000xf32, #tpu.memory_space<hbm>> -> memref<100000xf32, #tpu.memory_space<hbm>>
    tpu.wait_dma2 semaphore(%arg13 : memref<!tpu.dma_semaphore, #tpu.memory_space<semaphore_mem>>) src(%arg11 : memref<100000xf32, #tpu.memory_space<vmem>>) dst(%dma_wait3A_1840 : memref<100000xf32, #tpu.memory_space<hbm>>)
    %dma_wait3A_1841 = tpu.memref_slice %arg5[%add3A_163] : memref<102400000xf32, #tpu.memory_space<hbm>> -> memref<100000xf32, #tpu.memory_space<hbm>>
    %dma_wait3A_1842 = tpu.memref_slice %arg5[%add3A_163] : memref<102400000xf32, #tpu.memory_space<hbm>> -> memref<100000xf32, #tpu.memory_space<hbm>>
    tpu.wait_dma2 semaphore(%arg13 : memref<!tpu.dma_semaphore, #tpu.memory_space<semaphore_mem>>) src(%arg11 : memref<100000xf32, #tpu.memory_space<vmem>>) dst(%dma_wait3A_1842 : memref<100000xf32, #tpu.memory_space<hbm>>)
    %dma_wait3A_1843 = tpu.memref_slice %arg5[%add3A_167] : memref<102400000xf32, #tpu.memory_space<hbm>> -> memref<100000xf32, #tpu.memory_space<hbm>>
    %dma_wait3A_1844 = tpu.memref_slice %arg5[%add3A_167] : memref<102400000xf32, #tpu.memory_space<hbm>> -> memref<100000xf32, #tpu.memory_space<hbm>>
    tpu.wait_dma2 semaphore(%arg13 : memref<!tpu.dma_semaphore, #tpu.memory_space<semaphore_mem>>) src(%arg11 : memref<100000xf32, #tpu.memory_space<vmem>>) dst(%dma_wait3A_1844 : memref<100000xf32, #tpu.memory_space<hbm>>)
    %dma_wait3A_1845 = tpu.memref_slice %arg5[%add3A_171] : memref<102400000xf32, #tpu.memory_space<hbm>> -> memref<100000xf32, #tpu.memory_space<hbm>>
    %dma_wait3A_1846 = tpu.memref_slice %arg5[%add3A_171] : memref<102400000xf32, #tpu.memory_space<hbm>> -> memref<100000xf32, #tpu.memory_space<hbm>>
    tpu.wait_dma2 semaphore(%arg13 : memref<!tpu.dma_semaphore, #tpu.memory_space<semaphore_mem>>) src(%arg11 : memref<100000xf32, #tpu.memory_space<vmem>>) dst(%dma_wait3A_1846 : memref<100000xf32, #tpu.memory_space<hbm>>)
    %dma_wait3A_1847 = tpu.memref_slice %arg5[%add3A_175] : memref<102400000xf32, #tpu.memory_space<hbm>> -> memref<100000xf32, #tpu.memory_space<hbm>>
    %dma_wait3A_1848 = tpu.memref_slice %arg5[%add3A_175] : memref<102400000xf32, #tpu.memory_space<hbm>> -> memref<100000xf32, #tpu.memory_space<hbm>>
    tpu.wait_dma2 semaphore(%arg13 : memref<!tpu.dma_semaphore, #tpu.memory_space<semaphore_mem>>) src(%arg11 : memref<100000xf32, #tpu.memory_space<vmem>>) dst(%dma_wait3A_1848 : memref<100000xf32, #tpu.memory_space<hbm>>)
    %dma_wait3A_1849 = tpu.memref_slice %arg5[%add3A_179] : memref<102400000xf32, #tpu.memory_space<hbm>> -> memref<100000xf32, #tpu.memory_space<hbm>>
    %dma_wait3A_1850 = tpu.memref_slice %arg5[%add3A_179] : memref<102400000xf32, #tpu.memory_space<hbm>> -> memref<100000xf32, #tpu.memory_space<hbm>>
    tpu.wait_dma2 semaphore(%arg13 : memref<!tpu.dma_semaphore, #tpu.memory_space<semaphore_mem>>) src(%arg11 : memref<100000xf32, #tpu.memory_space<vmem>>) dst(%dma_wait3A_1850 : memref<100000xf32, #tpu.memory_space<hbm>>)
    %dma_wait3A_1851 = tpu.memref_slice %arg5[%add3A_183] : memref<102400000xf32, #tpu.memory_space<hbm>> -> memref<100000xf32, #tpu.memory_space<hbm>>
    %dma_wait3A_1852 = tpu.memref_slice %arg5[%add3A_183] : memref<102400000xf32, #tpu.memory_space<hbm>> -> memref<100000xf32, #tpu.memory_space<hbm>>
    tpu.wait_dma2 semaphore(%arg13 : memref<!tpu.dma_semaphore, #tpu.memory_space<semaphore_mem>>) src(%arg11 : memref<100000xf32, #tpu.memory_space<vmem>>) dst(%dma_wait3A_1852 : memref<100000xf32, #tpu.memory_space<hbm>>)
    %dma_start3A_1853 = arith.constant 0 : i32
    %dma_start3A_1854 = arith.constant 0 : i32
    %dma_start3A_1855 = arith.constant 0 : i32
    %dma_start3A_1856 = tpu.memref_slice %arg9[%dma_start3A_1853, %dma_start3A_1855] : memref<5x128xf32, #tpu.memory_space<vmem>> -> memref<1x128xf32, #tpu.memory_space<vmem>>
    %dma_start3A_1857 = tpu.memref_squeeze %dma_start3A_1856 : memref<1x128xf32, #tpu.memory_space<vmem>> -> memref<128xf32, #tpu.memory_space<vmem>>
    %dma_start3A_1858 = arith.constant 0 : i32
    %dma_start3A_1859 = tpu.memref_slice %arg10[%dma_start3A_1854, %dma_start3A_1858] : memref<5x128xi32, #tpu.memory_space<vmem>> -> memref<1x128xi32, #tpu.memory_space<vmem>>
    %dma_start3A_1860 = tpu.memref_squeeze %dma_start3A_1859 : memref<1x128xi32, #tpu.memory_space<vmem>> -> memref<128xi32, #tpu.memory_space<vmem>>
    %dma_start3A_1861 = arith.constant 0 : i32
    %dma_start3A_1862 = tpu.memref_slice %arg5[%dma_start3A_1861] : memref<102400000xf32, #tpu.memory_space<hbm>> -> memref<102400000xf32, #tpu.memory_space<hbm>>
    tpu.enqueue_indirect_dma source(%dma_start3A_1857 : memref<128xf32, #tpu.memory_space<vmem>>) target(%dma_start3A_1862 : memref<102400000xf32, #tpu.memory_space<hbm>>) offsets(%dma_start3A_1860 : memref<128xi32, #tpu.memory_space<vmem>>) semaphore(%arg14 : memref<!tpu.dma_semaphore, #tpu.memory_space<semaphore_mem>>)
    %dma_start3A_1863 = arith.constant 1 : i32
    %dma_start3A_1864 = arith.constant 1 : i32
    %dma_start3A_1865 = arith.constant 0 : i32
    %dma_start3A_1866 = tpu.memref_slice %arg9[%dma_start3A_1863, %dma_start3A_1865] : memref<5x128xf32, #tpu.memory_space<vmem>> -> memref<1x128xf32, #tpu.memory_space<vmem>>
    %dma_start3A_1867 = tpu.memref_squeeze %dma_start3A_1866 : memref<1x128xf32, #tpu.memory_space<vmem>> -> memref<128xf32, #tpu.memory_space<vmem>>
    %dma_start3A_1868 = arith.constant 0 : i32
    %dma_start3A_1869 = tpu.memref_slice %arg10[%dma_start3A_1864, %dma_start3A_1868] : memref<5x128xi32, #tpu.memory_space<vmem>> -> memref<1x128xi32, #tpu.memory_space<vmem>>
    %dma_start3A_1870 = tpu.memref_squeeze %dma_start3A_1869 : memref<1x128xi32, #tpu.memory_space<vmem>> -> memref<128xi32, #tpu.memory_space<vmem>>
    %dma_start3A_1871 = arith.constant 0 : i32
    %dma_start3A_1872 = tpu.memref_slice %arg5[%dma_start3A_1871] : memref<102400000xf32, #tpu.memory_space<hbm>> -> memref<102400000xf32, #tpu.memory_space<hbm>>
    tpu.enqueue_indirect_dma source(%dma_start3A_1867 : memref<128xf32, #tpu.memory_space<vmem>>) target(%dma_start3A_1872 : memref<102400000xf32, #tpu.memory_space<hbm>>) offsets(%dma_start3A_1870 : memref<128xi32, #tpu.memory_space<vmem>>) semaphore(%arg14 : memref<!tpu.dma_semaphore, #tpu.memory_space<semaphore_mem>>)
    %dma_start3A_1873 = arith.constant 2 : i32
    %dma_start3A_1874 = arith.constant 2 : i32
    %dma_start3A_1875 = arith.constant 0 : i32
    %dma_start3A_1876 = tpu.memref_slice %arg9[%dma_start3A_1873, %dma_start3A_1875] : memref<5x128xf32, #tpu.memory_space<vmem>> -> memref<1x128xf32, #tpu.memory_space<vmem>>
    %dma_start3A_1877 = tpu.memref_squeeze %dma_start3A_1876 : memref<1x128xf32, #tpu.memory_space<vmem>> -> memref<128xf32, #tpu.memory_space<vmem>>
    %dma_start3A_1878 = arith.constant 0 : i32
    %dma_start3A_1879 = tpu.memref_slice %arg10[%dma_start3A_1874, %dma_start3A_1878] : memref<5x128xi32, #tpu.memory_space<vmem>> -> memref<1x128xi32, #tpu.memory_space<vmem>>
    %dma_start3A_1880 = tpu.memref_squeeze %dma_start3A_1879 : memref<1x128xi32, #tpu.memory_space<vmem>> -> memref<128xi32, #tpu.memory_space<vmem>>
    %dma_start3A_1881 = arith.constant 0 : i32
    %dma_start3A_1882 = tpu.memref_slice %arg5[%dma_start3A_1881] : memref<102400000xf32, #tpu.memory_space<hbm>> -> memref<102400000xf32, #tpu.memory_space<hbm>>
    tpu.enqueue_indirect_dma source(%dma_start3A_1877 : memref<128xf32, #tpu.memory_space<vmem>>) target(%dma_start3A_1882 : memref<102400000xf32, #tpu.memory_space<hbm>>) offsets(%dma_start3A_1880 : memref<128xi32, #tpu.memory_space<vmem>>) semaphore(%arg14 : memref<!tpu.dma_semaphore, #tpu.memory_space<semaphore_mem>>)
    %dma_start3A_1883 = arith.constant 3 : i32
    %dma_start3A_1884 = arith.constant 3 : i32
    %dma_start3A_1885 = arith.constant 0 : i32
    %dma_start3A_1886 = tpu.memref_slice %arg9[%dma_start3A_1883, %dma_start3A_1885] : memref<5x128xf32, #tpu.memory_space<vmem>> -> memref<1x128xf32, #tpu.memory_space<vmem>>
    %dma_start3A_1887 = tpu.memref_squeeze %dma_start3A_1886 : memref<1x128xf32, #tpu.memory_space<vmem>> -> memref<128xf32, #tpu.memory_space<vmem>>
    %dma_start3A_1888 = arith.constant 0 : i32
    %dma_start3A_1889 = tpu.memref_slice %arg10[%dma_start3A_1884, %dma_start3A_1888] : memref<5x128xi32, #tpu.memory_space<vmem>> -> memref<1x128xi32, #tpu.memory_space<vmem>>
    %dma_start3A_1890 = tpu.memref_squeeze %dma_start3A_1889 : memref<1x128xi32, #tpu.memory_space<vmem>> -> memref<128xi32, #tpu.memory_space<vmem>>
    %dma_start3A_1891 = arith.constant 0 : i32
    %dma_start3A_1892 = tpu.memref_slice %arg5[%dma_start3A_1891] : memref<102400000xf32, #tpu.memory_space<hbm>> -> memref<102400000xf32, #tpu.memory_space<hbm>>
    tpu.enqueue_indirect_dma source(%dma_start3A_1887 : memref<128xf32, #tpu.memory_space<vmem>>) target(%dma_start3A_1892 : memref<102400000xf32, #tpu.memory_space<hbm>>) offsets(%dma_start3A_1890 : memref<128xi32, #tpu.memory_space<vmem>>) semaphore(%arg14 : memref<!tpu.dma_semaphore, #tpu.memory_space<semaphore_mem>>)
    %dma_start3A_1893 = arith.constant 4 : i32
    %dma_start3A_1894 = arith.constant 4 : i32
    %dma_start3A_1895 = arith.constant 0 : i32
    %dma_start3A_1896 = tpu.memref_slice %arg9[%dma_start3A_1893, %dma_start3A_1895] : memref<5x128xf32, #tpu.memory_space<vmem>> -> memref<1x128xf32, #tpu.memory_space<vmem>>
    %dma_start3A_1897 = tpu.memref_squeeze %dma_start3A_1896 : memref<1x128xf32, #tpu.memory_space<vmem>> -> memref<128xf32, #tpu.memory_space<vmem>>
    %dma_start3A_1898 = arith.constant 0 : i32
    %dma_start3A_1899 = tpu.memref_slice %arg10[%dma_start3A_1894, %dma_start3A_1898] : memref<5x128xi32, #tpu.memory_space<vmem>> -> memref<1x128xi32, #tpu.memory_space<vmem>>
    %dma_start3A_1900 = tpu.memref_squeeze %dma_start3A_1899 : memref<1x128xi32, #tpu.memory_space<vmem>> -> memref<128xi32, #tpu.memory_space<vmem>>
    %dma_start3A_1901 = arith.constant 0 : i32
    %dma_start3A_1902 = tpu.memref_slice %arg5[%dma_start3A_1901] : memref<102400000xf32, #tpu.memory_space<hbm>> -> memref<102400000xf32, #tpu.memory_space<hbm>>
    tpu.enqueue_indirect_dma source(%dma_start3A_1897 : memref<128xf32, #tpu.memory_space<vmem>>) target(%dma_start3A_1902 : memref<102400000xf32, #tpu.memory_space<hbm>>) offsets(%dma_start3A_1900 : memref<128xi32, #tpu.memory_space<vmem>>) semaphore(%arg14 : memref<!tpu.dma_semaphore, #tpu.memory_space<semaphore_mem>>)
    %dma_wait3A_1903 = arith.constant 0 : i32
    %dma_wait3A_1904 = arith.constant 0 : i32
    %dma_wait3A_1905 = arith.constant 0 : i32
    %dma_wait3A_1906 = tpu.memref_slice %arg9[%dma_wait3A_1903, %dma_wait3A_1905] : memref<5x128xf32, #tpu.memory_space<vmem>> -> memref<1x128xf32, #tpu.memory_space<vmem>>
    %dma_wait3A_1907 = tpu.memref_squeeze %dma_wait3A_1906 : memref<1x128xf32, #tpu.memory_space<vmem>> -> memref<128xf32, #tpu.memory_space<vmem>>
    %dma_wait3A_1908 = arith.constant 0 : i32
    %dma_wait3A_1909 = tpu.memref_slice %arg10[%dma_wait3A_1904, %dma_wait3A_1908] : memref<5x128xi32, #tpu.memory_space<vmem>> -> memref<1x128xi32, #tpu.memory_space<vmem>>
    %dma_wait3A_1910 = tpu.memref_squeeze %dma_wait3A_1909 : memref<1x128xi32, #tpu.memory_space<vmem>> -> memref<128xi32, #tpu.memory_space<vmem>>
    %dma_wait3A_1911 = arith.constant 0 : i32
    %dma_wait3A_1912 = tpu.memref_slice %arg5[%dma_wait3A_1911] : memref<102400000xf32, #tpu.memory_space<hbm>> -> memref<102400000xf32, #tpu.memory_space<hbm>>
    tpu.wait_indirect_dma semaphore(%arg14 : memref<!tpu.dma_semaphore, #tpu.memory_space<semaphore_mem>>) src(%dma_wait3A_1907 : memref<128xf32, #tpu.memory_space<vmem>>) dst(%dma_wait3A_1912 : memref<102400000xf32, #tpu.memory_space<hbm>>)
    %dma_wait3A_1913 = arith.constant 1 : i32
    %dma_wait3A_1914 = arith.constant 1 : i32
    %dma_wait3A_1915 = arith.constant 0 : i32
    %dma_wait3A_1916 = tpu.memref_slice %arg9[%dma_wait3A_1913, %dma_wait3A_1915] : memref<5x128xf32, #tpu.memory_space<vmem>> -> memref<1x128xf32, #tpu.memory_space<vmem>>
    %dma_wait3A_1917 = tpu.memref_squeeze %dma_wait3A_1916 : memref<1x128xf32, #tpu.memory_space<vmem>> -> memref<128xf32, #tpu.memory_space<vmem>>
    %dma_wait3A_1918 = arith.constant 0 : i32
    %dma_wait3A_1919 = tpu.memref_slice %arg10[%dma_wait3A_1914, %dma_wait3A_1918] : memref<5x128xi32, #tpu.memory_space<vmem>> -> memref<1x128xi32, #tpu.memory_space<vmem>>
    %dma_wait3A_1920 = tpu.memref_squeeze %dma_wait3A_1919 : memref<1x128xi32, #tpu.memory_space<vmem>> -> memref<128xi32, #tpu.memory_space<vmem>>
    %dma_wait3A_1921 = arith.constant 0 : i32
    %dma_wait3A_1922 = tpu.memref_slice %arg5[%dma_wait3A_1921] : memref<102400000xf32, #tpu.memory_space<hbm>> -> memref<102400000xf32, #tpu.memory_space<hbm>>
    tpu.wait_indirect_dma semaphore(%arg14 : memref<!tpu.dma_semaphore, #tpu.memory_space<semaphore_mem>>) src(%dma_wait3A_1917 : memref<128xf32, #tpu.memory_space<vmem>>) dst(%dma_wait3A_1922 : memref<102400000xf32, #tpu.memory_space<hbm>>)
    %dma_wait3A_1923 = arith.constant 2 : i32
    %dma_wait3A_1924 = arith.constant 2 : i32
    %dma_wait3A_1925 = arith.constant 0 : i32
    %dma_wait3A_1926 = tpu.memref_slice %arg9[%dma_wait3A_1923, %dma_wait3A_1925] : memref<5x128xf32, #tpu.memory_space<vmem>> -> memref<1x128xf32, #tpu.memory_space<vmem>>
    %dma_wait3A_1927 = tpu.memref_squeeze %dma_wait3A_1926 : memref<1x128xf32, #tpu.memory_space<vmem>> -> memref<128xf32, #tpu.memory_space<vmem>>
    %dma_wait3A_1928 = arith.constant 0 : i32
    %dma_wait3A_1929 = tpu.memref_slice %arg10[%dma_wait3A_1924, %dma_wait3A_1928] : memref<5x128xi32, #tpu.memory_space<vmem>> -> memref<1x128xi32, #tpu.memory_space<vmem>>
    %dma_wait3A_1930 = tpu.memref_squeeze %dma_wait3A_1929 : memref<1x128xi32, #tpu.memory_space<vmem>> -> memref<128xi32, #tpu.memory_space<vmem>>
    %dma_wait3A_1931 = arith.constant 0 : i32
    %dma_wait3A_1932 = tpu.memref_slice %arg5[%dma_wait3A_1931] : memref<102400000xf32, #tpu.memory_space<hbm>> -> memref<102400000xf32, #tpu.memory_space<hbm>>
    tpu.wait_indirect_dma semaphore(%arg14 : memref<!tpu.dma_semaphore, #tpu.memory_space<semaphore_mem>>) src(%dma_wait3A_1927 : memref<128xf32, #tpu.memory_space<vmem>>) dst(%dma_wait3A_1932 : memref<102400000xf32, #tpu.memory_space<hbm>>)
    %dma_wait3A_1933 = arith.constant 3 : i32
    %dma_wait3A_1934 = arith.constant 3 : i32
    %dma_wait3A_1935 = arith.constant 0 : i32
    %dma_wait3A_1936 = tpu.memref_slice %arg9[%dma_wait3A_1933, %dma_wait3A_1935] : memref<5x128xf32, #tpu.memory_space<vmem>> -> memref<1x128xf32, #tpu.memory_space<vmem>>
    %dma_wait3A_1937 = tpu.memref_squeeze %dma_wait3A_1936 : memref<1x128xf32, #tpu.memory_space<vmem>> -> memref<128xf32, #tpu.memory_space<vmem>>
    %dma_wait3A_1938 = arith.constant 0 : i32
    %dma_wait3A_1939 = tpu.memref_slice %arg10[%dma_wait3A_1934, %dma_wait3A_1938] : memref<5x128xi32, #tpu.memory_space<vmem>> -> memref<1x128xi32, #tpu.memory_space<vmem>>
    %dma_wait3A_1940 = tpu.memref_squeeze %dma_wait3A_1939 : memref<1x128xi32, #tpu.memory_space<vmem>> -> memref<128xi32, #tpu.memory_space<vmem>>
    %dma_wait3A_1941 = arith.constant 0 : i32
    %dma_wait3A_1942 = tpu.memref_slice %arg5[%dma_wait3A_1941] : memref<102400000xf32, #tpu.memory_space<hbm>> -> memref<102400000xf32, #tpu.memory_space<hbm>>
    tpu.wait_indirect_dma semaphore(%arg14 : memref<!tpu.dma_semaphore, #tpu.memory_space<semaphore_mem>>) src(%dma_wait3A_1937 : memref<128xf32, #tpu.memory_space<vmem>>) dst(%dma_wait3A_1942 : memref<102400000xf32, #tpu.memory_space<hbm>>)
    %dma_wait3A_1943 = arith.constant 4 : i32
    %dma_wait3A_1944 = arith.constant 4 : i32
    %dma_wait3A_1945 = arith.constant 0 : i32
    %dma_wait3A_1946 = tpu.memref_slice %arg9[%dma_wait3A_1943, %dma_wait3A_1945] : memref<5x128xf32, #tpu.memory_space<vmem>> -> memref<1x128xf32, #tpu.memory_space<vmem>>
    %dma_wait3A_1947 = tpu.memref_squeeze %dma_wait3A_1946 : memref<1x128xf32, #tpu.memory_space<vmem>> -> memref<128xf32, #tpu.memory_space<vmem>>
    %dma_wait3A_1948 = arith.constant 0 : i32
    %dma_wait3A_1949 = tpu.memref_slice %arg10[%dma_wait3A_1944, %dma_wait3A_1948] : memref<5x128xi32, #tpu.memory_space<vmem>> -> memref<1x128xi32, #tpu.memory_space<vmem>>
    %dma_wait3A_1950 = tpu.memref_squeeze %dma_wait3A_1949 : memref<1x128xi32, #tpu.memory_space<vmem>> -> memref<128xi32, #tpu.memory_space<vmem>>
    %dma_wait3A_1951 = arith.constant 0 : i32
    %dma_wait3A_1952 = tpu.memref_slice %arg5[%dma_wait3A_1951] : memref<102400000xf32, #tpu.memory_space<hbm>> -> memref<102400000xf32, #tpu.memory_space<hbm>>
    tpu.wait_indirect_dma semaphore(%arg14 : memref<!tpu.dma_semaphore, #tpu.memory_space<semaphore_mem>>) src(%dma_wait3A_1947 : memref<128xf32, #tpu.memory_space<vmem>>) dst(%dma_wait3A_1952 : memref<102400000xf32, #tpu.memory_space<hbm>>)
    return
  }
}

</mosaic_0001>

<sc_bundles>
// kernel: _encode.3.cloned.1.call-start
scs
__scs_entry_jumppad:
0x0: {  	(pc) =	sbr.rel $0x88, $3  }
0x1: {  	(tag) =	ssettag $0x0;
	lr =	simm.s32 $0x1  }
0x2: {  	[smem:$0x3F9E] =	sst lr;
	_ =	strace $0xD0000000  }
0x3: {  	_ = 	snop  }
0x4: {  	_ = 	snop  }
0x5: {  	_ = 	snop  }
0x6: {  	_ = 	snop  }
0x7: {  	_ = 	snop  }
__scs_overlays_trampoline_lowered:
0x8: {  	[smem:$0x3FAD] =	sst s0  }
0x9: {  	[smem:$0x3FAE] =	sst s1  }
0xa: {  	[smem:$0x3FAF] =	sst s2  }
0xb: {  	[smem:$0x3FB0] =	sst s3  }
0xc: {  	[smem:$0x3FB1] =	sst s4  }
0xd: {  	[smem:$0x3FB2] =	sst s5  }
0xe: {  	[smem:$0x3FB3] =	sst s6  }
0xf: {  	[smem:$0x3FB4] =	sst s7  }
0x10: {  	[smem:$0x3FB5] =	sst s8  }
0x11: {  	[smem:$0x3FB6] =	sst s9;
	s0 =	simm.s32 @!p0 $0x0  }
0x12: {  	s1 =	sld [smem:$0x3F9C];
	s0 =	simm.s32 @p0 $0x1  }
0x13: {  	[smem:$0x3FB7] =	sst s0;
	s0 =	simm.s32 @!p1 $0x0  }
0x14: {  	s2 =	sld [smem:$0x3F9B];
	s0 =	simm.s32 @p1 $0x1  }
0x15: {  	[smem:$0x3FB8] =	sst s0;
	s0 =	simm.s32 @!p2 $0x0  }
0x16: {  	s3 =	sld [smem:$0x3FDB];
	s0 =	simm.s32 @p2 $0x1  }
0x17: {  	s4 =	simm.s32 $0x1BF5;
	[smem:$0x3FBA] =	sst s0  }
0x18: {  	s0 =	sld [smem:$0x3F9D];
	_ =	swait.ge [sflag:s4], $0x0  }
0x19: {  	s7 =	sld [smem:$0x3F9E]  }
0x1a: {  	s8 =	sadd.s32 $0xFFFFE003, lr  }
0x1b: {  	s9 =	sadd.s32 $0xFFFFFEF7, lr;
	s5 =	simm.s32 $0xFFFFFFFF;
	p2 =	slt.u32 s8, $0xFFFFF086  }
0x1c: {  	p1 =	slt.u32 s9, $0xF7A;
	s5 =	simm.s32 @!p2 $0x0  }
0x1d: {  	s5 =	simm.s32 @p1 $0x1;
	p0 =	seq.s32 s7, s2  }
0x1e: {  	s7 =	smul.u32 @!p0 $0xF7A, s2;
	p2 =	seq.s32 @!p0 s5, $0x0  }
0x1f: {  	s9 =	smul.u32 $0xF7A, s1;
	s8 =	simm.s32 @!p0 $0x1BF5;
	p2 =	por !p2, p0  }
0x20: {  	[sflag:s8] =	ssyncset.s32 @!p0 $0xFFFFF086;
	s6 =	sadd.s32 @!p0 s3, s7;
	s7 =	simm.s32 @!p0 $0x108  }
0x21: {  	s3 =	sadd.s32 s3, s9;
	s6 =	sadd.s32 @!p0 $0x88, s6;
	s7 =	simm.s32 @p2 $0x1082  }
0x22: {  	[simem:s7], [sflag:s8] =	dma.local @!p0 [hbm:s6], $0xF7A  }
0x23: {  	s9 =	sor.u32 $0xD0000000, s2;
	s6 =	simm.s32 $0x108;
	_ =	swait.ge @!p0 [sflag:s8], $0x0  }
0x24: {  	s3 =	sadd.s32 $0x88, s3;
	s6 =	simm.s32 @!p1 $0x1082;
	[sflag:s4] =	ssyncset.s32 $0xFFFFF086  }
0x25: {  	[simem:s6], [sflag:s4] =	dma.local [hbm:s3], $0xF7A  }
0x26: {  	[smem:$0x3F9E] =	sst s1;
	(tag) =	ssettag s2;
	_ =	strace s9  }
0x27: {  	s1 =	sld [smem:$0x3FAE]  }
0x28: {  	s2 =	sld [smem:$0x3FAF]  }
0x29: {  	s4 =	sld [smem:$0x3FB1]  }
0x2a: {  	p0 =	seq.s32 s5, $0x0;
	s5 =	sld [smem:$0x3FB2]  }
0x2b: {  	s6 =	sld [smem:$0x3FB3]  }
0x2c: {  	s7 =	sld [smem:$0x3FB4]  }
0x2d: {  	s3 =	simm.s32 $0x108;
	s8 =	sld [smem:$0x3FB5]  }
0x2e: {  	s3 =	simm.s32 @!p0 $0x1082;
	s9 =	sld [smem:$0x3FB6]  }
0x2f: {  	lr =	sadd.s32 s0, s3;
	s0 =	sld [smem:$0x3FAD]  }
0x30: {  	s3 =	sld [smem:$0x3FB0]  }
0x31: {  	[smem:$0x3FB9] =	sst s10  }
0x32: {  	s10 =	sld [smem:$0x3FB7];
	_ =	sdelay $0x3  }
0x33: {  	p0 =	seq.s32 s10, $0x1;
	s10 =	sld [smem:$0x3FB9];
	_ =	sdelay $0x3  }
0x34: {  	[smem:$0x3FB9] =	sst s10  }
0x35: {  	s10 =	sld [smem:$0x3FB8];
	_ =	sdelay $0x3  }
0x36: {  	p1 =	seq.s32 s10, $0x1;
	s10 =	sld [smem:$0x3FB9];
	_ =	sdelay $0x3  }
0x37: {  	[smem:$0x3FB9] =	sst s10  }
0x38: {  	s10 =	sld [smem:$0x3FBA]  }
0x39: {  	_ = 	snop;
	(pc) =	sbr.ind lr, $3  }
0x3a: {  	_ = 	snop  }
0x3b: {  	_ = 	snop  }
0x3c: {  	p2 =	seq.s32 s10, $0x1;
	s10 =	sld [smem:$0x3FB9]  }
0x3d: {  	_ =	shalt  }
0x3e: {  	_ =	shalt  }
0x3f: {  	_ =	shalt  }
0x40: {  	_ =	shalt  }
0x41: {  	_ =	shalt  }
0x42: {  	_ =	shalt  }
0x43: {  	_ =	shalt  }
0x44: {  	_ =	shalt  }
0x45: {  	_ =	shalt  }
0x46: {  	_ =	shalt  }
0x47: {  	_ =	shalt  }
0x48: {  	_ =	shalt  }
0x49: {  	_ =	shalt  }
0x4a: {  	_ =	shalt  }
0x4b: {  	_ =	shalt  }
0x4c: {  	_ =	shalt  }
0x4d: {  	_ =	shalt  }
0x4e: {  	_ =	shalt  }
0x4f: {  	_ =	shalt  }
0x50: {  	_ =	shalt  }
0x51: {  	_ =	shalt  }
0x52: {  	_ =	shalt  }
0x53: {  	_ =	shalt  }
0x54: {  	_ =	shalt  }
0x55: {  	_ =	shalt  }
0x56: {  	_ =	shalt  }
0x57: {  	_ =	shalt  }
0x58: {  	_ =	shalt  }
0x59: {  	_ =	shalt  }
0x5a: {  	_ =	shalt  }
0x5b: {  	_ =	shalt  }
0x5c: {  	_ =	shalt  }
0x5d: {  	_ =	shalt  }
0x5e: {  	_ =	shalt  }
0x5f: {  	_ =	shalt  }
0x60: {  	_ =	shalt  }
0x61: {  	_ =	shalt  }
0x62: {  	_ =	shalt  }
0x63: {  	_ =	shalt  }
0x64: {  	_ =	shalt  }
0x65: {  	_ =	shalt  }
0x66: {  	_ =	shalt  }
0x67: {  	_ =	shalt  }
0x68: {  	_ =	shalt  }
0x69: {  	_ =	shalt  }
0x6a: {  	_ =	shalt  }
0x6b: {  	_ =	shalt  }
0x6c: {  	_ =	shalt  }
0x6d: {  	_ =	shalt  }
0x6e: {  	_ =	shalt  }
0x6f: {  	_ =	shalt  }
0x70: {  	_ =	shalt  }
0x71: {  	_ =	shalt  }
0x72: {  	_ =	shalt  }
0x73: {  	_ =	shalt  }
0x74: {  	_ =	shalt  }
0x75: {  	_ =	shalt  }
0x76: {  	_ =	shalt  }
0x77: {  	_ =	shalt  }
0x78: {  	_ =	shalt  }
0x79: {  	_ =	shalt  }
0x7a: {  	_ =	shalt  }
0x7b: {  	_ =	shalt  }
0x7c: {  	_ =	shalt  }
0x7d: {  	_ =	shalt  }
0x7e: {  	_ =	shalt  }
0x7f: {  	_ =	shalt  }
0x80: {  	_ =	shalt  }
0x81: {  	_ =	shalt  }
0x82: {  	_ =	shalt  }
0x83: {  	_ =	shalt  }
0x84: {  	_ =	shalt  }
0x85: {  	_ =	shalt  }
0x86: {  	_ =	shalt  }
0x87: {  	_ =	shalt  }
.Lfunc_end0:
.L_simem_size_0:
called_computation_lowered:
.L_overlay_start_0:
0x88: {  	s2 =	sld [smem:$0x3FD9]  }
0x89: {  	s3 =	sld [smem:$0x3FFE];
	_ =	sdelay $0x1  }
0x8a: {  	s1 =	srdreg.scid  }
0x8b: {  	s0 =	sand.u32 $0x1, s1  }
0x8c: {  	s17 =	sshll.u32 s0, $0xA;
	s2 =	sadd.s32 s3, s2  }
0x8d: {  	s2 =	sadd.s32 s2, s17  }
0x8e: {  	[smem:$0x3FC5] =	sst s2  }
0x8f: {  	_ = 	snop  }
0x90: {  	s2 =	sld [smem:$0x3FC8]  }
0x91: {  	s18 =	sld [smem:$0x3FC7]  }
0x92: {  	s4 =	sld [smem:$0x3FD0];
	(tm) =	ssettm $0x1  }
0x93: {  	s5 =	sld [smem:$0x3FFB];
	_ =	sdelay $0x3  }
0x94: {  	_ =	strace s5  }
0x95: {  	s5 =	sld [smem:$0x3FFC];
	_ =	sdelay $0x3  }
0x96: {  	_ =	strace s5  }
0x97: {  	s5 =	sld [smem:$0x3FFD];
	_ =	sdelay $0x3  }
0x98: {  	_ =	strace s5  }
0x99: {  	_ =	strace $0x8FFFFFFF  }
0x9a: {  	s19 =	sld [smem:$0x3FDB];
	_ =	sdelay $0x1  }
0x9b: {  	s6 =	simm.s32 $_scs_section_size  }
0x9c: {  	s7 =	simm.s32 $_size__tile_overlayer_lowered;
	s8 =	simm.s32 $_tile_overlayer_lowered  }
0x9d: {  	s22 =	simm.s32 $0x1BFF;
	s21 =	sshll.u32 s8, $0x1;
	s5 =	sadd.s32 s6, s19  }
0x9e: {  	s9 =	simm.s32 $0x0;
	s20 =	sshll.u32 s7, $0x1;
	s7 =	sadd.s32 s21, s5  }
0x9f: {  	[timem:s9], [sflag:s22] =	dma.local [hbm:s7], s20  }
0xa0: {  	_ =	swait.ge [sflag:s22], s20  }
0xa1: {  	s6 =	ssub.s32 $0x0, s20;
	[sflag:s22] =	ssyncset.done $0x0  }
0xa2: {  	[sflag:s22] =	ssyncadd.s32 s6;
	_ =	sdelay $0x1  }
0xa3: {  	s23 =	simm.s32 $0x1B8B  }
0xa4: {  	_ =	swait.ge [sflag:s23], $0x1  }
0xa5: {  	[sflag:s23] =	ssyncset.done $0x0  }
0xa6: {  	s25 =	simm.s32 $0x1B8E;
	s24 =	sld [smem:$0x3FFE];
	[sflag:s23] =	ssyncadd.s32 $0xFFFFFFFF  }
0xa7: {  	s26 =	simm.s32 $execute0_lowered;
	[smem:$0x3FD2] =	sst s25  }
0xa8: {  	s7 =	sshll.u32 s26, $0x1;
	_ =	strace $0x80000046;
	[dreg:$0x1] =	wrdreg $0xFFFFFFFF  }
0xa9: {  	s28 =	simm.s32 $_size_execute0_lowered;
	s5 =	sadd.s32 s5, s7;
	[dreg:$0x0] =	wrdreg $0x0  }
0xaa: {  	s7 =	sshll.u32 s28, $0x1;
	[dreg:$0x2] =	wrdreg s5  }
0xab: {  	[dreg:$0x3] =	wrdreg s7  }
0xac: {  	[dreg:$0x4] =	wrdreg $0xC0  }
0xad: {  	_ =	task [dreg:s9], $0x5FFFF  }
0xae: {  	[dreg:$0x1] =	wrdreg $0xFFFFFFFF  }
0xaf: {  	[dreg:$0x0] =	wrdreg $0x60  }
0xb0: {  	[dreg:$0x2] =	wrdreg s24  }
0xb1: {  	[dreg:$0x3] =	wrdreg s2  }
0xb2: {  	[dreg:$0x4] =	wrdreg s18  }
0xb3: {  	[dreg:$0x5] =	wrdreg s4  }
0xb4: {  	[dreg:$0x6] =	wrdreg $0x9  }
0xb5: {  	_ =	task.clear_ibuf [dreg:s9], $0x7FFFF;
	_ =	strace $0x90000046  }
0xb6: {  	s29 =	simm.s32 $0x9;
	_ =	strace $0x80000048  }
0xb7: {  	_ =	swait.ge [sflag:s29], $0x1  }
0xb8: {  	[sflag:s29] =	ssyncadd.s32 $0xFFFFFFFF  }
0xb9: {  	_ =	strace $0x90000048  }
0xba: {  	_ =	sfence  }
0xbb: {  	s30 =	sld [smem:$0x0];
	_ =	sdelay $0x2  }
0xbc: {  	s31 =	sshll.u32 s1, $0xD;
	s1 =	sshrl.u32 s1, $0x2  }
0xbd: {  	s3 =	sand.u32 $0x4000, s31;
	s1 =	sadd.s32 s1, s30  }
0xbe: {  	s0 =	sor.u32 s3, s0;
	s1 =	sshll.u32 s1, $0x11  }
0xbf: {  	s0 =	sor.u32 s1, s0  }
0xc0: {  	s0 =	sadd.s32 $0x8F2B, s0  }
0xc1: {  	[sflag:s0] =	ssyncadd.remote.s32 $0x1  }
0xc2: {  	_ =	sfence.sel $0xFFFF  }
0xc3: {  	[dreg:$0x0] =	wrdreg $0xFFFFFFFF;
	(pc) =	sbr.abs _section_cstart, $3  }
0xc4: {  	[dreg:$0x1] =	wrdreg $0xFFFFFFFF  }
0xc5: {  	_ =	task.clear_ibuf [dreg:s9], $0x2FFFF;
	_ =	strace $0x9FFFFFFF  }
0xc6: {  	(tm) =	ssettm $0x7FFFFFFF  }
0xc7: {  	_ =	shalt  }
tec
execute0_lowered:
.L_overlay_start_1:
0x0: {  	(tag) =	ssettag $0x1  }
0x1: {  	s1 =	srdreg.scid;
	s2 =	stileid.u32  }
0x2: {  	s1 =	sand.u32 $0x1, s1;
	s2 =	sshll.u32 s2, $0x1  }
0x3: {  	s0 =	rddreg [dreg:$0x0];
	s2 =	sor.u32 s1, s2  }
0x4: {  	s3 =	rddreg [dreg:$0x2];
	s18 =	smul.u32 $0x30D400, s2  }
0x5: {  	s4 =	rddreg [dreg:$0x3];
	s5 =	simm.s32 $0x0;
	s2 =	sshll.u32 s2, $0x7  }
0x6: {  	[smem:$0x7FF] =	sst s5;
	s0 =	sadd.s32 s2, s0;
	s6 =	sshrl.u32 s18, $0x3  }
0x7: {  	_ =	strace $0x80000047;
	s0 =	sadd.s32 $0x400, s0;
	s6 =	sadd.s32 s4, s6  }
0x8: {  	s1 =	ssub.s32 $0x2, s1;
	[dreg:$0x5] =	wrdreg s0;
	s12 =	sadd.s32 $0x30D4, s6  }
0x9: {  	s11 =	sshrl.u32 s1, $0x1;
	s13 =	sadd.s32 $0x61A8, s6;
	[dreg:$0x6] =	wrdreg s12  }
0xa: {  	s1 =	ssub.s32 s1, s11;
	s14 =	sadd.s32 $0x927C, s6;
	[dreg:$0x7] =	wrdreg s13  }
0xb: {  	v0 =	vmov s18;
	s18 =	simm.s32 $0x3;
	s15 =	sadd.s32 $0xC350, s6;
	[dreg:$0x8] =	wrdreg s14  }
0xc: {  	s16 =	sadd.s32 $0xF424, s6;
	s17 =	sadd.s32 $0x124F8, s6;
	[dreg:$0x9] =	wrdreg s15  }
0xd: {  	s19 =	sadd.s32 $0x155CC, s6;
	s20 =	sadd.s32 $0x186A0, s6;
	[dreg:$0xa] =	wrdreg s16  }
0xe: {  	s21 =	sadd.s32 $0x1B774, s6;
	s22 =	sadd.s32 $0x1E848, s6;
	[dreg:$0xb] =	wrdreg s17  }
0xf: {  	s23 =	sadd.s32 $0x2191C, s6;
	s24 =	sadd.s32 $0x249F0, s6;
	[dreg:$0xc] =	wrdreg s19  }
0x10: {  	s25 =	sadd.s32 $0x27AC4, s6;
	s26 =	sadd.s32 $0x2AB98, s6;
	[dreg:$0xd] =	wrdreg s20  }
0x11: {  	s28 =	sadd.s32 $0x39FBC, s6;
	s29 =	sadd.s32 $0x3D090, s6;
	[dreg:$0xe] =	wrdreg s21  }
0x12: {  	s30 =	sadd.s32 $0x40164, s6;
	s31 =	sadd.s32 $0x43238, s6;
	[dreg:$0xf] =	wrdreg s22  }
0x13: {  	s2 =	sadd.s32 $0x4630C, s6;
	s0 =	sadd.s32 $0x493E0, s6;
	[dreg:$0x10] =	wrdreg s23  }
0x14: {  	s7 =	sadd.s32 $0x4F588, s6;
	s8 =	sadd.s32 $0x5265C, s6;
	[dreg:$0x11] =	wrdreg s24  }
0x15: {  	s9 =	sadd.s32 $0x55730, s6;
	s10 =	sadd.s32 $0x58804, s6;
	[dreg:$0x12] =	wrdreg s25  }
0x16: {  	s11 =	sadd.s32 $0x5B8D8, s6;
	[dreg:$0x13] =	wrdreg s26;
	s22 =	sadd.s32 $0x2DC6C, s6  }
0x17: {  	s23 =	sadd.s32 $0x30D40, s6;
	s24 =	smax.u32 s1, $0x1;
	s25 =	sadd.s32 $0x33E14, s6  }
0x18: {  	s26 =	sadd.s32 $0x36EE8, s6;
	s1 =	sadd.s32 $0x4C4B4, s6;
	s12 =	sadd.s32 $0x5E9AC, s6  }
0x19: {  	s13 =	simm.s32 $0x4;
	s14 =	simm.s32 $0x80;
	s15 =	simm.s32 $0x1400  }
0x1a: {  	v1 =	vimm.f32 $0.0e+00;
	s16 =	simm.s32 $0x1;
	s17 =	simm.s32 $0x2;
	s19 =	simm.s32 $0x0  }
.LBB2_1:
0x1b: {  	s20 =	rddreg [dreg:$0x5]  }
0x1c: {  	[tilespmem:s5], [sflag:$0x4] =	stream.linear.gather [hbm4b:s20+s5], $0x280, $0x38;
	[tilespmem:$0x19B00] =	vst v63  }
0x1d: {  	_ =	swait.ge [sflag:s13], $0x280  }
0x1e: {  	[sflag:s13] =	ssyncset.done $0x0  }
0x1f: {  	[sflag:s13] =	ssyncadd.s32 $0xFFFFFD80  }
0x20: {  	s21 =	simm.s32 $0x400;
	s20 =	rddreg [dreg:$0x1]  }
0x21: {  	[tilespmem:s21], [sflag:$0x4] =	stream.linear.gather [hbm4b:s20+s5], $0x280, $0x38;
	[tilespmem:$0x19B00] =	vst v63  }
0x22: {  	_ =	swait.ge [sflag:s13], $0x280  }
0x23: {  	[sflag:s13] =	ssyncset.done $0x0  }
0x24: {  	s21 =	simm.s32 $0x800;
	[sflag:s13] =	ssyncadd.s32 $0xFFFFFD80  }
0x25: {  	[tilespmem:s21], [sflag:$0x1] =	stream.indirect.gather [hbm4b:s3+s14], $0x1, s5, s14, $0xb8;
	[tilespmem:$0x19B00] =	vst v63  }
0x26: {  	s21 =	simm.s32 $0x880  }
0x27: {  	[tilespmem:s21], [sflag:$0x1] =	stream.indirect.gather [hbm4b:s3+s14], $0x1, s14, s14, $0xb8;
	[tilespmem:$0x19B00] =	vst v63  }
0x28: {  	s20 =	simm.s32 $0x100;
	s21 =	simm.s32 $0x900  }
0x29: {  	[tilespmem:s21], [sflag:$0x1] =	stream.indirect.gather [hbm4b:s3+s14], $0x1, s20, s14, $0xb8;
	[tilespmem:$0x19B00] =	vst v63  }
0x2a: {  	s20 =	simm.s32 $0x180;
	s21 =	simm.s32 $0x980  }
0x2b: {  	[tilespmem:s21], [sflag:$0x1] =	stream.indirect.gather [hbm4b:s3+s14], $0x1, s20, s14, $0xb8;
	[tilespmem:$0x19B00] =	vst v63  }
0x2c: {  	s20 =	simm.s32 $0x200;
	s21 =	simm.s32 $0xA00  }
0x2d: {  	[tilespmem:s21], [sflag:$0x1] =	stream.indirect.gather [hbm4b:s3+s14], $0x1, s20, s14, $0xb8;
	[tilespmem:$0x19B00] =	vst v63  }
0x2e: {  	s20 =	simm.s32 $0x40;
	s21 =	simm.s32 $0x0  }
.LBB2_2:
0x2f: {  	p0 =	sne.s32 s20, $0x61A40;
	[tilespmem:s21+$0x1400] =	vst v1;
	s21 =	smov.u32 s20;
	s20 =	sadd.s32 $0x40, s20  }
.Ltmp0:
0x30: {  	(pc) =	sbr.rel @p0 .LBB2_2-.Ltmp0, $2  }
0x31: {  	_ =	sdelay $0x2  }
0x32: {  	s21 =	sshra.s32 s21, $0x2  }
0x33: {  	[tilespmem:s21+$0x1400] =	vst v1  }
0x34: {  	[hbm4b:s6+s5] =	stream.linear.scatter [tilespmem:s15], [sflag:$0x2], $0x186A0, $0x38;
	[tilespmem:$0x19B00] =	vst v63  }
0x35: {  	s20 =	rddreg [dreg:$0x6]  }
0x36: {  	[hbm4b:s20+s5] =	stream.linear.scatter [tilespmem:s15], [sflag:$0x2], $0x186A0, $0x38;
	[tilespmem:$0x19B00] =	vst v63  }
0x37: {  	s21 =	rddreg [dreg:$0x7]  }
0x38: {  	[hbm4b:s21+s5] =	stream.linear.scatter [tilespmem:s15], [sflag:$0x2], $0x186A0, $0x38;
	[tilespmem:$0x19B00] =	vst v63  }
0x39: {  	s21 =	rddreg [dreg:$0x8]  }
0x3a: {  	[hbm4b:s21+s5] =	stream.linear.scatter [tilespmem:s15], [sflag:$0x2], $0x186A0, $0x38;
	[tilespmem:$0x19B00] =	vst v63  }
0x3b: {  	s21 =	rddreg [dreg:$0x9]  }
0x3c: {  	[hbm4b:s21+s5] =	stream.linear.scatter [tilespmem:s15], [sflag:$0x2], $0x186A0, $0x38;
	[tilespmem:$0x19B00] =	vst v63  }
0x3d: {  	s21 =	rddreg [dreg:$0xa]  }
0x3e: {  	[hbm4b:s21+s5] =	stream.linear.scatter [tilespmem:s15], [sflag:$0x2], $0x186A0, $0x38;
	[tilespmem:$0x19B00] =	vst v63  }
0x3f: {  	s21 =	rddreg [dreg:$0xb]  }
0x40: {  	[hbm4b:s21+s5] =	stream.linear.scatter [tilespmem:s15], [sflag:$0x2], $0x186A0, $0x38;
	[tilespmem:$0x19B00] =	vst v63  }
0x41: {  	s21 =	rddreg [dreg:$0xc]  }
0x42: {  	[hbm4b:s21+s5] =	stream.linear.scatter [tilespmem:s15], [sflag:$0x2], $0x186A0, $0x38;
	[tilespmem:$0x19B00] =	vst v63  }
0x43: {  	s21 =	rddreg [dreg:$0xd]  }
0x44: {  	[hbm4b:s21+s5] =	stream.linear.scatter [tilespmem:s15], [sflag:$0x2], $0x186A0, $0x38;
	[tilespmem:$0x19B00] =	vst v63  }
0x45: {  	s21 =	rddreg [dreg:$0xe]  }
0x46: {  	[hbm4b:s21+s5] =	stream.linear.scatter [tilespmem:s15], [sflag:$0x2], $0x186A0, $0x38;
	[tilespmem:$0x19B00] =	vst v63  }
0x47: {  	s21 =	rddreg [dreg:$0xf]  }
0x48: {  	[hbm4b:s21+s5] =	stream.linear.scatter [tilespmem:s15], [sflag:$0x2], $0x186A0, $0x38;
	[tilespmem:$0x19B00] =	vst v63  }
0x49: {  	s21 =	rddreg [dreg:$0x10]  }
0x4a: {  	[hbm4b:s21+s5] =	stream.linear.scatter [tilespmem:s15], [sflag:$0x2], $0x186A0, $0x38;
	[tilespmem:$0x19B00] =	vst v63  }
0x4b: {  	s21 =	rddreg [dreg:$0x11]  }
0x4c: {  	[hbm4b:s21+s5] =	stream.linear.scatter [tilespmem:s15], [sflag:$0x2], $0x186A0, $0x38;
	[tilespmem:$0x19B00] =	vst v63  }
0x4d: {  	s21 =	rddreg [dreg:$0x12]  }
0x4e: {  	[hbm4b:s21+s5] =	stream.linear.scatter [tilespmem:s15], [sflag:$0x2], $0x186A0, $0x38;
	[tilespmem:$0x19B00] =	vst v63  }
0x4f: {  	s21 =	rddreg [dreg:$0x13]  }
0x50: {  	[hbm4b:s21+s5] =	stream.linear.scatter [tilespmem:s15], [sflag:$0x2], $0x186A0, $0x38;
	[tilespmem:$0x19B00] =	vst v63  }
0x51: {  	_ = 	snop  }
0x52: {  	[hbm4b:s22+s5] =	stream.linear.scatter [tilespmem:s15], [sflag:$0x2], $0x186A0, $0x38;
	[tilespmem:$0x19B00] =	vst v63  }
0x53: {  	_ = 	snop  }
0x54: {  	[hbm4b:s23+s5] =	stream.linear.scatter [tilespmem:s15], [sflag:$0x2], $0x186A0, $0x38;
	[tilespmem:$0x19B00] =	vst v63  }
0x55: {  	_ = 	snop  }
0x56: {  	[hbm4b:s25+s5] =	stream.linear.scatter [tilespmem:s15], [sflag:$0x2], $0x186A0, $0x38;
	[tilespmem:$0x19B00] =	vst v63  }
0x57: {  	_ = 	snop  }
0x58: {  	[hbm4b:s26+s5] =	stream.linear.scatter [tilespmem:s15], [sflag:$0x2], $0x186A0, $0x38;
	[tilespmem:$0x19B00] =	vst v63  }
0x59: {  	_ = 	snop  }
0x5a: {  	[hbm4b:s28+s5] =	stream.linear.scatter [tilespmem:s15], [sflag:$0x2], $0x186A0, $0x38;
	[tilespmem:$0x19B00] =	vst v63  }
0x5b: {  	_ = 	snop  }
0x5c: {  	[hbm4b:s29+s5] =	stream.linear.scatter [tilespmem:s15], [sflag:$0x2], $0x186A0, $0x38;
	[tilespmem:$0x19B00] =	vst v63  }
0x5d: {  	_ = 	snop  }
0x5e: {  	[hbm4b:s30+s5] =	stream.linear.scatter [tilespmem:s15], [sflag:$0x2], $0x186A0, $0x38;
	[tilespmem:$0x19B00] =	vst v63  }
0x5f: {  	_ = 	snop  }
0x60: {  	[hbm4b:s31+s5] =	stream.linear.scatter [tilespmem:s15], [sflag:$0x2], $0x186A0, $0x38;
	[tilespmem:$0x19B00] =	vst v63  }
0x61: {  	_ = 	snop  }
0x62: {  	[hbm4b:s2+s5] =	stream.linear.scatter [tilespmem:s15], [sflag:$0x2], $0x186A0, $0x38;
	[tilespmem:$0x19B00] =	vst v63  }
0x63: {  	_ = 	snop  }
0x64: {  	[hbm4b:s0+s5] =	stream.linear.scatter [tilespmem:s15], [sflag:$0x2], $0x186A0, $0x38;
	[tilespmem:$0x19B00] =	vst v63  }
0x65: {  	_ = 	snop  }
0x66: {  	[hbm4b:s1+s5] =	stream.linear.scatter [tilespmem:s15], [sflag:$0x2], $0x186A0, $0x38;
	[tilespmem:$0x19B00] =	vst v63  }
0x67: {  	_ = 	snop  }
0x68: {  	[hbm4b:s7+s5] =	stream.linear.scatter [tilespmem:s15], [sflag:$0x2], $0x186A0, $0x38;
	[tilespmem:$0x19B00] =	vst v63  }
0x69: {  	_ = 	snop  }
0x6a: {  	[hbm4b:s8+s5] =	stream.linear.scatter [tilespmem:s15], [sflag:$0x2], $0x186A0, $0x38;
	[tilespmem:$0x19B00] =	vst v63  }
0x6b: {  	_ = 	snop  }
0x6c: {  	[hbm4b:s9+s5] =	stream.linear.scatter [tilespmem:s15], [sflag:$0x2], $0x186A0, $0x38;
	[tilespmem:$0x19B00] =	vst v63  }
0x6d: {  	_ = 	snop  }
0x6e: {  	[hbm4b:s10+s5] =	stream.linear.scatter [tilespmem:s15], [sflag:$0x2], $0x186A0, $0x38;
	[tilespmem:$0x19B00] =	vst v63  }
0x6f: {  	_ = 	snop  }
0x70: {  	[hbm4b:s11+s5] =	stream.linear.scatter [tilespmem:s15], [sflag:$0x2], $0x186A0, $0x38;
	[tilespmem:$0x19B00] =	vst v63  }
0x71: {  	_ = 	snop  }
0x72: {  	[hbm4b:s12+s5] =	stream.linear.scatter [tilespmem:s15], [sflag:$0x2], $0x186A0, $0x38;
	[tilespmem:$0x19B00] =	vst v63  }
0x73: {  	_ =	swait.ge [sflag:s16], $0x80  }
0x74: {  	[sflag:s16] =	ssyncset.done $0x0  }
0x75: {  	[sflag:s16] =	ssyncadd.s32 $0xFFFFFF80  }
0x76: {  	_ =	swait.ge [sflag:s16], $0x80  }
0x77: {  	[sflag:s16] =	ssyncset.done $0x0  }
0x78: {  	[sflag:s16] =	ssyncadd.s32 $0xFFFFFF80  }
0x79: {  	_ =	swait.ge [sflag:s16], $0x80  }
0x7a: {  	[sflag:s16] =	ssyncset.done $0x0  }
0x7b: {  	[sflag:s16] =	ssyncadd.s32 $0xFFFFFF80  }
0x7c: {  	_ =	swait.ge [sflag:s16], $0x80  }
0x7d: {  	[sflag:s16] =	ssyncset.done $0x0  }
0x7e: {  	[sflag:s16] =	ssyncadd.s32 $0xFFFFFF80  }
0x7f: {  	_ =	swait.ge [sflag:s16], $0x80  }
0x80: {  	[sflag:s16] =	ssyncset.done $0x0  }
0x81: {  	[sflag:s16] =	ssyncadd.s32 $0xFFFFFF80  }
0x82: {  	v3 =	vld [tilespmem:$0x0]  }
0x83: {  	v6 =	vld [tilespmem:$0x800]  }
0x84: {  	v2 =	vld [tilespmem:$0x400]  }
0x85: {  	v7 =	vld [tilespmem:$0x10]  }
0x86: {  	v9 =	vld [tilespmem:$0x810]  }
0x87: {  	v10 =	vld [tilespmem:$0x410]  }
0x88: {  	v11 =	vld [tilespmem:$0x20]  }
0x89: {  	v12 =	vld [tilespmem:$0x820]  }
0x8a: {  	v13 =	vld [tilespmem:$0x420]  }
0x8b: {  	v14 =	vld [tilespmem:$0x30]  }
0x8c: {  	v15 =	vld [tilespmem:$0x830]  }
0x8d: {  	v16 =	vld [tilespmem:$0x430]  }
0x8e: {  	v17 =	vld [tilespmem:$0x40]  }
0x8f: {  	v18 =	vld [tilespmem:$0x840]  }
0x90: {  	v19 =	vld [tilespmem:$0x440]  }
0x91: {  	v20 =	vld [tilespmem:$0x50]  }
0x92: {  	v21 =	vld [tilespmem:$0x850]  }
0x93: {  	v22 =	vld [tilespmem:$0x450]  }
0x94: {  	v23 =	vld [tilespmem:$0x60]  }
0x95: {  	v24 =	vld [tilespmem:$0x860]  }
0x96: {  	v25 =	vld [tilespmem:$0x460]  }
0x97: {  	v26 =	vld [tilespmem:$0x70]  }
0x98: {  	v27 =	vld [tilespmem:$0x870]  }
0x99: {  	v28 =	vld [tilespmem:$0x470]  }
0x9a: {  	v29 =	vld [tilespmem:$0x80]  }
0x9b: {  	v30 =	vld [tilespmem:$0x880]  }
0x9c: {  	v31 =	vld [tilespmem:$0x480]  }
0x9d: {  	v32 =	vld [tilespmem:$0x90]  }
0x9e: {  	v33 =	vld [tilespmem:$0x890]  }
0x9f: {  	v34 =	vld [tilespmem:$0x490]  }
0xa0: {  	v35 =	vld [tilespmem:$0xA0]  }
0xa1: {  	v36 =	vld [tilespmem:$0x8A0]  }
0xa2: {  	v37 =	vld [tilespmem:$0x4A0]  }
0xa3: {  	v38 =	vld [tilespmem:$0xB0]  }
0xa4: {  	v39 =	vld [tilespmem:$0x8B0]  }
0xa5: {  	v40 =	vld [tilespmem:$0x4B0]  }
0xa6: {  	v41 =	vld [tilespmem:$0xC0]  }
0xa7: {  	v42 =	vld [tilespmem:$0x8C0]  }
0xa8: {  	v43 =	vld [tilespmem:$0x4C0]  }
0xa9: {  	v44 =	vld [tilespmem:$0xD0]  }
0xaa: {  	v8 =	vld [tilespmem:$0x8D0]  }
0xab: {  	v45 =	vld [tilespmem:$0x4D0]  }
0xac: {  	v5 =	vld [tilespmem:$0xE0]  }
0xad: {  	v4 =	vld [tilespmem:$0x8E0]  }
0xae: {  	v47 =	vld [tilespmem:$0x4E0];
	v46 =	vmul.u32 $0x186A0, v2;
	v48 =	vadd.s32 v0, v3  }
0xaf: {  	v2 =	vld [tilespmem:$0xF0];
	vm0 =	veq.s32 v3, $0x1;
	v10 =	vmul.u32 $0x186A0, v10;
	v56 =	vadd.s32 v0, v7  }
0xb0: {  	v3 =	vld [tilespmem:$0x8F0];
	vm13 =	veq.s32 v7, $0x1;
	v13 =	vmul.u32 $0x186A0, v13;
	v6 =	vsel vm0, $0x0, v6  }
0xb1: {  	v57 =	vadd.s32 v0, v11;
	v7 =	vld [tilespmem:$0x900];
	vm14 =	veq.s32 v11, $0x1;
	v9 =	vsel vm13, $0x0, v9;
	[tilespmem:$0xC00] =	vst v6  }
0xb2: {  	v11 =	vld [tilespmem:$0x500];
	v60 =	vadd.s32 v0, v14;
	vm15 =	veq.s32 v14, $0x1;
	v12 =	vsel vm14, $0x0, v12;
	[tilespmem:$0xC10] =	vst v9  }
0xb3: {  	v63 =	vadd.s32 v0, v17;
	v14 =	vld [tilespmem:$0x120];
	vm5 =	veq.s32 v20, $0x1;
	v62 =	vsel vm15, $0x0, v15;
	[tilespmem:$0xC20] =	vst v12  }
0xb4: {  	vm4 =	veq.s32 v17, $0x1;
	v17 =	vld [tilespmem:$0x920];
	vm8 =	veq.s32 v29, $0x1;
	v52 =	vsel vm5, $0x0, v21;
	[tilespmem:$0xC30] =	vst v62  }
0xb5: {  	v59 =	vmul.u32 $0x186A0, v16;
	v16 =	vld [tilespmem:$0x520];
	v55 =	vmul.u32 $0x186A0, v28;
	v28 =	vsel vm8, $0x0, v30;
	[tilespmem:$0xC50] =	vst v52  }
0xb6: {  	v61 =	vmul.u32 $0x186A0, v19;
	v49 =	vadd.s32 v0, v20;
	v20 =	vld [tilespmem:$0x140];
	v46 =	vadd.s32 v46, v48;
	[tilespmem:$0xC80] =	vst v28  }
0xb7: {  	v53 =	vadd.s32 v0, v23;
	vm6 =	veq.s32 v23, $0x1;
	v23 =	vld [tilespmem:$0x940];
	v10 =	vadd.s32 v10, v56;
	[tilespmem:$0x1000] =	vst v46  }
0xb8: {  	v22 =	vmul.u32 $0x186A0, v22;
	v51 =	vmul.u32 $0x186A0, v25;
	v25 =	vld [tilespmem:$0x150];
	v58 =	vadd.s32 v13, v57;
	[tilespmem:$0x1010] =	vst v10  }
0xb9: {  	v15 =	vld [tilespmem:$0x510];
	v19 =	vadd.s32 v61, v63;
	[tilespmem:$0x1020] =	vst v58  }
0xba: {  	v21 =	vld [tilespmem:$0x530];
	v50 =	vadd.s32 v22, v49;
	[tilespmem:$0x1040] =	vst v19  }
0xbb: {  	v48 =	vld [tilespmem:$0x4F0];
	v54 =	vadd.s32 v51, v53;
	[tilespmem:$0x1050] =	vst v50  }
0xbc: {  	vm9 =	veq.s32 v32, $0x1;
	vm13 =	veq.s32 v44, $0x1;
	v6 =	vld [tilespmem:$0x100];
	v56 =	vsel vm6, $0x0, v24;
	[tilespmem:$0x1060] =	vst v54  }
0xbd: {  	v9 =	vld [tilespmem:$0x110];
	v61 =	vadd.s32 v0, v29;
	v29 =	vadd.s32 v0, v32;
	v32 =	vsel vm9, $0x0, v33;
	[tilespmem:$0xC60] =	vst v56  }
0xbe: {  	vm14 =	veq.s32 v5, $0x1;
	v13 =	vld [tilespmem:$0x910];
	v8 =	vsel vm13, $0x0, v8;
	[tilespmem:$0xC90] =	vst v32  }
0xbf: {  	v22 =	vld [tilespmem:$0x540];
	v4 =	vsel vm14, $0x0, v4;
	[tilespmem:$0xCD0] =	vst v8  }
0xc0: {  	v24 =	vld [tilespmem:$0x950];
	v10 =	vadd.s32 v59, v60;
	[tilespmem:$0xCE0] =	vst v4  }
0xc1: {  	vm7 =	veq.s32 v26, $0x1;
	v57 =	vadd.s32 v0, v26;
	v26 =	vld [tilespmem:$0x160];
	v46 =	vsel vm4, $0x0, v18;
	[tilespmem:$0x1030] =	vst v10  }
0xc2: {  	vm10 =	veq.s32 v35, $0x1;
	vm11 =	veq.s32 v38, $0x1;
	v28 =	vld [tilespmem:$0x560];
	v58 =	vadd.s32 v55, v57;
	[tilespmem:$0xC40] =	vst v46  }
0xc3: {  	vm12 =	veq.s32 v41, $0x1;
	v49 =	vmul.u32 $0x186A0, v43;
	v12 =	vld [tilespmem:$0x190];
	v60 =	vsel vm7, $0x0, v27;
	[tilespmem:$0x1070] =	vst v58  }
0xc4: {  	v43 =	vld [tilespmem:$0x9B0];
	v59 =	vmul.u32 $0x186A0, v31;
	v31 =	vmul.u32 $0x186A0, v37;
	v37 =	vsel vm10, $0x0, v36;
	[tilespmem:$0xC70] =	vst v60  }
0xc5: {  	v63 =	vmul.u32 $0x186A0, v34;
	v53 =	vmul.u32 $0x186A0, v45;
	v45 =	vld [tilespmem:$0x5B0];
	v50 =	vsel vm11, $0x0, v39;
	[tilespmem:$0xCA0] =	vst v37  }
0xc6: {  	v33 =	vadd.s32 v0, v35;
	v35 =	vmul.u32 $0x186A0, v40;
	v19 =	vld [tilespmem:$0x130];
	v54 =	vsel vm12, $0x0, v42;
	[tilespmem:$0xCB0] =	vst v50  }
0xc7: {  	v40 =	vadd.s32 v0, v38;
	v18 =	vld [tilespmem:$0x930];
	v30 =	vadd.s32 v63, v29;
	[tilespmem:$0xCC0] =	vst v54  }
0xc8: {  	v51 =	vadd.s32 v0, v41;
	v27 =	vld [tilespmem:$0x550];
	v46 =	vadd.s32 v35, v40;
	[tilespmem:$0x1090] =	vst v30  }
0xc9: {  	v55 =	vadd.s32 v0, v44;
	v56 =	vld [tilespmem:$0x570];
	v52 =	vadd.s32 v49, v51;
	[tilespmem:$0x10B0] =	vst v46  }
0xca: {  	v32 =	vld [tilespmem:$0x180];
	v57 =	vadd.s32 v53, v55;
	[tilespmem:$0x10C0] =	vst v52  }
0xcb: {  	v36 =	vld [tilespmem:$0x590];
	v58 =	vmul.u32 $0x186A0, v47;
	v62 =	vadd.s32 v59, v61;
	[tilespmem:$0x10D0] =	vst v57  }
0xcc: {  	v39 =	vld [tilespmem:$0x9A0];
	v34 =	vadd.s32 v31, v33;
	v59 =	vadd.s32 v0, v5;
	v63 =	vadd.s32 v0, v2;
	[tilespmem:$0x1080] =	vst v62  }
0xcd: {  	v42 =	vld [tilespmem:$0x1B0];
	vm15 =	veq.s32 v2, $0x1;
	v2 =	vmul.u32 $0x186A0, v11;
	[tilespmem:$0x10A0] =	vst v34;
	v60 =	vadd.s32 v58, v59  }
0xce: {  	v29 =	vld [tilespmem:$0x960];
	v3 =	vsel vm15, $0x0, v3;
	v61 =	vmul.u32 $0x186A0, v48;
	[tilespmem:$0x10E0] =	vst v60;
	v35 =	vadd.s32 v0, v6  }
0xcf: {  	v37 =	vld [tilespmem:$0x1A0];
	[tilespmem:$0xCF0] =	vst v3;
	v2 =	vadd.s32 v2, v35  }
0xd0: {  	v40 =	vld [tilespmem:$0x5A0];
	vm4 =	veq.s32 v6, $0x1;
	v3 =	vmul.u32 $0x186A0, v15;
	v8 =	vadd.s32 v61, v63;
	[tilespmem:$0x1100] =	vst v2  }
0xd1: {  	v49 =	vld [tilespmem:$0x5C0];
	v38 =	vadd.s32 v0, v9;
	v2 =	vsel vm4, $0x0, v7;
	[tilespmem:$0x10F0] =	vst v8  }
0xd2: {  	v51 =	vld [tilespmem:$0x1D0];
	vm5 =	veq.s32 v9, $0x1;
	[tilespmem:$0xD00] =	vst v2;
	v2 =	vadd.s32 v3, v38;
	v3 =	vmul.u32 $0x186A0, v16  }
0xd3: {  	v54 =	vld [tilespmem:$0x5D0];
	v41 =	vadd.s32 v0, v14;
	[tilespmem:$0x1110] =	vst v2;
	v2 =	vsel vm5, $0x0, v13  }
0xd4: {  	v55 =	vld [tilespmem:$0x1E0];
	vm6 =	veq.s32 v14, $0x1;
	[tilespmem:$0xD10] =	vst v2;
	v2 =	vadd.s32 v3, v41;
	v3 =	vmul.u32 $0x186A0, v21  }
0xd5: {  	v31 =	vld [tilespmem:$0x170];
	v44 =	vadd.s32 v0, v19;
	[tilespmem:$0x1120] =	vst v2;
	v2 =	vsel vm6, $0x0, v17  }
0xd6: {  	v30 =	vld [tilespmem:$0x970];
	vm7 =	veq.s32 v19, $0x1;
	[tilespmem:$0xD20] =	vst v2;
	v2 =	vadd.s32 v3, v44;
	v3 =	vmul.u32 $0x186A0, v22  }
0xd7: {  	v5 =	vld [tilespmem:$0x990];
	v47 =	vadd.s32 v0, v20;
	[tilespmem:$0x1130] =	vst v2;
	v2 =	vsel vm7, $0x0, v18  }
0xd8: {  	v46 =	vld [tilespmem:$0x1C0];
	vm8 =	veq.s32 v20, $0x1;
	[tilespmem:$0xD30] =	vst v2;
	v2 =	vadd.s32 v3, v47;
	v3 =	vmul.u32 $0x186A0, v27  }
0xd9: {  	v50 =	vadd.s32 v0, v25;
	v62 =	vld [tilespmem:$0x580];
	[tilespmem:$0x1140] =	vst v2;
	v2 =	vsel vm8, $0x0, v23  }
0xda: {  	vm9 =	veq.s32 v25, $0x1;
	v52 =	vld [tilespmem:$0x9D0];
	[tilespmem:$0xD40] =	vst v2;
	v2 =	vadd.s32 v3, v50;
	v3 =	vmul.u32 $0x186A0, v28  }
0xdb: {  	v57 =	vld [tilespmem:$0x9E0];
	v53 =	vadd.s32 v0, v26;
	[tilespmem:$0x1150] =	vst v2;
	v2 =	vsel vm9, $0x0, v24  }
0xdc: {  	v34 =	vld [tilespmem:$0x980];
	vm10 =	veq.s32 v26, $0x1;
	[tilespmem:$0xD50] =	vst v2;
	v2 =	vadd.s32 v3, v53;
	v3 =	vmul.u32 $0x186A0, v56  }
0xdd: {  	v58 =	vld [tilespmem:$0x5E0];
	v56 =	vadd.s32 v0, v31;
	[tilespmem:$0x1160] =	vst v2;
	v2 =	vsel vm10, $0x0, v29  }
0xde: {  	v48 =	vld [tilespmem:$0x9C0];
	vm11 =	veq.s32 v31, $0x1;
	[tilespmem:$0xD60] =	vst v2;
	v2 =	vadd.s32 v3, v56;
	v3 =	vmul.u32 $0x186A0, v62  }
0xdf: {  	v60 =	vld [tilespmem:$0x1F0];
	v59 =	vadd.s32 v0, v32;
	[tilespmem:$0x1170] =	vst v2;
	v2 =	vsel vm11, $0x0, v30  }
0xe0: {  	v26 =	vld [tilespmem:$0x200];
	vm12 =	veq.s32 v32, $0x1;
	[tilespmem:$0xD70] =	vst v2;
	v2 =	vadd.s32 v3, v59;
	v3 =	vmul.u32 $0x186A0, v36  }
0xe1: {  	v32 =	vld [tilespmem:$0xA10];
	v62 =	vadd.s32 v0, v12;
	[tilespmem:$0x1180] =	vst v2;
	v2 =	vsel vm12, $0x0, v34  }
0xe2: {  	vm13 =	veq.s32 v12, $0x1;
	v35 =	vld [tilespmem:$0x220];
	[tilespmem:$0xD80] =	vst v2;
	v2 =	vadd.s32 v3, v62;
	v3 =	vmul.u32 $0x186A0, v40  }
0xe3: {  	vm15 =	veq.s32 v42, $0x1;
	v61 =	vld [tilespmem:$0x9F0];
	v27 =	vadd.s32 v0, v37;
	[tilespmem:$0x1190] =	vst v2;
	v2 =	vsel vm13, $0x0, v5  }
0xe4: {  	v63 =	vld [tilespmem:$0x5F0];
	vm14 =	veq.s32 v37, $0x1;
	[tilespmem:$0xD90] =	vst v2;
	v2 =	vadd.s32 v3, v27;
	v3 =	vmul.u32 $0x186A0, v45  }
0xe5: {  	v33 =	vadd.s32 v0, v46;
	v38 =	vld [tilespmem:$0x620];
	v30 =	vadd.s32 v0, v42;
	[tilespmem:$0x11A0] =	vst v2;
	v2 =	vsel vm14, $0x0, v39  }
0xe6: {  	vm4 =	veq.s32 v46, $0x1;
	v46 =	vld [tilespmem:$0xA40];
	[tilespmem:$0xDA0] =	vst v2;
	v2 =	vadd.s32 v3, v30;
	v3 =	vmul.u32 $0x186A0, v49  }
0xe7: {  	v41 =	vld [tilespmem:$0xA30];
	[tilespmem:$0x11B0] =	vst v2;
	v2 =	vsel vm15, $0x0, v43  }
0xe8: {  	v44 =	vld [tilespmem:$0x240];
	[tilespmem:$0xDB0] =	vst v2;
	v2 =	vadd.s32 v3, v33;
	v3 =	vmul.u32 $0x186A0, v54  }
0xe9: {  	v29 =	vld [tilespmem:$0x600];
	v36 =	vadd.s32 v0, v51;
	[tilespmem:$0x11C0] =	vst v2;
	v2 =	vsel vm4, $0x0, v48  }
0xea: {  	vm5 =	veq.s32 v51, $0x1;
	v28 =	vld [tilespmem:$0xA00];
	[tilespmem:$0xDC0] =	vst v2;
	v2 =	vadd.s32 v3, v36;
	v3 =	vmul.u32 $0x186A0, v58  }
0xeb: {  	v34 =	vld [tilespmem:$0x610];
	v39 =	vadd.s32 v0, v55;
	[tilespmem:$0x11D0] =	vst v2;
	v2 =	vsel vm5, $0x0, v52  }
0xec: {  	vm6 =	veq.s32 v55, $0x1;
	v31 =	vld [tilespmem:$0x210];
	[tilespmem:$0xDD0] =	vst v2;
	v2 =	vadd.s32 v3, v39;
	v3 =	vmul.u32 $0x186A0, v63  }
0xed: {  	v37 =	vld [tilespmem:$0xA20];
	v42 =	vadd.s32 v0, v60;
	[tilespmem:$0x11E0] =	vst v2;
	v2 =	vsel vm6, $0x0, v57  }
0xee: {  	vm7 =	veq.s32 v60, $0x1;
	v47 =	vld [tilespmem:$0x640];
	[tilespmem:$0xDE0] =	vst v2;
	v2 =	vadd.s32 v3, v42;
	v3 =	vmul.u32 $0x186A0, v29  }
0xef: {  	v45 =	vadd.s32 v0, v26;
	v43 =	vld [tilespmem:$0x630];
	[tilespmem:$0x11F0] =	vst v2;
	v2 =	vsel vm7, $0x0, v61  }
0xf0: {  	vm8 =	veq.s32 v26, $0x1;
	v40 =	vld [tilespmem:$0x230];
	[tilespmem:$0xDF0] =	vst v2;
	v2 =	vadd.s32 v3, v45;
	v3 =	vmul.u32 $0x186A0, v34  }
0xf1: {  	v50 =	vld [tilespmem:$0xA50];
	v48 =	vadd.s32 v0, v31;
	[tilespmem:$0x1200] =	vst v2;
	v2 =	vsel vm8, $0x0, v28  }
0xf2: {  	v53 =	vld [tilespmem:$0x260];
	vm9 =	veq.s32 v31, $0x1;
	[tilespmem:$0xE00] =	vst v2;
	v2 =	vadd.s32 v3, v48;
	v3 =	vmul.u32 $0x186A0, v38  }
0xf3: {  	v51 =	vadd.s32 v0, v35;
	v52 =	vld [tilespmem:$0x650];
	[tilespmem:$0x1210] =	vst v2;
	v2 =	vsel vm9, $0x0, v32  }
0xf4: {  	vm10 =	veq.s32 v35, $0x1;
	v49 =	vld [tilespmem:$0x250];
	[tilespmem:$0xE10] =	vst v2;
	v2 =	vadd.s32 v3, v51;
	v3 =	vmul.u32 $0x186A0, v43  }
0xf5: {  	v55 =	vld [tilespmem:$0x660];
	v54 =	vadd.s32 v0, v40;
	[tilespmem:$0x1220] =	vst v2;
	v2 =	vsel vm10, $0x0, v37  }
0xf6: {  	v56 =	vld [tilespmem:$0xA60];
	vm11 =	veq.s32 v40, $0x1;
	[tilespmem:$0xE20] =	vst v2;
	v2 =	vadd.s32 v3, v54;
	v3 =	vmul.u32 $0x186A0, v47  }
0xf7: {  	v58 =	vld [tilespmem:$0x670];
	v57 =	vadd.s32 v0, v44;
	[tilespmem:$0x1230] =	vst v2;
	v2 =	vsel vm11, $0x0, v41  }
0xf8: {  	v59 =	vld [tilespmem:$0x270];
	vm12 =	veq.s32 v44, $0x1;
	[tilespmem:$0xE30] =	vst v2;
	v2 =	vadd.s32 v3, v57;
	v3 =	vmul.u32 $0x186A0, v52  }
0xf9: {  	v60 =	vadd.s32 v0, v49;
	[tilespmem:$0x1240] =	vst v2;
	v2 =	vsel vm12, $0x0, v46  }
0xfa: {  	vm13 =	veq.s32 v49, $0x1;
	v61 =	vld [tilespmem:$0xA70];
	[tilespmem:$0xE40] =	vst v2;
	v2 =	vadd.s32 v3, v60;
	v3 =	vmul.u32 $0x186A0, v55  }
0xfb: {  	v62 =	vadd.s32 v0, v53;
	[tilespmem:$0x1250] =	vst v2;
	v2 =	vsel vm13, $0x0, v50  }
0xfc: {  	vm14 =	veq.s32 v53, $0x1;
	[tilespmem:$0xE50] =	vst v2;
	v2 =	vadd.s32 v3, v62;
	v3 =	vmul.u32 $0x186A0, v58  }
0xfd: {  	v63 =	vadd.s32 v0, v59;
	[tilespmem:$0x1260] =	vst v2;
	v2 =	vsel vm14, $0x0, v56  }
0xfe: {  	vm15 =	veq.s32 v59, $0x1;
	[tilespmem:$0xE60] =	vst v2;
	v2 =	vadd.s32 v3, v63  }
0xff: {  	[tilespmem:$0x1270] =	vst v2;
	v2 =	vsel vm15, $0x0, v61  }
0x100: {  	[tilespmem:$0xE70] =	vst v2  }
0x101: {  	_ =	swait.ge [sflag:s17], $0x186A0  }
0x102: {  	[sflag:s17] =	ssyncset.done $0x0  }
0x103: {  	[sflag:s17] =	ssyncadd.s32 $0xFFFE7960  }
0x104: {  	_ =	swait.ge [sflag:s17], $0x186A0  }
0x105: {  	[sflag:s17] =	ssyncset.done $0x0  }
0x106: {  	[sflag:s17] =	ssyncadd.s32 $0xFFFE7960  }
0x107: {  	_ =	swait.ge [sflag:s17], $0x186A0  }
0x108: {  	[sflag:s17] =	ssyncset.done $0x0  }
0x109: {  	[sflag:s17] =	ssyncadd.s32 $0xFFFE7960  }
0x10a: {  	_ =	swait.ge [sflag:s17], $0x186A0  }
0x10b: {  	[sflag:s17] =	ssyncset.done $0x0  }
0x10c: {  	[sflag:s17] =	ssyncadd.s32 $0xFFFE7960  }
0x10d: {  	_ =	swait.ge [sflag:s17], $0x186A0  }
0x10e: {  	[sflag:s17] =	ssyncset.done $0x0  }
0x10f: {  	[sflag:s17] =	ssyncadd.s32 $0xFFFE7960  }
0x110: {  	_ =	swait.ge [sflag:s17], $0x186A0  }
0x111: {  	[sflag:s17] =	ssyncset.done $0x0  }
0x112: {  	[sflag:s17] =	ssyncadd.s32 $0xFFFE7960  }
0x113: {  	_ =	swait.ge [sflag:s17], $0x186A0  }
0x114: {  	[sflag:s17] =	ssyncset.done $0x0  }
0x115: {  	[sflag:s17] =	ssyncadd.s32 $0xFFFE7960  }
0x116: {  	_ =	swait.ge [sflag:s17], $0x186A0  }
0x117: {  	[sflag:s17] =	ssyncset.done $0x0  }
0x118: {  	[sflag:s17] =	ssyncadd.s32 $0xFFFE7960  }
0x119: {  	_ =	swait.ge [sflag:s17], $0x186A0  }
0x11a: {  	[sflag:s17] =	ssyncset.done $0x0  }
0x11b: {  	[sflag:s17] =	ssyncadd.s32 $0xFFFE7960  }
0x11c: {  	_ =	swait.ge [sflag:s17], $0x186A0  }
0x11d: {  	[sflag:s17] =	ssyncset.done $0x0  }
0x11e: {  	[sflag:s17] =	ssyncadd.s32 $0xFFFE7960  }
0x11f: {  	_ =	swait.ge [sflag:s17], $0x186A0  }
0x120: {  	[sflag:s17] =	ssyncset.done $0x0  }
0x121: {  	[sflag:s17] =	ssyncadd.s32 $0xFFFE7960  }
0x122: {  	_ =	swait.ge [sflag:s17], $0x186A0  }
0x123: {  	[sflag:s17] =	ssyncset.done $0x0  }
0x124: {  	[sflag:s17] =	ssyncadd.s32 $0xFFFE7960  }
0x125: {  	_ =	swait.ge [sflag:s17], $0x186A0  }
0x126: {  	[sflag:s17] =	ssyncset.done $0x0  }
0x127: {  	[sflag:s17] =	ssyncadd.s32 $0xFFFE7960  }
0x128: {  	_ =	swait.ge [sflag:s17], $0x186A0  }
0x129: {  	[sflag:s17] =	ssyncset.done $0x0  }
0x12a: {  	[sflag:s17] =	ssyncadd.s32 $0xFFFE7960  }
0x12b: {  	_ =	swait.ge [sflag:s17], $0x186A0  }
0x12c: {  	[sflag:s17] =	ssyncset.done $0x0  }
0x12d: {  	[sflag:s17] =	ssyncadd.s32 $0xFFFE7960  }
0x12e: {  	_ =	swait.ge [sflag:s17], $0x186A0  }
0x12f: {  	[sflag:s17] =	ssyncset.done $0x0  }
0x130: {  	[sflag:s17] =	ssyncadd.s32 $0xFFFE7960  }
0x131: {  	_ =	swait.ge [sflag:s17], $0x186A0  }
0x132: {  	[sflag:s17] =	ssyncset.done $0x0  }
0x133: {  	[sflag:s17] =	ssyncadd.s32 $0xFFFE7960  }
0x134: {  	_ =	swait.ge [sflag:s17], $0x186A0  }
0x135: {  	[sflag:s17] =	ssyncset.done $0x0  }
0x136: {  	[sflag:s17] =	ssyncadd.s32 $0xFFFE7960  }
0x137: {  	_ =	swait.ge [sflag:s17], $0x186A0  }
0x138: {  	[sflag:s17] =	ssyncset.done $0x0  }
0x139: {  	[sflag:s17] =	ssyncadd.s32 $0xFFFE7960  }
0x13a: {  	_ =	swait.ge [sflag:s17], $0x186A0  }
0x13b: {  	[sflag:s17] =	ssyncset.done $0x0  }
0x13c: {  	[sflag:s17] =	ssyncadd.s32 $0xFFFE7960  }
0x13d: {  	_ =	swait.ge [sflag:s17], $0x186A0  }
0x13e: {  	[sflag:s17] =	ssyncset.done $0x0  }
0x13f: {  	[sflag:s17] =	ssyncadd.s32 $0xFFFE7960  }
0x140: {  	_ =	swait.ge [sflag:s17], $0x186A0  }
0x141: {  	[sflag:s17] =	ssyncset.done $0x0  }
0x142: {  	[sflag:s17] =	ssyncadd.s32 $0xFFFE7960  }
0x143: {  	_ =	swait.ge [sflag:s17], $0x186A0  }
0x144: {  	[sflag:s17] =	ssyncset.done $0x0  }
0x145: {  	[sflag:s17] =	ssyncadd.s32 $0xFFFE7960  }
0x146: {  	_ =	swait.ge [sflag:s17], $0x186A0  }
0x147: {  	[sflag:s17] =	ssyncset.done $0x0  }
0x148: {  	[sflag:s17] =	ssyncadd.s32 $0xFFFE7960  }
0x149: {  	_ =	swait.ge [sflag:s17], $0x186A0  }
0x14a: {  	[sflag:s17] =	ssyncset.done $0x0  }
0x14b: {  	[sflag:s17] =	ssyncadd.s32 $0xFFFE7960  }
0x14c: {  	_ =	swait.ge [sflag:s17], $0x186A0  }
0x14d: {  	[sflag:s17] =	ssyncset.done $0x0  }
0x14e: {  	[sflag:s17] =	ssyncadd.s32 $0xFFFE7960  }
0x14f: {  	_ =	swait.ge [sflag:s17], $0x186A0  }
0x150: {  	[sflag:s17] =	ssyncset.done $0x0  }
0x151: {  	[sflag:s17] =	ssyncadd.s32 $0xFFFE7960  }
0x152: {  	_ =	swait.ge [sflag:s17], $0x186A0  }
0x153: {  	[sflag:s17] =	ssyncset.done $0x0  }
0x154: {  	[sflag:s17] =	ssyncadd.s32 $0xFFFE7960  }
0x155: {  	_ =	swait.ge [sflag:s17], $0x186A0  }
0x156: {  	[sflag:s17] =	ssyncset.done $0x0  }
0x157: {  	[sflag:s17] =	ssyncadd.s32 $0xFFFE7960  }
0x158: {  	_ =	swait.ge [sflag:s17], $0x186A0  }
0x159: {  	[sflag:s17] =	ssyncset.done $0x0  }
0x15a: {  	[sflag:s17] =	ssyncadd.s32 $0xFFFE7960  }
0x15b: {  	_ =	swait.ge [sflag:s17], $0x186A0  }
0x15c: {  	[sflag:s17] =	ssyncset.done $0x0  }
0x15d: {  	[sflag:s17] =	ssyncadd.s32 $0xFFFE7960  }
0x15e: {  	_ =	swait.ge [sflag:s17], $0x186A0  }
0x15f: {  	[sflag:s17] =	ssyncset.done $0x0  }
0x160: {  	s20 =	simm.s32 $0x1000;
	s21 =	simm.s32 $0xC00;
	[sflag:s17] =	ssyncadd.s32 $0xFFFE7960  }
0x161: {  	[hbm4b:s4+s14] =	stream.indirect.scatter [tilespmem:s21], [sflag:$0x3], $0x1, s20, s14, $0xb8;
	[tilespmem:$0x19B00] =	vst v63  }
0x162: {  	s20 =	simm.s32 $0x1080;
	s21 =	simm.s32 $0xC80  }
0x163: {  	[hbm4b:s4+s14] =	stream.indirect.scatter [tilespmem:s21], [sflag:$0x3], $0x1, s20, s14, $0xb8;
	[tilespmem:$0x19B00] =	vst v63  }
0x164: {  	s20 =	simm.s32 $0x1100;
	s21 =	simm.s32 $0xD00  }
0x165: {  	[hbm4b:s4+s14] =	stream.indirect.scatter [tilespmem:s21], [sflag:$0x3], $0x1, s20, s14, $0xb8;
	[tilespmem:$0x19B00] =	vst v63  }
0x166: {  	s20 =	simm.s32 $0x1180;
	s21 =	simm.s32 $0xD80  }
0x167: {  	[hbm4b:s4+s14] =	stream.indirect.scatter [tilespmem:s21], [sflag:$0x3], $0x1, s20, s14, $0xb8;
	[tilespmem:$0x19B00] =	vst v63  }
0x168: {  	s20 =	simm.s32 $0x1200;
	s21 =	simm.s32 $0xE00  }
0x169: {  	[hbm4b:s4+s14] =	stream.indirect.scatter [tilespmem:s21], [sflag:$0x3], $0x1, s20, s14, $0xb8;
	[tilespmem:$0x19B00] =	vst v63  }
0x16a: {  	_ =	swait.ge [sflag:s18], $0x80  }
0x16b: {  	[sflag:s18] =	ssyncset.done $0x0  }
0x16c: {  	[sflag:s18] =	ssyncadd.s32 $0xFFFFFF80  }
0x16d: {  	_ =	swait.ge [sflag:s18], $0x80  }
0x16e: {  	[sflag:s18] =	ssyncset.done $0x0  }
0x16f: {  	[sflag:s18] =	ssyncadd.s32 $0xFFFFFF80  }
0x170: {  	_ =	swait.ge [sflag:s18], $0x80  }
0x171: {  	[sflag:s18] =	ssyncset.done $0x0  }
0x172: {  	s19 =	sadd.s32 $0x1, s19;
	[sflag:s18] =	ssyncadd.s32 $0xFFFFFF80  }
0x173: {  	p0 =	sne.s32 s19, s24;
	_ =	swait.ge [sflag:s18], $0x80  }
.Ltmp1:
0x174: {  	[sflag:s18] =	ssyncset.done $0x0;
	(pc) =	sbr.rel @p0 .LBB2_1-.Ltmp1, $4  }
0x175: {  	[sflag:s18] =	ssyncadd.s32 $0xFFFFFF80  }
0x176: {  	_ =	swait.ge [sflag:s18], $0x80  }
0x177: {  	[sflag:s18] =	ssyncset.done $0x0  }
0x178: {  	[sflag:s18] =	ssyncadd.s32 $0xFFFFFF80  }
0x179: {  	_ =	sfence.sel $0x180000  }
0x17a: {  	[bflag:$0x0] =	sbarrier.arrive $0xFFFF  }
0x17b: {  	_ =	strace $0x90000047  }
0x17c: {  	s0 =	stileid.u32;
	[bflag:$0x2] =	sbarrier.arrive $0xFFFF  }
0x17d: {  	p0 =	sne.s32 s0, $0x0;
	s0 =	rddreg [dreg:$0x4]  }
0x17e: {  	s0 =	sadd.s32 @!p0 $0x100000, s0  }
0x17f: {  	[sflag:s0] =	ssyncadd.tile.s32 @!p0 $0x1;
	_ =	shalt  }
.Lfunc_end2:
_tile_overlayer_lowered:
.L_overlay_start_2:
0x180: {  	(tag) =	ssettag $0x2  }
0x181: {  	s0 =	rddreg [dreg:$0x0];
	s2 =	stileid.u32  }
0x182: {  	s1 =	rddreg [dreg:$0x1];
	p0 =	sne.s32 s2, $0x0  }
0x183: {  	s3 =	rddreg [dreg:$0x2];
	[bflag:$0x3] =	sbarrier.arrive $0xFFFF;
	s2 =	simm.s32 @!p0 $0x1C04  }
0x184: {  	[timem:s3], [sflag:s2] =	dma.local @!p0 [hbm:s0], s1  }
0x185: {  	s0 =	simm.s32 @!p0 $0x4  }
0x186: {  	_ =	swait.ge @!p0 [sflag:s0], s1  }
0x187: {  	s1 =	ssub.s32 @!p0 $0x0, s1;
	[sflag:s0] =	ssyncset.done @!p0 $0x0  }
0x188: {  	[sflag:s0] =	ssyncadd.s32 @!p0 s1  }
0x189: {  	[bflag:$0x3] =	sbarrier.arrive $0xFFFF  }
0x18a: {  	_ =	shalt  }

</sc_bundles>
